<compile_context>
chip_gen: v7x
topology: tpu7x:2x2x1
jax: 0.10.2.dev20260603
libtpu: 0.0.44.dev20260713+nightly
codegen_flags: <defaults>
</compile_context>

<pallas_src>
import jax
import jax.numpy as jnp
from jax import lax
from jax.experimental import pallas as pl
from jax.experimental.pallas import tpu as pltpu
from jax.experimental.pallas import tpu_sc as plsc

D_MODEL = 768
NUM_EXPERTS = 64
N_TOKENS = 128
E_BLK = 2
N_STEPS = NUM_EXPERTS // E_BLK
LANES = 16
N_WORKERS = N_TOKENS // LANES


def _logits_kernel(x_ref, gate_ref, out_ref):
    out_ref[...] = jax.lax.dot_general(
        gate_ref[...], x_ref[...], (((1,), (1,)), ((), ())),
        preferred_element_type=jnp.float32)


def _route_sc_kernel(lg_hbm, i1_hbm, i2_hbm, p1_hbm, p2_hbm,
                     lg_v, i1_v, i2_v, p1_v, p2_v, sem):
    wid = lax.axis_index("s") * 2 + lax.axis_index("c")

    @pl.when(wid < N_WORKERS)
    def _():
        pltpu.async_copy(lg_hbm, lg_v, sem).wait()
        off = wid * LANES
        neg = jnp.full((LANES,), -jnp.inf, jnp.float32)
        m1 = neg
        i1 = jnp.zeros((LANES,), jnp.int32)
        for e in range(NUM_EXPERTS):
            v = lg_v[pl.ds(e * N_TOKENS + off, LANES)]
            gt = v > m1
            m1 = jnp.where(gt, v, m1)
            i1 = jnp.where(gt, jnp.full((LANES,), e, jnp.int32), i1)
        m2 = neg
        i2 = jnp.zeros((LANES,), jnp.int32)
        for e in range(NUM_EXPERTS):
            v = lg_v[pl.ds(e * N_TOKENS + off, LANES)]
            v = jnp.where(i1 == e, neg, v)
            gt = v > m2
            m2 = jnp.where(gt, v, m2)
            i2 = jnp.where(gt, jnp.full((LANES,), e, jnp.int32), i2)
        t = jnp.exp(m2 - m1)
        i1_v[...] = i1
        i2_v[...] = i2
        p1_v[...] = 1.0 / (1.0 + t)
        p2_v[...] = t / (1.0 + t)
        pltpu.sync_copy(i1_v, i1_hbm.at[pl.ds(off, LANES)])
        pltpu.sync_copy(i2_v, i2_hbm.at[pl.ds(off, LANES)])
        pltpu.sync_copy(p1_v, p1_hbm.at[pl.ds(off, LANES)])
        pltpu.sync_copy(p2_v, p2_hbm.at[pl.ds(off, LANES)])


def _route(logits_t):
    kern = pl.kernel(
        _route_sc_kernel,
        out_type=(jax.ShapeDtypeStruct((N_TOKENS,), jnp.int32),
                  jax.ShapeDtypeStruct((N_TOKENS,), jnp.int32),
                  jax.ShapeDtypeStruct((N_TOKENS,), jnp.float32),
                  jax.ShapeDtypeStruct((N_TOKENS,), jnp.float32)),
        mesh=plsc.VectorSubcoreMesh(core_axis_name="c", subcore_axis_name="s"),
        scratch_types=[pltpu.VMEM((NUM_EXPERTS * N_TOKENS,), jnp.float32),
                       pltpu.VMEM((LANES,), jnp.int32),
                       pltpu.VMEM((LANES,), jnp.int32),
                       pltpu.VMEM((LANES,), jnp.float32),
                       pltpu.VMEM((LANES,), jnp.float32),
                       pltpu.SemaphoreType.DMA],
    )
    return kern(logits_t.reshape(NUM_EXPERTS * N_TOKENS))


def _moe_kernel(x_ref, w1_ref, b1_ref, w2_ref, b2_ref,
                i1_ref, i2_ref, p1_ref, p2_ref, out_ref, acc_ref):
    s = pl.program_id(0)

    @pl.when(s == 0)
    def _init():
        acc_ref[...] = jnp.zeros_like(acc_ref)

    xb = x_ref[...].astype(jnp.bfloat16)
    contrib = acc_ref[...]
    for k in range(E_BLK):
        e = s * E_BLK + k
        w1 = w1_ref[k].astype(jnp.bfloat16)
        h = jax.lax.dot_general(xb, w1, (((1,), (0,)), ((), ())),
                                preferred_element_type=jnp.float32)
        h += b1_ref[k, 0]
        h = h * 0.5 * (1.0 + jax.lax.erf(h * 0.7071067811865476))
        w2 = w2_ref[k].astype(jnp.bfloat16)
        o = jax.lax.dot_general(h.astype(jnp.bfloat16), w2,
                                (((1,), (0,)), ((), ())),
                                preferred_element_type=jnp.float32)
        o += b2_ref[k, 0]
        wcol = (jnp.where(i1_ref[...] == e, p1_ref[...], 0.0)
                + jnp.where(i2_ref[...] == e, p2_ref[...], 0.0))
        contrib += o * wcol
    acc_ref[...] = contrib

    @pl.when(s == N_STEPS - 1)
    def _write():
        out_ref[...] = contrib


@jax.jit
def kernel(x, gate_w, w1, b1, w2, b2):
    Bs, Ts, D = x.shape
    x_flat = x.reshape(-1, D)
    logits_t = pl.pallas_call(
        _logits_kernel,
        out_shape=jax.ShapeDtypeStruct((NUM_EXPERTS, N_TOKENS), jnp.float32),
    )(x_flat, gate_w)
    i1, i2, p1, p2 = _route(logits_t)
    out = pl.pallas_call(
        _moe_kernel,
        grid=(N_STEPS,),
        in_specs=[
            pl.BlockSpec((N_TOKENS, D_MODEL), lambda s: (0, 0)),
            pl.BlockSpec((E_BLK, D_MODEL, D_MODEL), lambda s: (s, 0, 0)),
            pl.BlockSpec((E_BLK, 1, D_MODEL), lambda s: (s, 0, 0)),
            pl.BlockSpec((E_BLK, D_MODEL, D_MODEL), lambda s: (s, 0, 0)),
            pl.BlockSpec((E_BLK, 1, D_MODEL), lambda s: (s, 0, 0)),
            pl.BlockSpec((N_TOKENS, 1), lambda s: (0, 0)),
            pl.BlockSpec((N_TOKENS, 1), lambda s: (0, 0)),
            pl.BlockSpec((N_TOKENS, 1), lambda s: (0, 0)),
            pl.BlockSpec((N_TOKENS, 1), lambda s: (0, 0)),
        ],
        out_specs=pl.BlockSpec((N_TOKENS, D_MODEL), lambda s: (0, 0)),
        out_shape=jax.ShapeDtypeStruct((N_TOKENS, D_MODEL), jnp.float32),
        scratch_shapes=[pltpu.VMEM((N_TOKENS, D_MODEL), jnp.float32)],
    )(x_flat, w1, b1[:, None, :], w2, b2[:, None, :],
      i1[:, None], i2[:, None], p1[:, None], p2[:, None])
    return out.reshape(Bs, Ts, D)

# --- scband reference (transcript-rebuilt; emitter-appended) ---
"""Pipeline reference for scband-mixture-of-experts-7464653160759 (READ-ONLY COPY).

The authoritative reference and input builder live on the scoring server;
editing this copy changes nothing except your own understanding.
"""

import jax, jax.numpy as jnp
import numpy as np

D_MODEL = 768
M = 1
NUM_EXPERTS = 64
TOP_K = 2
B, T = 8, 16


def setup_inputs(seed: int = 0) -> dict:
    key = jax.random.key(seed)
    k_x, k_g, k_w1, k_w2 = jax.random.split(key, 4)
    d_ff = D_MODEL * M
    x = jax.random.normal(k_x, (B, T, D_MODEL), dtype=jnp.float32)
    # nn.Linear(d_model, num_experts, bias=False): weight shape (E, D)
    bound = 1.0 / np.sqrt(D_MODEL)
    gate_w = jax.random.uniform(k_g, (NUM_EXPERTS, D_MODEL), dtype=jnp.float32, minval=-bound, maxval=bound)
    w1 = 0.02 * jax.random.normal(k_w1, (NUM_EXPERTS, D_MODEL, d_ff), dtype=jnp.float32)
    b1 = jnp.zeros((NUM_EXPERTS, d_ff), dtype=jnp.float32)
    w2 = 0.02 * jax.random.normal(k_w2, (NUM_EXPERTS, d_ff, D_MODEL), dtype=jnp.float32)
    b2 = jnp.zeros((NUM_EXPERTS, D_MODEL), dtype=jnp.float32)
    return {"x": x, "gate_w": gate_w, "w1": w1, "b1": b1, "w2": w2, "b2": b2}


def reference(x, gate_w, w1, b1, w2, b2):
    Bs, Ts, D = x.shape
    # gate
    logits = jnp.einsum('btd,ed->bte', x, gate_w)
    top_vals, top_idx = jax.lax.top_k(logits, TOP_K)
    top_w = jax.nn.softmax(top_vals, axis=-1)
    # dispatch
    x_flat = x.reshape(-1, D)
    N = x_flat.shape[0]
    flat_idx = top_idx.reshape(N * TOP_K)
    w1g = jnp.take(w1, flat_idx, axis=0)
    b1g = jnp.take(b1, flat_idx, axis=0)
    w2g = jnp.take(w2, flat_idx, axis=0)
    b2g = jnp.take(b2, flat_idx, axis=0)
    x_rep = jnp.broadcast_to(x_flat[:, None, :], (N, TOP_K, D)).reshape(N * TOP_K, D)
    h = jnp.einsum('nd,ndf->nf', x_rep, w1g) + b1g
    h = jax.nn.gelu(h, approximate=False)
    expert_out = jnp.einsum('nf,nfd->nd', h, w2g) + b2g
    expert_out = expert_out.reshape(N, TOP_K, D)
    weights = top_w.reshape(N, TOP_K, 1)
    output = (expert_out * weights).sum(axis=1)
    return output.reshape(Bs, Ts, D)

if __name__ == "__main__":
    import jax
    _d = setup_inputs()
    print(jax.jit(kernel)(*tuple(_d.values())))

</pallas_src>

<mosaic_0001>
#map = affine_map<(d0, d1) -> (0)>
module attributes {stable_mosaic.version = 14 : i64} {
  func.func @_route_sc_kernel(%arg0: i32, %arg1: i32, %arg2: memref<8192xf32, #tpu.memory_space<hbm>>, %arg3: memref<128xi32, #tpu.memory_space<hbm>>, %arg4: memref<128xi32, #tpu.memory_space<hbm>>, %arg5: memref<128xf32, #tpu.memory_space<hbm>>, %arg6: memref<128xf32, #tpu.memory_space<hbm>>, %arg7: memref<8192xf32, #tpu.memory_space<vmem>>, %arg8: memref<16xi32, #tpu.memory_space<vmem>>, %arg9: memref<16xi32, #tpu.memory_space<vmem>>, %arg10: memref<16xf32, #tpu.memory_space<vmem>>, %arg11: memref<16xf32, #tpu.memory_space<vmem>>, %arg12: memref<!tpu.dma_semaphore, #tpu.memory_space<semaphore_mem>>) attributes {dimension_semantics = [#tpu.dimension_semantics<core_parallel>, #tpu.dimension_semantics<subcore_parallel>], iteration_bounds = array<i64: 2, 16>, scalar_prefetch = 0 : i64, scratch_operands = 6 : i64, tpu.core_type = #tpu.core_type<sc_vector_subcore>, window_params = [{transform_indices = #map}, {transform_indices = #map}, {transform_indices = #map}, {transform_indices = #map}, {transform_indices = #map}]} {
    %mul3A = arith.constant 2 : i32
    %mul3A_0 = arith.muli %arg1, %mul3A : i32
    %add3A = arith.addi %mul3A_0, %arg0 : i32
    %lt3A = arith.constant 8 : i32
    %lt3A_1 = arith.cmpi slt, %add3A, %lt3A : i32
    %convert_element_type3A = arith.extui %lt3A_1 : i1 to i32
    %cond3A = arith.constant 0 : i32
    %cond3A_2 = arith.cmpi ne, %convert_element_type3A, %cond3A : i32
    scf.if %cond3A_2 {
      tpu.enqueue_dma source(%arg2 : memref<8192xf32, #tpu.memory_space<hbm>>) target(%arg7 : memref<8192xf32, #tpu.memory_space<vmem>>) target_semaphore(%arg12 : memref<!tpu.dma_semaphore, #tpu.memory_space<semaphore_mem>>)
      tpu.wait_dma2 semaphore(%arg12 : memref<!tpu.dma_semaphore, #tpu.memory_space<semaphore_mem>>) src(%arg2 : memref<8192xf32, #tpu.memory_space<hbm>>) dst(%arg7 : memref<8192xf32, #tpu.memory_space<vmem>>)
      %mul3A_3 = arith.constant 16 : i32
      %mul3A_4 = arith.muli %add3A, %mul3A_3 : i32
      %broadcast_in_dim3A = arith.constant 0xFF800000 : f32
      %broadcast_in_dim3A_5 = vector.broadcast %broadcast_in_dim3A : f32 to vector<16xf32>
      %broadcast_in_dim3A_6 = arith.constant 0 : i32
      %broadcast_in_dim3A_7 = vector.broadcast %broadcast_in_dim3A_6 : i32 to vector<16xi32>
      %add3A_8 = arith.constant 0 : i32
      %add3A_9 = arith.addi %add3A_8, %mul3A_4 : i32
      %get3A = arith.index_cast %add3A_9 : i32 to index
      %get3A_10 = tpu.vector_load %arg7[%get3A] {strides = array<i32>} : memref<8192xf32, #tpu.memory_space<vmem>>, vector<16xf32>,
      %get3A_11 = vector.shape_cast %get3A_10 : vector<16xf32> to vector<16xf32>
      %gt3A = arith.cmpf ogt, %get3A_11, %broadcast_in_dim3A_5 : vector<16xf32>
      %select_n3A = arith.select %gt3A, %get3A_11, %broadcast_in_dim3A_5 : vector<16xi1>, vector<16xf32>
      %broadcast_in_dim3A_12 = arith.constant 0 : i32
      %broadcast_in_dim3A_13 = vector.broadcast %broadcast_in_dim3A_12 : i32 to vector<16xi32>
      %select_n3A_14 = arith.select %gt3A, %broadcast_in_dim3A_13, %broadcast_in_dim3A_7 : vector<16xi1>, vector<16xi32>
      %add3A_15 = arith.constant 128 : i32
      %add3A_16 = arith.addi %add3A_15, %mul3A_4 : i32
      %get3A_17 = arith.index_cast %add3A_16 : i32 to index
      %get3A_18 = tpu.vector_load %arg7[%get3A_17] {strides = array<i32>} : memref<8192xf32, #tpu.memory_space<vmem>>, vector<16xf32>,
      %get3A_19 = vector.shape_cast %get3A_18 : vector<16xf32> to vector<16xf32>
      %gt3A_20 = arith.cmpf ogt, %get3A_19, %select_n3A : vector<16xf32>
      %select_n3A_21 = arith.select %gt3A_20, %get3A_19, %select_n3A : vector<16xi1>, vector<16xf32>
      %broadcast_in_dim3A_22 = arith.constant 1 : i32
      %broadcast_in_dim3A_23 = vector.broadcast %broadcast_in_dim3A_22 : i32 to vector<16xi32>
      %select_n3A_24 = arith.select %gt3A_20, %broadcast_in_dim3A_23, %select_n3A_14 : vector<16xi1>, vector<16xi32>
      %add3A_25 = arith.constant 256 : i32
      %add3A_26 = arith.addi %add3A_25, %mul3A_4 : i32
      %get3A_27 = arith.index_cast %add3A_26 : i32 to index
      %get3A_28 = tpu.vector_load %arg7[%get3A_27] {strides = array<i32>} : memref<8192xf32, #tpu.memory_space<vmem>>, vector<16xf32>,
      %get3A_29 = vector.shape_cast %get3A_28 : vector<16xf32> to vector<16xf32>
      %gt3A_30 = arith.cmpf ogt, %get3A_29, %select_n3A_21 : vector<16xf32>
      %select_n3A_31 = arith.select %gt3A_30, %get3A_29, %select_n3A_21 : vector<16xi1>, vector<16xf32>
      %broadcast_in_dim3A_32 = arith.constant 2 : i32
      %broadcast_in_dim3A_33 = vector.broadcast %broadcast_in_dim3A_32 : i32 to vector<16xi32>
      %select_n3A_34 = arith.select %gt3A_30, %broadcast_in_dim3A_33, %select_n3A_24 : vector<16xi1>, vector<16xi32>
      %add3A_35 = arith.constant 384 : i32
      %add3A_36 = arith.addi %add3A_35, %mul3A_4 : i32
      %get3A_37 = arith.index_cast %add3A_36 : i32 to index
      %get3A_38 = tpu.vector_load %arg7[%get3A_37] {strides = array<i32>} : memref<8192xf32, #tpu.memory_space<vmem>>, vector<16xf32>,
      %get3A_39 = vector.shape_cast %get3A_38 : vector<16xf32> to vector<16xf32>
      %gt3A_40 = arith.cmpf ogt, %get3A_39, %select_n3A_31 : vector<16xf32>
      %select_n3A_41 = arith.select %gt3A_40, %get3A_39, %select_n3A_31 : vector<16xi1>, vector<16xf32>
      %broadcast_in_dim3A_42 = arith.constant 3 : i32
      %broadcast_in_dim3A_43 = vector.broadcast %broadcast_in_dim3A_42 : i32 to vector<16xi32>
      %select_n3A_44 = arith.select %gt3A_40, %broadcast_in_dim3A_43, %select_n3A_34 : vector<16xi1>, vector<16xi32>
      %add3A_45 = arith.constant 512 : i32
      %add3A_46 = arith.addi %add3A_45, %mul3A_4 : i32
      %get3A_47 = arith.index_cast %add3A_46 : i32 to index
      %get3A_48 = tpu.vector_load %arg7[%get3A_47] {strides = array<i32>} : memref<8192xf32, #tpu.memory_space<vmem>>, vector<16xf32>,
      %get3A_49 = vector.shape_cast %get3A_48 : vector<16xf32> to vector<16xf32>
      %gt3A_50 = arith.cmpf ogt, %get3A_49, %select_n3A_41 : vector<16xf32>
      %select_n3A_51 = arith.select %gt3A_50, %get3A_49, %select_n3A_41 : vector<16xi1>, vector<16xf32>
      %broadcast_in_dim3A_52 = arith.constant 4 : i32
      %broadcast_in_dim3A_53 = vector.broadcast %broadcast_in_dim3A_52 : i32 to vector<16xi32>
      %select_n3A_54 = arith.select %gt3A_50, %broadcast_in_dim3A_53, %select_n3A_44 : vector<16xi1>, vector<16xi32>
      %add3A_55 = arith.constant 640 : i32
      %add3A_56 = arith.addi %add3A_55, %mul3A_4 : i32
      %get3A_57 = arith.index_cast %add3A_56 : i32 to index
      %get3A_58 = tpu.vector_load %arg7[%get3A_57] {strides = array<i32>} : memref<8192xf32, #tpu.memory_space<vmem>>, vector<16xf32>,
      %get3A_59 = vector.shape_cast %get3A_58 : vector<16xf32> to vector<16xf32>
      %gt3A_60 = arith.cmpf ogt, %get3A_59, %select_n3A_51 : vector<16xf32>
      %select_n3A_61 = arith.select %gt3A_60, %get3A_59, %select_n3A_51 : vector<16xi1>, vector<16xf32>
      %broadcast_in_dim3A_62 = arith.constant 5 : i32
      %broadcast_in_dim3A_63 = vector.broadcast %broadcast_in_dim3A_62 : i32 to vector<16xi32>
      %select_n3A_64 = arith.select %gt3A_60, %broadcast_in_dim3A_63, %select_n3A_54 : vector<16xi1>, vector<16xi32>
      %add3A_65 = arith.constant 768 : i32
      %add3A_66 = arith.addi %add3A_65, %mul3A_4 : i32
      %get3A_67 = arith.index_cast %add3A_66 : i32 to index
      %get3A_68 = tpu.vector_load %arg7[%get3A_67] {strides = array<i32>} : memref<8192xf32, #tpu.memory_space<vmem>>, vector<16xf32>,
      %get3A_69 = vector.shape_cast %get3A_68 : vector<16xf32> to vector<16xf32>
      %gt3A_70 = arith.cmpf ogt, %get3A_69, %select_n3A_61 : vector<16xf32>
      %select_n3A_71 = arith.select %gt3A_70, %get3A_69, %select_n3A_61 : vector<16xi1>, vector<16xf32>
      %broadcast_in_dim3A_72 = arith.constant 6 : i32
      %broadcast_in_dim3A_73 = vector.broadcast %broadcast_in_dim3A_72 : i32 to vector<16xi32>
      %select_n3A_74 = arith.select %gt3A_70, %broadcast_in_dim3A_73, %select_n3A_64 : vector<16xi1>, vector<16xi32>
      %add3A_75 = arith.constant 896 : i32
      %add3A_76 = arith.addi %add3A_75, %mul3A_4 : i32
      %get3A_77 = arith.index_cast %add3A_76 : i32 to index
      %get3A_78 = tpu.vector_load %arg7[%get3A_77] {strides = array<i32>} : memref<8192xf32, #tpu.memory_space<vmem>>, vector<16xf32>,
      %get3A_79 = vector.shape_cast %get3A_78 : vector<16xf32> to vector<16xf32>
      %gt3A_80 = arith.cmpf ogt, %get3A_79, %select_n3A_71 : vector<16xf32>
      %select_n3A_81 = arith.select %gt3A_80, %get3A_79, %select_n3A_71 : vector<16xi1>, vector<16xf32>
      %broadcast_in_dim3A_82 = arith.constant 7 : i32
      %broadcast_in_dim3A_83 = vector.broadcast %broadcast_in_dim3A_82 : i32 to vector<16xi32>
      %select_n3A_84 = arith.select %gt3A_80, %broadcast_in_dim3A_83, %select_n3A_74 : vector<16xi1>, vector<16xi32>
      %add3A_85 = arith.constant 1024 : i32
      %add3A_86 = arith.addi %add3A_85, %mul3A_4 : i32
      %get3A_87 = arith.index_cast %add3A_86 : i32 to index
      %get3A_88 = tpu.vector_load %arg7[%get3A_87] {strides = array<i32>} : memref<8192xf32, #tpu.memory_space<vmem>>, vector<16xf32>,
      %get3A_89 = vector.shape_cast %get3A_88 : vector<16xf32> to vector<16xf32>
      %gt3A_90 = arith.cmpf ogt, %get3A_89, %select_n3A_81 : vector<16xf32>
      %select_n3A_91 = arith.select %gt3A_90, %get3A_89, %select_n3A_81 : vector<16xi1>, vector<16xf32>
      %broadcast_in_dim3A_92 = arith.constant 8 : i32
      %broadcast_in_dim3A_93 = vector.broadcast %broadcast_in_dim3A_92 : i32 to vector<16xi32>
      %select_n3A_94 = arith.select %gt3A_90, %broadcast_in_dim3A_93, %select_n3A_84 : vector<16xi1>, vector<16xi32>
      %add3A_95 = arith.constant 1152 : i32
      %add3A_96 = arith.addi %add3A_95, %mul3A_4 : i32
      %get3A_97 = arith.index_cast %add3A_96 : i32 to index
      %get3A_98 = tpu.vector_load %arg7[%get3A_97] {strides = array<i32>} : memref<8192xf32, #tpu.memory_space<vmem>>, vector<16xf32>,
      %get3A_99 = vector.shape_cast %get3A_98 : vector<16xf32> to vector<16xf32>
      %gt3A_100 = arith.cmpf ogt, %get3A_99, %select_n3A_91 : vector<16xf32>
      %select_n3A_101 = arith.select %gt3A_100, %get3A_99, %select_n3A_91 : vector<16xi1>, vector<16xf32>
      %broadcast_in_dim3A_102 = arith.constant 9 : i32
      %broadcast_in_dim3A_103 = vector.broadcast %broadcast_in_dim3A_102 : i32 to vector<16xi32>
      %select_n3A_104 = arith.select %gt3A_100, %broadcast_in_dim3A_103, %select_n3A_94 : vector<16xi1>, vector<16xi32>
      %add3A_105 = arith.constant 1280 : i32
      %add3A_106 = arith.addi %add3A_105, %mul3A_4 : i32
      %get3A_107 = arith.index_cast %add3A_106 : i32 to index
      %get3A_108 = tpu.vector_load %arg7[%get3A_107] {strides = array<i32>} : memref<8192xf32, #tpu.memory_space<vmem>>, vector<16xf32>,
      %get3A_109 = vector.shape_cast %get3A_108 : vector<16xf32> to vector<16xf32>
      %gt3A_110 = arith.cmpf ogt, %get3A_109, %select_n3A_101 : vector<16xf32>
      %select_n3A_111 = arith.select %gt3A_110, %get3A_109, %select_n3A_101 : vector<16xi1>, vector<16xf32>
      %broadcast_in_dim3A_112 = arith.constant 10 : i32
      %broadcast_in_dim3A_113 = vector.broadcast %broadcast_in_dim3A_112 : i32 to vector<16xi32>
      %select_n3A_114 = arith.select %gt3A_110, %broadcast_in_dim3A_113, %select_n3A_104 : vector<16xi1>, vector<16xi32>
      %add3A_115 = arith.constant 1408 : i32
      %add3A_116 = arith.addi %add3A_115, %mul3A_4 : i32
      %get3A_117 = arith.index_cast %add3A_116 : i32 to index
      %get3A_118 = tpu.vector_load %arg7[%get3A_117] {strides = array<i32>} : memref<8192xf32, #tpu.memory_space<vmem>>, vector<16xf32>,
      %get3A_119 = vector.shape_cast %get3A_118 : vector<16xf32> to vector<16xf32>
      %gt3A_120 = arith.cmpf ogt, %get3A_119, %select_n3A_111 : vector<16xf32>
      %select_n3A_121 = arith.select %gt3A_120, %get3A_119, %select_n3A_111 : vector<16xi1>, vector<16xf32>
      %broadcast_in_dim3A_122 = arith.constant 11 : i32
      %broadcast_in_dim3A_123 = vector.broadcast %broadcast_in_dim3A_122 : i32 to vector<16xi32>
      %select_n3A_124 = arith.select %gt3A_120, %broadcast_in_dim3A_123, %select_n3A_114 : vector<16xi1>, vector<16xi32>
      %add3A_125 = arith.constant 1536 : i32
      %add3A_126 = arith.addi %add3A_125, %mul3A_4 : i32
      %get3A_127 = arith.index_cast %add3A_126 : i32 to index
      %get3A_128 = tpu.vector_load %arg7[%get3A_127] {strides = array<i32>} : memref<8192xf32, #tpu.memory_space<vmem>>, vector<16xf32>,
      %get3A_129 = vector.shape_cast %get3A_128 : vector<16xf32> to vector<16xf32>
      %gt3A_130 = arith.cmpf ogt, %get3A_129, %select_n3A_121 : vector<16xf32>
      %select_n3A_131 = arith.select %gt3A_130, %get3A_129, %select_n3A_121 : vector<16xi1>, vector<16xf32>
      %broadcast_in_dim3A_132 = arith.constant 12 : i32
      %broadcast_in_dim3A_133 = vector.broadcast %broadcast_in_dim3A_132 : i32 to vector<16xi32>
      %select_n3A_134 = arith.select %gt3A_130, %broadcast_in_dim3A_133, %select_n3A_124 : vector<16xi1>, vector<16xi32>
      %add3A_135 = arith.constant 1664 : i32
      %add3A_136 = arith.addi %add3A_135, %mul3A_4 : i32
      %get3A_137 = arith.index_cast %add3A_136 : i32 to index
      %get3A_138 = tpu.vector_load %arg7[%get3A_137] {strides = array<i32>} : memref<8192xf32, #tpu.memory_space<vmem>>, vector<16xf32>,
      %get3A_139 = vector.shape_cast %get3A_138 : vector<16xf32> to vector<16xf32>
      %gt3A_140 = arith.cmpf ogt, %get3A_139, %select_n3A_131 : vector<16xf32>
      %select_n3A_141 = arith.select %gt3A_140, %get3A_139, %select_n3A_131 : vector<16xi1>, vector<16xf32>
      %broadcast_in_dim3A_142 = arith.constant 13 : i32
      %broadcast_in_dim3A_143 = vector.broadcast %broadcast_in_dim3A_142 : i32 to vector<16xi32>
      %select_n3A_144 = arith.select %gt3A_140, %broadcast_in_dim3A_143, %select_n3A_134 : vector<16xi1>, vector<16xi32>
      %add3A_145 = arith.constant 1792 : i32
      %add3A_146 = arith.addi %add3A_145, %mul3A_4 : i32
      %get3A_147 = arith.index_cast %add3A_146 : i32 to index
      %get3A_148 = tpu.vector_load %arg7[%get3A_147] {strides = array<i32>} : memref<8192xf32, #tpu.memory_space<vmem>>, vector<16xf32>,
      %get3A_149 = vector.shape_cast %get3A_148 : vector<16xf32> to vector<16xf32>
      %gt3A_150 = arith.cmpf ogt, %get3A_149, %select_n3A_141 : vector<16xf32>
      %select_n3A_151 = arith.select %gt3A_150, %get3A_149, %select_n3A_141 : vector<16xi1>, vector<16xf32>
      %broadcast_in_dim3A_152 = arith.constant 14 : i32
      %broadcast_in_dim3A_153 = vector.broadcast %broadcast_in_dim3A_152 : i32 to vector<16xi32>
      %select_n3A_154 = arith.select %gt3A_150, %broadcast_in_dim3A_153, %select_n3A_144 : vector<16xi1>, vector<16xi32>
      %add3A_155 = arith.constant 1920 : i32
      %add3A_156 = arith.addi %add3A_155, %mul3A_4 : i32
      %get3A_157 = arith.index_cast %add3A_156 : i32 to index
      %get3A_158 = tpu.vector_load %arg7[%get3A_157] {strides = array<i32>} : memref<8192xf32, #tpu.memory_space<vmem>>, vector<16xf32>,
      %get3A_159 = vector.shape_cast %get3A_158 : vector<16xf32> to vector<16xf32>
      %gt3A_160 = arith.cmpf ogt, %get3A_159, %select_n3A_151 : vector<16xf32>
      %select_n3A_161 = arith.select %gt3A_160, %get3A_159, %select_n3A_151 : vector<16xi1>, vector<16xf32>
      %broadcast_in_dim3A_162 = arith.constant 15 : i32
      %broadcast_in_dim3A_163 = vector.broadcast %broadcast_in_dim3A_162 : i32 to vector<16xi32>
      %select_n3A_164 = arith.select %gt3A_160, %broadcast_in_dim3A_163, %select_n3A_154 : vector<16xi1>, vector<16xi32>
      %add3A_165 = arith.constant 2048 : i32
      %add3A_166 = arith.addi %add3A_165, %mul3A_4 : i32
      %get3A_167 = arith.index_cast %add3A_166 : i32 to index
      %get3A_168 = tpu.vector_load %arg7[%get3A_167] {strides = array<i32>} : memref<8192xf32, #tpu.memory_space<vmem>>, vector<16xf32>,
      %get3A_169 = vector.shape_cast %get3A_168 : vector<16xf32> to vector<16xf32>
      %gt3A_170 = arith.cmpf ogt, %get3A_169, %select_n3A_161 : vector<16xf32>
      %select_n3A_171 = arith.select %gt3A_170, %get3A_169, %select_n3A_161 : vector<16xi1>, vector<16xf32>
      %broadcast_in_dim3A_172 = arith.constant 16 : i32
      %broadcast_in_dim3A_173 = vector.broadcast %broadcast_in_dim3A_172 : i32 to vector<16xi32>
      %select_n3A_174 = arith.select %gt3A_170, %broadcast_in_dim3A_173, %select_n3A_164 : vector<16xi1>, vector<16xi32>
      %add3A_175 = arith.constant 2176 : i32
      %add3A_176 = arith.addi %add3A_175, %mul3A_4 : i32
      %get3A_177 = arith.index_cast %add3A_176 : i32 to index
      %get3A_178 = tpu.vector_load %arg7[%get3A_177] {strides = array<i32>} : memref<8192xf32, #tpu.memory_space<vmem>>, vector<16xf32>,
      %get3A_179 = vector.shape_cast %get3A_178 : vector<16xf32> to vector<16xf32>
      %gt3A_180 = arith.cmpf ogt, %get3A_179, %select_n3A_171 : vector<16xf32>
      %select_n3A_181 = arith.select %gt3A_180, %get3A_179, %select_n3A_171 : vector<16xi1>, vector<16xf32>
      %broadcast_in_dim3A_182 = arith.constant 17 : i32
      %broadcast_in_dim3A_183 = vector.broadcast %broadcast_in_dim3A_182 : i32 to vector<16xi32>
      %select_n3A_184 = arith.select %gt3A_180, %broadcast_in_dim3A_183, %select_n3A_174 : vector<16xi1>, vector<16xi32>
      %add3A_185 = arith.constant 2304 : i32
      %add3A_186 = arith.addi %add3A_185, %mul3A_4 : i32
      %get3A_187 = arith.index_cast %add3A_186 : i32 to index
      %get3A_188 = tpu.vector_load %arg7[%get3A_187] {strides = array<i32>} : memref<8192xf32, #tpu.memory_space<vmem>>, vector<16xf32>,
      %get3A_189 = vector.shape_cast %get3A_188 : vector<16xf32> to vector<16xf32>
      %gt3A_190 = arith.cmpf ogt, %get3A_189, %select_n3A_181 : vector<16xf32>
      %select_n3A_191 = arith.select %gt3A_190, %get3A_189, %select_n3A_181 : vector<16xi1>, vector<16xf32>
      %broadcast_in_dim3A_192 = arith.constant 18 : i32
      %broadcast_in_dim3A_193 = vector.broadcast %broadcast_in_dim3A_192 : i32 to vector<16xi32>
      %select_n3A_194 = arith.select %gt3A_190, %broadcast_in_dim3A_193, %select_n3A_184 : vector<16xi1>, vector<16xi32>
      %add3A_195 = arith.constant 2432 : i32
      %add3A_196 = arith.addi %add3A_195, %mul3A_4 : i32
      %get3A_197 = arith.index_cast %add3A_196 : i32 to index
      %get3A_198 = tpu.vector_load %arg7[%get3A_197] {strides = array<i32>} : memref<8192xf32, #tpu.memory_space<vmem>>, vector<16xf32>,
      %get3A_199 = vector.shape_cast %get3A_198 : vector<16xf32> to vector<16xf32>
      %gt3A_200 = arith.cmpf ogt, %get3A_199, %select_n3A_191 : vector<16xf32>
      %select_n3A_201 = arith.select %gt3A_200, %get3A_199, %select_n3A_191 : vector<16xi1>, vector<16xf32>
      %broadcast_in_dim3A_202 = arith.constant 19 : i32
      %broadcast_in_dim3A_203 = vector.broadcast %broadcast_in_dim3A_202 : i32 to vector<16xi32>
      %select_n3A_204 = arith.select %gt3A_200, %broadcast_in_dim3A_203, %select_n3A_194 : vector<16xi1>, vector<16xi32>
      %add3A_205 = arith.constant 2560 : i32
      %add3A_206 = arith.addi %add3A_205, %mul3A_4 : i32
      %get3A_207 = arith.index_cast %add3A_206 : i32 to index
      %get3A_208 = tpu.vector_load %arg7[%get3A_207] {strides = array<i32>} : memref<8192xf32, #tpu.memory_space<vmem>>, vector<16xf32>,
      %get3A_209 = vector.shape_cast %get3A_208 : vector<16xf32> to vector<16xf32>
      %gt3A_210 = arith.cmpf ogt, %get3A_209, %select_n3A_201 : vector<16xf32>
      %select_n3A_211 = arith.select %gt3A_210, %get3A_209, %select_n3A_201 : vector<16xi1>, vector<16xf32>
      %broadcast_in_dim3A_212 = arith.constant 20 : i32
      %broadcast_in_dim3A_213 = vector.broadcast %broadcast_in_dim3A_212 : i32 to vector<16xi32>
      %select_n3A_214 = arith.select %gt3A_210, %broadcast_in_dim3A_213, %select_n3A_204 : vector<16xi1>, vector<16xi32>
      %add3A_215 = arith.constant 2688 : i32
      %add3A_216 = arith.addi %add3A_215, %mul3A_4 : i32
      %get3A_217 = arith.index_cast %add3A_216 : i32 to index
      %get3A_218 = tpu.vector_load %arg7[%get3A_217] {strides = array<i32>} : memref<8192xf32, #tpu.memory_space<vmem>>, vector<16xf32>,
      %get3A_219 = vector.shape_cast %get3A_218 : vector<16xf32> to vector<16xf32>
      %gt3A_220 = arith.cmpf ogt, %get3A_219, %select_n3A_211 : vector<16xf32>
      %select_n3A_221 = arith.select %gt3A_220, %get3A_219, %select_n3A_211 : vector<16xi1>, vector<16xf32>
      %broadcast_in_dim3A_222 = arith.constant 21 : i32
      %broadcast_in_dim3A_223 = vector.broadcast %broadcast_in_dim3A_222 : i32 to vector<16xi32>
      %select_n3A_224 = arith.select %gt3A_220, %broadcast_in_dim3A_223, %select_n3A_214 : vector<16xi1>, vector<16xi32>
      %add3A_225 = arith.constant 2816 : i32
      %add3A_226 = arith.addi %add3A_225, %mul3A_4 : i32
      %get3A_227 = arith.index_cast %add3A_226 : i32 to index
      %get3A_228 = tpu.vector_load %arg7[%get3A_227] {strides = array<i32>} : memref<8192xf32, #tpu.memory_space<vmem>>, vector<16xf32>,
      %get3A_229 = vector.shape_cast %get3A_228 : vector<16xf32> to vector<16xf32>
      %gt3A_230 = arith.cmpf ogt, %get3A_229, %select_n3A_221 : vector<16xf32>
      %select_n3A_231 = arith.select %gt3A_230, %get3A_229, %select_n3A_221 : vector<16xi1>, vector<16xf32>
      %broadcast_in_dim3A_232 = arith.constant 22 : i32
      %broadcast_in_dim3A_233 = vector.broadcast %broadcast_in_dim3A_232 : i32 to vector<16xi32>
      %select_n3A_234 = arith.select %gt3A_230, %broadcast_in_dim3A_233, %select_n3A_224 : vector<16xi1>, vector<16xi32>
      %add3A_235 = arith.constant 2944 : i32
      %add3A_236 = arith.addi %add3A_235, %mul3A_4 : i32
      %get3A_237 = arith.index_cast %add3A_236 : i32 to index
      %get3A_238 = tpu.vector_load %arg7[%get3A_237] {strides = array<i32>} : memref<8192xf32, #tpu.memory_space<vmem>>, vector<16xf32>,
      %get3A_239 = vector.shape_cast %get3A_238 : vector<16xf32> to vector<16xf32>
      %gt3A_240 = arith.cmpf ogt, %get3A_239, %select_n3A_231 : vector<16xf32>
      %select_n3A_241 = arith.select %gt3A_240, %get3A_239, %select_n3A_231 : vector<16xi1>, vector<16xf32>
      %broadcast_in_dim3A_242 = arith.constant 23 : i32
      %broadcast_in_dim3A_243 = vector.broadcast %broadcast_in_dim3A_242 : i32 to vector<16xi32>
      %select_n3A_244 = arith.select %gt3A_240, %broadcast_in_dim3A_243, %select_n3A_234 : vector<16xi1>, vector<16xi32>
      %add3A_245 = arith.constant 3072 : i32
      %add3A_246 = arith.addi %add3A_245, %mul3A_4 : i32
      %get3A_247 = arith.index_cast %add3A_246 : i32 to index
      %get3A_248 = tpu.vector_load %arg7[%get3A_247] {strides = array<i32>} : memref<8192xf32, #tpu.memory_space<vmem>>, vector<16xf32>,
      %get3A_249 = vector.shape_cast %get3A_248 : vector<16xf32> to vector<16xf32>
      %gt3A_250 = arith.cmpf ogt, %get3A_249, %select_n3A_241 : vector<16xf32>
      %select_n3A_251 = arith.select %gt3A_250, %get3A_249, %select_n3A_241 : vector<16xi1>, vector<16xf32>
      %broadcast_in_dim3A_252 = arith.constant 24 : i32
      %broadcast_in_dim3A_253 = vector.broadcast %broadcast_in_dim3A_252 : i32 to vector<16xi32>
      %select_n3A_254 = arith.select %gt3A_250, %broadcast_in_dim3A_253, %select_n3A_244 : vector<16xi1>, vector<16xi32>
      %add3A_255 = arith.constant 3200 : i32
      %add3A_256 = arith.addi %add3A_255, %mul3A_4 : i32
      %get3A_257 = arith.index_cast %add3A_256 : i32 to index
      %get3A_258 = tpu.vector_load %arg7[%get3A_257] {strides = array<i32>} : memref<8192xf32, #tpu.memory_space<vmem>>, vector<16xf32>,
      %get3A_259 = vector.shape_cast %get3A_258 : vector<16xf32> to vector<16xf32>
      %gt3A_260 = arith.cmpf ogt, %get3A_259, %select_n3A_251 : vector<16xf32>
      %select_n3A_261 = arith.select %gt3A_260, %get3A_259, %select_n3A_251 : vector<16xi1>, vector<16xf32>
      %broadcast_in_dim3A_262 = arith.constant 25 : i32
      %broadcast_in_dim3A_263 = vector.broadcast %broadcast_in_dim3A_262 : i32 to vector<16xi32>
      %select_n3A_264 = arith.select %gt3A_260, %broadcast_in_dim3A_263, %select_n3A_254 : vector<16xi1>, vector<16xi32>
      %add3A_265 = arith.constant 3328 : i32
      %add3A_266 = arith.addi %add3A_265, %mul3A_4 : i32
      %get3A_267 = arith.index_cast %add3A_266 : i32 to index
      %get3A_268 = tpu.vector_load %arg7[%get3A_267] {strides = array<i32>} : memref<8192xf32, #tpu.memory_space<vmem>>, vector<16xf32>,
      %get3A_269 = vector.shape_cast %get3A_268 : vector<16xf32> to vector<16xf32>
      %gt3A_270 = arith.cmpf ogt, %get3A_269, %select_n3A_261 : vector<16xf32>
      %select_n3A_271 = arith.select %gt3A_270, %get3A_269, %select_n3A_261 : vector<16xi1>, vector<16xf32>
      %broadcast_in_dim3A_272 = arith.constant 26 : i32
      %broadcast_in_dim3A_273 = vector.broadcast %broadcast_in_dim3A_272 : i32 to vector<16xi32>
      %select_n3A_274 = arith.select %gt3A_270, %broadcast_in_dim3A_273, %select_n3A_264 : vector<16xi1>, vector<16xi32>
      %add3A_275 = arith.constant 3456 : i32
      %add3A_276 = arith.addi %add3A_275, %mul3A_4 : i32
      %get3A_277 = arith.index_cast %add3A_276 : i32 to index
      %get3A_278 = tpu.vector_load %arg7[%get3A_277] {strides = array<i32>} : memref<8192xf32, #tpu.memory_space<vmem>>, vector<16xf32>,
      %get3A_279 = vector.shape_cast %get3A_278 : vector<16xf32> to vector<16xf32>
      %gt3A_280 = arith.cmpf ogt, %get3A_279, %select_n3A_271 : vector<16xf32>
      %select_n3A_281 = arith.select %gt3A_280, %get3A_279, %select_n3A_271 : vector<16xi1>, vector<16xf32>
      %broadcast_in_dim3A_282 = arith.constant 27 : i32
      %broadcast_in_dim3A_283 = vector.broadcast %broadcast_in_dim3A_282 : i32 to vector<16xi32>
      %select_n3A_284 = arith.select %gt3A_280, %broadcast_in_dim3A_283, %select_n3A_274 : vector<16xi1>, vector<16xi32>
      %add3A_285 = arith.constant 3584 : i32
      %add3A_286 = arith.addi %add3A_285, %mul3A_4 : i32
      %get3A_287 = arith.index_cast %add3A_286 : i32 to index
      %get3A_288 = tpu.vector_load %arg7[%get3A_287] {strides = array<i32>} : memref<8192xf32, #tpu.memory_space<vmem>>, vector<16xf32>,
      %get3A_289 = vector.shape_cast %get3A_288 : vector<16xf32> to vector<16xf32>
      %gt3A_290 = arith.cmpf ogt, %get3A_289, %select_n3A_281 : vector<16xf32>
      %select_n3A_291 = arith.select %gt3A_290, %get3A_289, %select_n3A_281 : vector<16xi1>, vector<16xf32>
      %broadcast_in_dim3A_292 = arith.constant 28 : i32
      %broadcast_in_dim3A_293 = vector.broadcast %broadcast_in_dim3A_292 : i32 to vector<16xi32>
      %select_n3A_294 = arith.select %gt3A_290, %broadcast_in_dim3A_293, %select_n3A_284 : vector<16xi1>, vector<16xi32>
      %add3A_295 = arith.constant 3712 : i32
      %add3A_296 = arith.addi %add3A_295, %mul3A_4 : i32
      %get3A_297 = arith.index_cast %add3A_296 : i32 to index
      %get3A_298 = tpu.vector_load %arg7[%get3A_297] {strides = array<i32>} : memref<8192xf32, #tpu.memory_space<vmem>>, vector<16xf32>,
      %get3A_299 = vector.shape_cast %get3A_298 : vector<16xf32> to vector<16xf32>
      %gt3A_300 = arith.cmpf ogt, %get3A_299, %select_n3A_291 : vector<16xf32>
      %select_n3A_301 = arith.select %gt3A_300, %get3A_299, %select_n3A_291 : vector<16xi1>, vector<16xf32>
      %broadcast_in_dim3A_302 = arith.constant 29 : i32
      %broadcast_in_dim3A_303 = vector.broadcast %broadcast_in_dim3A_302 : i32 to vector<16xi32>
      %select_n3A_304 = arith.select %gt3A_300, %broadcast_in_dim3A_303, %select_n3A_294 : vector<16xi1>, vector<16xi32>
      %add3A_305 = arith.constant 3840 : i32
      %add3A_306 = arith.addi %add3A_305, %mul3A_4 : i32
      %get3A_307 = arith.index_cast %add3A_306 : i32 to index
      %get3A_308 = tpu.vector_load %arg7[%get3A_307] {strides = array<i32>} : memref<8192xf32, #tpu.memory_space<vmem>>, vector<16xf32>,
      %get3A_309 = vector.shape_cast %get3A_308 : vector<16xf32> to vector<16xf32>
      %gt3A_310 = arith.cmpf ogt, %get3A_309, %select_n3A_301 : vector<16xf32>
      %select_n3A_311 = arith.select %gt3A_310, %get3A_309, %select_n3A_301 : vector<16xi1>, vector<16xf32>
      %broadcast_in_dim3A_312 = arith.constant 30 : i32
      %broadcast_in_dim3A_313 = vector.broadcast %broadcast_in_dim3A_312 : i32 to vector<16xi32>
      %select_n3A_314 = arith.select %gt3A_310, %broadcast_in_dim3A_313, %select_n3A_304 : vector<16xi1>, vector<16xi32>
      %add3A_315 = arith.constant 3968 : i32
      %add3A_316 = arith.addi %add3A_315, %mul3A_4 : i32
      %get3A_317 = arith.index_cast %add3A_316 : i32 to index
      %get3A_318 = tpu.vector_load %arg7[%get3A_317] {strides = array<i32>} : memref<8192xf32, #tpu.memory_space<vmem>>, vector<16xf32>,
      %get3A_319 = vector.shape_cast %get3A_318 : vector<16xf32> to vector<16xf32>
      %gt3A_320 = arith.cmpf ogt, %get3A_319, %select_n3A_311 : vector<16xf32>
      %select_n3A_321 = arith.select %gt3A_320, %get3A_319, %select_n3A_311 : vector<16xi1>, vector<16xf32>
      %broadcast_in_dim3A_322 = arith.constant 31 : i32
      %broadcast_in_dim3A_323 = vector.broadcast %broadcast_in_dim3A_322 : i32 to vector<16xi32>
      %select_n3A_324 = arith.select %gt3A_320, %broadcast_in_dim3A_323, %select_n3A_314 : vector<16xi1>, vector<16xi32>
      %add3A_325 = arith.constant 4096 : i32
      %add3A_326 = arith.addi %add3A_325, %mul3A_4 : i32
      %get3A_327 = arith.index_cast %add3A_326 : i32 to index
      %get3A_328 = tpu.vector_load %arg7[%get3A_327] {strides = array<i32>} : memref<8192xf32, #tpu.memory_space<vmem>>, vector<16xf32>,
      %get3A_329 = vector.shape_cast %get3A_328 : vector<16xf32> to vector<16xf32>
      %gt3A_330 = arith.cmpf ogt, %get3A_329, %select_n3A_321 : vector<16xf32>
      %select_n3A_331 = arith.select %gt3A_330, %get3A_329, %select_n3A_321 : vector<16xi1>, vector<16xf32>
      %broadcast_in_dim3A_332 = arith.constant 32 : i32
      %broadcast_in_dim3A_333 = vector.broadcast %broadcast_in_dim3A_332 : i32 to vector<16xi32>
      %select_n3A_334 = arith.select %gt3A_330, %broadcast_in_dim3A_333, %select_n3A_324 : vector<16xi1>, vector<16xi32>
      %add3A_335 = arith.constant 4224 : i32
      %add3A_336 = arith.addi %add3A_335, %mul3A_4 : i32
      %get3A_337 = arith.index_cast %add3A_336 : i32 to index
      %get3A_338 = tpu.vector_load %arg7[%get3A_337] {strides = array<i32>} : memref<8192xf32, #tpu.memory_space<vmem>>, vector<16xf32>,
      %get3A_339 = vector.shape_cast %get3A_338 : vector<16xf32> to vector<16xf32>
      %gt3A_340 = arith.cmpf ogt, %get3A_339, %select_n3A_331 : vector<16xf32>
      %select_n3A_341 = arith.select %gt3A_340, %get3A_339, %select_n3A_331 : vector<16xi1>, vector<16xf32>
      %broadcast_in_dim3A_342 = arith.constant 33 : i32
      %broadcast_in_dim3A_343 = vector.broadcast %broadcast_in_dim3A_342 : i32 to vector<16xi32>
      %select_n3A_344 = arith.select %gt3A_340, %broadcast_in_dim3A_343, %select_n3A_334 : vector<16xi1>, vector<16xi32>
      %add3A_345 = arith.constant 4352 : i32
      %add3A_346 = arith.addi %add3A_345, %mul3A_4 : i32
      %get3A_347 = arith.index_cast %add3A_346 : i32 to index
      %get3A_348 = tpu.vector_load %arg7[%get3A_347] {strides = array<i32>} : memref<8192xf32, #tpu.memory_space<vmem>>, vector<16xf32>,
      %get3A_349 = vector.shape_cast %get3A_348 : vector<16xf32> to vector<16xf32>
      %gt3A_350 = arith.cmpf ogt, %get3A_349, %select_n3A_341 : vector<16xf32>
      %select_n3A_351 = arith.select %gt3A_350, %get3A_349, %select_n3A_341 : vector<16xi1>, vector<16xf32>
      %broadcast_in_dim3A_352 = arith.constant 34 : i32
      %broadcast_in_dim3A_353 = vector.broadcast %broadcast_in_dim3A_352 : i32 to vector<16xi32>
      %select_n3A_354 = arith.select %gt3A_350, %broadcast_in_dim3A_353, %select_n3A_344 : vector<16xi1>, vector<16xi32>
      %add3A_355 = arith.constant 4480 : i32
      %add3A_356 = arith.addi %add3A_355, %mul3A_4 : i32
      %get3A_357 = arith.index_cast %add3A_356 : i32 to index
      %get3A_358 = tpu.vector_load %arg7[%get3A_357] {strides = array<i32>} : memref<8192xf32, #tpu.memory_space<vmem>>, vector<16xf32>,
      %get3A_359 = vector.shape_cast %get3A_358 : vector<16xf32> to vector<16xf32>
      %gt3A_360 = arith.cmpf ogt, %get3A_359, %select_n3A_351 : vector<16xf32>
      %select_n3A_361 = arith.select %gt3A_360, %get3A_359, %select_n3A_351 : vector<16xi1>, vector<16xf32>
      %broadcast_in_dim3A_362 = arith.constant 35 : i32
      %broadcast_in_dim3A_363 = vector.broadcast %broadcast_in_dim3A_362 : i32 to vector<16xi32>
      %select_n3A_364 = arith.select %gt3A_360, %broadcast_in_dim3A_363, %select_n3A_354 : vector<16xi1>, vector<16xi32>
      %add3A_365 = arith.constant 4608 : i32
      %add3A_366 = arith.addi %add3A_365, %mul3A_4 : i32
      %get3A_367 = arith.index_cast %add3A_366 : i32 to index
      %get3A_368 = tpu.vector_load %arg7[%get3A_367] {strides = array<i32>} : memref<8192xf32, #tpu.memory_space<vmem>>, vector<16xf32>,
      %get3A_369 = vector.shape_cast %get3A_368 : vector<16xf32> to vector<16xf32>
      %gt3A_370 = arith.cmpf ogt, %get3A_369, %select_n3A_361 : vector<16xf32>
      %select_n3A_371 = arith.select %gt3A_370, %get3A_369, %select_n3A_361 : vector<16xi1>, vector<16xf32>
      %broadcast_in_dim3A_372 = arith.constant 36 : i32
      %broadcast_in_dim3A_373 = vector.broadcast %broadcast_in_dim3A_372 : i32 to vector<16xi32>
      %select_n3A_374 = arith.select %gt3A_370, %broadcast_in_dim3A_373, %select_n3A_364 : vector<16xi1>, vector<16xi32>
      %add3A_375 = arith.constant 4736 : i32
      %add3A_376 = arith.addi %add3A_375, %mul3A_4 : i32
      %get3A_377 = arith.index_cast %add3A_376 : i32 to index
      %get3A_378 = tpu.vector_load %arg7[%get3A_377] {strides = array<i32>} : memref<8192xf32, #tpu.memory_space<vmem>>, vector<16xf32>,
      %get3A_379 = vector.shape_cast %get3A_378 : vector<16xf32> to vector<16xf32>
      %gt3A_380 = arith.cmpf ogt, %get3A_379, %select_n3A_371 : vector<16xf32>
      %select_n3A_381 = arith.select %gt3A_380, %get3A_379, %select_n3A_371 : vector<16xi1>, vector<16xf32>
      %broadcast_in_dim3A_382 = arith.constant 37 : i32
      %broadcast_in_dim3A_383 = vector.broadcast %broadcast_in_dim3A_382 : i32 to vector<16xi32>
      %select_n3A_384 = arith.select %gt3A_380, %broadcast_in_dim3A_383, %select_n3A_374 : vector<16xi1>, vector<16xi32>
      %add3A_385 = arith.constant 4864 : i32
      %add3A_386 = arith.addi %add3A_385, %mul3A_4 : i32
      %get3A_387 = arith.index_cast %add3A_386 : i32 to index
      %get3A_388 = tpu.vector_load %arg7[%get3A_387] {strides = array<i32>} : memref<8192xf32, #tpu.memory_space<vmem>>, vector<16xf32>,
      %get3A_389 = vector.shape_cast %get3A_388 : vector<16xf32> to vector<16xf32>
      %gt3A_390 = arith.cmpf ogt, %get3A_389, %select_n3A_381 : vector<16xf32>
      %select_n3A_391 = arith.select %gt3A_390, %get3A_389, %select_n3A_381 : vector<16xi1>, vector<16xf32>
      %broadcast_in_dim3A_392 = arith.constant 38 : i32
      %broadcast_in_dim3A_393 = vector.broadcast %broadcast_in_dim3A_392 : i32 to vector<16xi32>
      %select_n3A_394 = arith.select %gt3A_390, %broadcast_in_dim3A_393, %select_n3A_384 : vector<16xi1>, vector<16xi32>
      %add3A_395 = arith.constant 4992 : i32
      %add3A_396 = arith.addi %add3A_395, %mul3A_4 : i32
      %get3A_397 = arith.index_cast %add3A_396 : i32 to index
      %get3A_398 = tpu.vector_load %arg7[%get3A_397] {strides = array<i32>} : memref<8192xf32, #tpu.memory_space<vmem>>, vector<16xf32>,
      %get3A_399 = vector.shape_cast %get3A_398 : vector<16xf32> to vector<16xf32>
      %gt3A_400 = arith.cmpf ogt, %get3A_399, %select_n3A_391 : vector<16xf32>
      %select_n3A_401 = arith.select %gt3A_400, %get3A_399, %select_n3A_391 : vector<16xi1>, vector<16xf32>
      %broadcast_in_dim3A_402 = arith.constant 39 : i32
      %broadcast_in_dim3A_403 = vector.broadcast %broadcast_in_dim3A_402 : i32 to vector<16xi32>
      %select_n3A_404 = arith.select %gt3A_400, %broadcast_in_dim3A_403, %select_n3A_394 : vector<16xi1>, vector<16xi32>
      %add3A_405 = arith.constant 5120 : i32
      %add3A_406 = arith.addi %add3A_405, %mul3A_4 : i32
      %get3A_407 = arith.index_cast %add3A_406 : i32 to index
      %get3A_408 = tpu.vector_load %arg7[%get3A_407] {strides = array<i32>} : memref<8192xf32, #tpu.memory_space<vmem>>, vector<16xf32>,
      %get3A_409 = vector.shape_cast %get3A_408 : vector<16xf32> to vector<16xf32>
      %gt3A_410 = arith.cmpf ogt, %get3A_409, %select_n3A_401 : vector<16xf32>
      %select_n3A_411 = arith.select %gt3A_410, %get3A_409, %select_n3A_401 : vector<16xi1>, vector<16xf32>
      %broadcast_in_dim3A_412 = arith.constant 40 : i32
      %broadcast_in_dim3A_413 = vector.broadcast %broadcast_in_dim3A_412 : i32 to vector<16xi32>
      %select_n3A_414 = arith.select %gt3A_410, %broadcast_in_dim3A_413, %select_n3A_404 : vector<16xi1>, vector<16xi32>
      %add3A_415 = arith.constant 5248 : i32
      %add3A_416 = arith.addi %add3A_415, %mul3A_4 : i32
      %get3A_417 = arith.index_cast %add3A_416 : i32 to index
      %get3A_418 = tpu.vector_load %arg7[%get3A_417] {strides = array<i32>} : memref<8192xf32, #tpu.memory_space<vmem>>, vector<16xf32>,
      %get3A_419 = vector.shape_cast %get3A_418 : vector<16xf32> to vector<16xf32>
      %gt3A_420 = arith.cmpf ogt, %get3A_419, %select_n3A_411 : vector<16xf32>
      %select_n3A_421 = arith.select %gt3A_420, %get3A_419, %select_n3A_411 : vector<16xi1>, vector<16xf32>
      %broadcast_in_dim3A_422 = arith.constant 41 : i32
      %broadcast_in_dim3A_423 = vector.broadcast %broadcast_in_dim3A_422 : i32 to vector<16xi32>
      %select_n3A_424 = arith.select %gt3A_420, %broadcast_in_dim3A_423, %select_n3A_414 : vector<16xi1>, vector<16xi32>
      %add3A_425 = arith.constant 5376 : i32
      %add3A_426 = arith.addi %add3A_425, %mul3A_4 : i32
      %get3A_427 = arith.index_cast %add3A_426 : i32 to index
      %get3A_428 = tpu.vector_load %arg7[%get3A_427] {strides = array<i32>} : memref<8192xf32, #tpu.memory_space<vmem>>, vector<16xf32>,
      %get3A_429 = vector.shape_cast %get3A_428 : vector<16xf32> to vector<16xf32>
      %gt3A_430 = arith.cmpf ogt, %get3A_429, %select_n3A_421 : vector<16xf32>
      %select_n3A_431 = arith.select %gt3A_430, %get3A_429, %select_n3A_421 : vector<16xi1>, vector<16xf32>
      %broadcast_in_dim3A_432 = arith.constant 42 : i32
      %broadcast_in_dim3A_433 = vector.broadcast %broadcast_in_dim3A_432 : i32 to vector<16xi32>
      %select_n3A_434 = arith.select %gt3A_430, %broadcast_in_dim3A_433, %select_n3A_424 : vector<16xi1>, vector<16xi32>
      %add3A_435 = arith.constant 5504 : i32
      %add3A_436 = arith.addi %add3A_435, %mul3A_4 : i32
      %get3A_437 = arith.index_cast %add3A_436 : i32 to index
      %get3A_438 = tpu.vector_load %arg7[%get3A_437] {strides = array<i32>} : memref<8192xf32, #tpu.memory_space<vmem>>, vector<16xf32>,
      %get3A_439 = vector.shape_cast %get3A_438 : vector<16xf32> to vector<16xf32>
      %gt3A_440 = arith.cmpf ogt, %get3A_439, %select_n3A_431 : vector<16xf32>
      %select_n3A_441 = arith.select %gt3A_440, %get3A_439, %select_n3A_431 : vector<16xi1>, vector<16xf32>
      %broadcast_in_dim3A_442 = arith.constant 43 : i32
      %broadcast_in_dim3A_443 = vector.broadcast %broadcast_in_dim3A_442 : i32 to vector<16xi32>
      %select_n3A_444 = arith.select %gt3A_440, %broadcast_in_dim3A_443, %select_n3A_434 : vector<16xi1>, vector<16xi32>
      %add3A_445 = arith.constant 5632 : i32
      %add3A_446 = arith.addi %add3A_445, %mul3A_4 : i32
      %get3A_447 = arith.index_cast %add3A_446 : i32 to index
      %get3A_448 = tpu.vector_load %arg7[%get3A_447] {strides = array<i32>} : memref<8192xf32, #tpu.memory_space<vmem>>, vector<16xf32>,
      %get3A_449 = vector.shape_cast %get3A_448 : vector<16xf32> to vector<16xf32>
      %gt3A_450 = arith.cmpf ogt, %get3A_449, %select_n3A_441 : vector<16xf32>
      %select_n3A_451 = arith.select %gt3A_450, %get3A_449, %select_n3A_441 : vector<16xi1>, vector<16xf32>
      %broadcast_in_dim3A_452 = arith.constant 44 : i32
      %broadcast_in_dim3A_453 = vector.broadcast %broadcast_in_dim3A_452 : i32 to vector<16xi32>
      %select_n3A_454 = arith.select %gt3A_450, %broadcast_in_dim3A_453, %select_n3A_444 : vector<16xi1>, vector<16xi32>
      %add3A_455 = arith.constant 5760 : i32
      %add3A_456 = arith.addi %add3A_455, %mul3A_4 : i32
      %get3A_457 = arith.index_cast %add3A_456 : i32 to index
      %get3A_458 = tpu.vector_load %arg7[%get3A_457] {strides = array<i32>} : memref<8192xf32, #tpu.memory_space<vmem>>, vector<16xf32>,
      %get3A_459 = vector.shape_cast %get3A_458 : vector<16xf32> to vector<16xf32>
      %gt3A_460 = arith.cmpf ogt, %get3A_459, %select_n3A_451 : vector<16xf32>
      %select_n3A_461 = arith.select %gt3A_460, %get3A_459, %select_n3A_451 : vector<16xi1>, vector<16xf32>
      %broadcast_in_dim3A_462 = arith.constant 45 : i32
      %broadcast_in_dim3A_463 = vector.broadcast %broadcast_in_dim3A_462 : i32 to vector<16xi32>
      %select_n3A_464 = arith.select %gt3A_460, %broadcast_in_dim3A_463, %select_n3A_454 : vector<16xi1>, vector<16xi32>
      %add3A_465 = arith.constant 5888 : i32
      %add3A_466 = arith.addi %add3A_465, %mul3A_4 : i32
      %get3A_467 = arith.index_cast %add3A_466 : i32 to index
      %get3A_468 = tpu.vector_load %arg7[%get3A_467] {strides = array<i32>} : memref<8192xf32, #tpu.memory_space<vmem>>, vector<16xf32>,
      %get3A_469 = vector.shape_cast %get3A_468 : vector<16xf32> to vector<16xf32>
      %gt3A_470 = arith.cmpf ogt, %get3A_469, %select_n3A_461 : vector<16xf32>
      %select_n3A_471 = arith.select %gt3A_470, %get3A_469, %select_n3A_461 : vector<16xi1>, vector<16xf32>
      %broadcast_in_dim3A_472 = arith.constant 46 : i32
      %broadcast_in_dim3A_473 = vector.broadcast %broadcast_in_dim3A_472 : i32 to vector<16xi32>
      %select_n3A_474 = arith.select %gt3A_470, %broadcast_in_dim3A_473, %select_n3A_464 : vector<16xi1>, vector<16xi32>
      %add3A_475 = arith.constant 6016 : i32
      %add3A_476 = arith.addi %add3A_475, %mul3A_4 : i32
      %get3A_477 = arith.index_cast %add3A_476 : i32 to index
      %get3A_478 = tpu.vector_load %arg7[%get3A_477] {strides = array<i32>} : memref<8192xf32, #tpu.memory_space<vmem>>, vector<16xf32>,
      %get3A_479 = vector.shape_cast %get3A_478 : vector<16xf32> to vector<16xf32>
      %gt3A_480 = arith.cmpf ogt, %get3A_479, %select_n3A_471 : vector<16xf32>
      %select_n3A_481 = arith.select %gt3A_480, %get3A_479, %select_n3A_471 : vector<16xi1>, vector<16xf32>
      %broadcast_in_dim3A_482 = arith.constant 47 : i32
      %broadcast_in_dim3A_483 = vector.broadcast %broadcast_in_dim3A_482 : i32 to vector<16xi32>
      %select_n3A_484 = arith.select %gt3A_480, %broadcast_in_dim3A_483, %select_n3A_474 : vector<16xi1>, vector<16xi32>
      %add3A_485 = arith.constant 6144 : i32
      %add3A_486 = arith.addi %add3A_485, %mul3A_4 : i32
      %get3A_487 = arith.index_cast %add3A_486 : i32 to index
      %get3A_488 = tpu.vector_load %arg7[%get3A_487] {strides = array<i32>} : memref<8192xf32, #tpu.memory_space<vmem>>, vector<16xf32>,
      %get3A_489 = vector.shape_cast %get3A_488 : vector<16xf32> to vector<16xf32>
      %gt3A_490 = arith.cmpf ogt, %get3A_489, %select_n3A_481 : vector<16xf32>
      %select_n3A_491 = arith.select %gt3A_490, %get3A_489, %select_n3A_481 : vector<16xi1>, vector<16xf32>
      %broadcast_in_dim3A_492 = arith.constant 48 : i32
      %broadcast_in_dim3A_493 = vector.broadcast %broadcast_in_dim3A_492 : i32 to vector<16xi32>
      %select_n3A_494 = arith.select %gt3A_490, %broadcast_in_dim3A_493, %select_n3A_484 : vector<16xi1>, vector<16xi32>
      %add3A_495 = arith.constant 6272 : i32
      %add3A_496 = arith.addi %add3A_495, %mul3A_4 : i32
      %get3A_497 = arith.index_cast %add3A_496 : i32 to index
      %get3A_498 = tpu.vector_load %arg7[%get3A_497] {strides = array<i32>} : memref<8192xf32, #tpu.memory_space<vmem>>, vector<16xf32>,
      %get3A_499 = vector.shape_cast %get3A_498 : vector<16xf32> to vector<16xf32>
      %gt3A_500 = arith.cmpf ogt, %get3A_499, %select_n3A_491 : vector<16xf32>
      %select_n3A_501 = arith.select %gt3A_500, %get3A_499, %select_n3A_491 : vector<16xi1>, vector<16xf32>
      %broadcast_in_dim3A_502 = arith.constant 49 : i32
      %broadcast_in_dim3A_503 = vector.broadcast %broadcast_in_dim3A_502 : i32 to vector<16xi32>
      %select_n3A_504 = arith.select %gt3A_500, %broadcast_in_dim3A_503, %select_n3A_494 : vector<16xi1>, vector<16xi32>
      %add3A_505 = arith.constant 6400 : i32
      %add3A_506 = arith.addi %add3A_505, %mul3A_4 : i32
      %get3A_507 = arith.index_cast %add3A_506 : i32 to index
      %get3A_508 = tpu.vector_load %arg7[%get3A_507] {strides = array<i32>} : memref<8192xf32, #tpu.memory_space<vmem>>, vector<16xf32>,
      %get3A_509 = vector.shape_cast %get3A_508 : vector<16xf32> to vector<16xf32>
      %gt3A_510 = arith.cmpf ogt, %get3A_509, %select_n3A_501 : vector<16xf32>
      %select_n3A_511 = arith.select %gt3A_510, %get3A_509, %select_n3A_501 : vector<16xi1>, vector<16xf32>
      %broadcast_in_dim3A_512 = arith.constant 50 : i32
      %broadcast_in_dim3A_513 = vector.broadcast %broadcast_in_dim3A_512 : i32 to vector<16xi32>
      %select_n3A_514 = arith.select %gt3A_510, %broadcast_in_dim3A_513, %select_n3A_504 : vector<16xi1>, vector<16xi32>
      %add3A_515 = arith.constant 6528 : i32
      %add3A_516 = arith.addi %add3A_515, %mul3A_4 : i32
      %get3A_517 = arith.index_cast %add3A_516 : i32 to index
      %get3A_518 = tpu.vector_load %arg7[%get3A_517] {strides = array<i32>} : memref<8192xf32, #tpu.memory_space<vmem>>, vector<16xf32>,
      %get3A_519 = vector.shape_cast %get3A_518 : vector<16xf32> to vector<16xf32>
      %gt3A_520 = arith.cmpf ogt, %get3A_519, %select_n3A_511 : vector<16xf32>
      %select_n3A_521 = arith.select %gt3A_520, %get3A_519, %select_n3A_511 : vector<16xi1>, vector<16xf32>
      %broadcast_in_dim3A_522 = arith.constant 51 : i32
      %broadcast_in_dim3A_523 = vector.broadcast %broadcast_in_dim3A_522 : i32 to vector<16xi32>
      %select_n3A_524 = arith.select %gt3A_520, %broadcast_in_dim3A_523, %select_n3A_514 : vector<16xi1>, vector<16xi32>
      %add3A_525 = arith.constant 6656 : i32
      %add3A_526 = arith.addi %add3A_525, %mul3A_4 : i32
      %get3A_527 = arith.index_cast %add3A_526 : i32 to index
      %get3A_528 = tpu.vector_load %arg7[%get3A_527] {strides = array<i32>} : memref<8192xf32, #tpu.memory_space<vmem>>, vector<16xf32>,
      %get3A_529 = vector.shape_cast %get3A_528 : vector<16xf32> to vector<16xf32>
      %gt3A_530 = arith.cmpf ogt, %get3A_529, %select_n3A_521 : vector<16xf32>
      %select_n3A_531 = arith.select %gt3A_530, %get3A_529, %select_n3A_521 : vector<16xi1>, vector<16xf32>
      %broadcast_in_dim3A_532 = arith.constant 52 : i32
      %broadcast_in_dim3A_533 = vector.broadcast %broadcast_in_dim3A_532 : i32 to vector<16xi32>
      %select_n3A_534 = arith.select %gt3A_530, %broadcast_in_dim3A_533, %select_n3A_524 : vector<16xi1>, vector<16xi32>
      %add3A_535 = arith.constant 6784 : i32
      %add3A_536 = arith.addi %add3A_535, %mul3A_4 : i32
      %get3A_537 = arith.index_cast %add3A_536 : i32 to index
      %get3A_538 = tpu.vector_load %arg7[%get3A_537] {strides = array<i32>} : memref<8192xf32, #tpu.memory_space<vmem>>, vector<16xf32>,
      %get3A_539 = vector.shape_cast %get3A_538 : vector<16xf32> to vector<16xf32>
      %gt3A_540 = arith.cmpf ogt, %get3A_539, %select_n3A_531 : vector<16xf32>
      %select_n3A_541 = arith.select %gt3A_540, %get3A_539, %select_n3A_531 : vector<16xi1>, vector<16xf32>
      %broadcast_in_dim3A_542 = arith.constant 53 : i32
      %broadcast_in_dim3A_543 = vector.broadcast %broadcast_in_dim3A_542 : i32 to vector<16xi32>
      %select_n3A_544 = arith.select %gt3A_540, %broadcast_in_dim3A_543, %select_n3A_534 : vector<16xi1>, vector<16xi32>
      %add3A_545 = arith.constant 6912 : i32
      %add3A_546 = arith.addi %add3A_545, %mul3A_4 : i32
      %get3A_547 = arith.index_cast %add3A_546 : i32 to index
      %get3A_548 = tpu.vector_load %arg7[%get3A_547] {strides = array<i32>} : memref<8192xf32, #tpu.memory_space<vmem>>, vector<16xf32>,
      %get3A_549 = vector.shape_cast %get3A_548 : vector<16xf32> to vector<16xf32>
      %gt3A_550 = arith.cmpf ogt, %get3A_549, %select_n3A_541 : vector<16xf32>
      %select_n3A_551 = arith.select %gt3A_550, %get3A_549, %select_n3A_541 : vector<16xi1>, vector<16xf32>
      %broadcast_in_dim3A_552 = arith.constant 54 : i32
      %broadcast_in_dim3A_553 = vector.broadcast %broadcast_in_dim3A_552 : i32 to vector<16xi32>
      %select_n3A_554 = arith.select %gt3A_550, %broadcast_in_dim3A_553, %select_n3A_544 : vector<16xi1>, vector<16xi32>
      %add3A_555 = arith.constant 7040 : i32
      %add3A_556 = arith.addi %add3A_555, %mul3A_4 : i32
      %get3A_557 = arith.index_cast %add3A_556 : i32 to index
      %get3A_558 = tpu.vector_load %arg7[%get3A_557] {strides = array<i32>} : memref<8192xf32, #tpu.memory_space<vmem>>, vector<16xf32>,
      %get3A_559 = vector.shape_cast %get3A_558 : vector<16xf32> to vector<16xf32>
      %gt3A_560 = arith.cmpf ogt, %get3A_559, %select_n3A_551 : vector<16xf32>
      %select_n3A_561 = arith.select %gt3A_560, %get3A_559, %select_n3A_551 : vector<16xi1>, vector<16xf32>
      %broadcast_in_dim3A_562 = arith.constant 55 : i32
      %broadcast_in_dim3A_563 = vector.broadcast %broadcast_in_dim3A_562 : i32 to vector<16xi32>
      %select_n3A_564 = arith.select %gt3A_560, %broadcast_in_dim3A_563, %select_n3A_554 : vector<16xi1>, vector<16xi32>
      %add3A_565 = arith.constant 7168 : i32
      %add3A_566 = arith.addi %add3A_565, %mul3A_4 : i32
      %get3A_567 = arith.index_cast %add3A_566 : i32 to index
      %get3A_568 = tpu.vector_load %arg7[%get3A_567] {strides = array<i32>} : memref<8192xf32, #tpu.memory_space<vmem>>, vector<16xf32>,
      %get3A_569 = vector.shape_cast %get3A_568 : vector<16xf32> to vector<16xf32>
      %gt3A_570 = arith.cmpf ogt, %get3A_569, %select_n3A_561 : vector<16xf32>
      %select_n3A_571 = arith.select %gt3A_570, %get3A_569, %select_n3A_561 : vector<16xi1>, vector<16xf32>
      %broadcast_in_dim3A_572 = arith.constant 56 : i32
      %broadcast_in_dim3A_573 = vector.broadcast %broadcast_in_dim3A_572 : i32 to vector<16xi32>
      %select_n3A_574 = arith.select %gt3A_570, %broadcast_in_dim3A_573, %select_n3A_564 : vector<16xi1>, vector<16xi32>
      %add3A_575 = arith.constant 7296 : i32
      %add3A_576 = arith.addi %add3A_575, %mul3A_4 : i32
      %get3A_577 = arith.index_cast %add3A_576 : i32 to index
      %get3A_578 = tpu.vector_load %arg7[%get3A_577] {strides = array<i32>} : memref<8192xf32, #tpu.memory_space<vmem>>, vector<16xf32>,
      %get3A_579 = vector.shape_cast %get3A_578 : vector<16xf32> to vector<16xf32>
      %gt3A_580 = arith.cmpf ogt, %get3A_579, %select_n3A_571 : vector<16xf32>
      %select_n3A_581 = arith.select %gt3A_580, %get3A_579, %select_n3A_571 : vector<16xi1>, vector<16xf32>
      %broadcast_in_dim3A_582 = arith.constant 57 : i32
      %broadcast_in_dim3A_583 = vector.broadcast %broadcast_in_dim3A_582 : i32 to vector<16xi32>
      %select_n3A_584 = arith.select %gt3A_580, %broadcast_in_dim3A_583, %select_n3A_574 : vector<16xi1>, vector<16xi32>
      %add3A_585 = arith.constant 7424 : i32
      %add3A_586 = arith.addi %add3A_585, %mul3A_4 : i32
      %get3A_587 = arith.index_cast %add3A_586 : i32 to index
      %get3A_588 = tpu.vector_load %arg7[%get3A_587] {strides = array<i32>} : memref<8192xf32, #tpu.memory_space<vmem>>, vector<16xf32>,
      %get3A_589 = vector.shape_cast %get3A_588 : vector<16xf32> to vector<16xf32>
      %gt3A_590 = arith.cmpf ogt, %get3A_589, %select_n3A_581 : vector<16xf32>
      %select_n3A_591 = arith.select %gt3A_590, %get3A_589, %select_n3A_581 : vector<16xi1>, vector<16xf32>
      %broadcast_in_dim3A_592 = arith.constant 58 : i32
      %broadcast_in_dim3A_593 = vector.broadcast %broadcast_in_dim3A_592 : i32 to vector<16xi32>
      %select_n3A_594 = arith.select %gt3A_590, %broadcast_in_dim3A_593, %select_n3A_584 : vector<16xi1>, vector<16xi32>
      %add3A_595 = arith.constant 7552 : i32
      %add3A_596 = arith.addi %add3A_595, %mul3A_4 : i32
      %get3A_597 = arith.index_cast %add3A_596 : i32 to index
      %get3A_598 = tpu.vector_load %arg7[%get3A_597] {strides = array<i32>} : memref<8192xf32, #tpu.memory_space<vmem>>, vector<16xf32>,
      %get3A_599 = vector.shape_cast %get3A_598 : vector<16xf32> to vector<16xf32>
      %gt3A_600 = arith.cmpf ogt, %get3A_599, %select_n3A_591 : vector<16xf32>
      %select_n3A_601 = arith.select %gt3A_600, %get3A_599, %select_n3A_591 : vector<16xi1>, vector<16xf32>
      %broadcast_in_dim3A_602 = arith.constant 59 : i32
      %broadcast_in_dim3A_603 = vector.broadcast %broadcast_in_dim3A_602 : i32 to vector<16xi32>
      %select_n3A_604 = arith.select %gt3A_600, %broadcast_in_dim3A_603, %select_n3A_594 : vector<16xi1>, vector<16xi32>
      %add3A_605 = arith.constant 7680 : i32
      %add3A_606 = arith.addi %add3A_605, %mul3A_4 : i32
      %get3A_607 = arith.index_cast %add3A_606 : i32 to index
      %get3A_608 = tpu.vector_load %arg7[%get3A_607] {strides = array<i32>} : memref<8192xf32, #tpu.memory_space<vmem>>, vector<16xf32>,
      %get3A_609 = vector.shape_cast %get3A_608 : vector<16xf32> to vector<16xf32>
      %gt3A_610 = arith.cmpf ogt, %get3A_609, %select_n3A_601 : vector<16xf32>
      %select_n3A_611 = arith.select %gt3A_610, %get3A_609, %select_n3A_601 : vector<16xi1>, vector<16xf32>
      %broadcast_in_dim3A_612 = arith.constant 60 : i32
      %broadcast_in_dim3A_613 = vector.broadcast %broadcast_in_dim3A_612 : i32 to vector<16xi32>
      %select_n3A_614 = arith.select %gt3A_610, %broadcast_in_dim3A_613, %select_n3A_604 : vector<16xi1>, vector<16xi32>
      %add3A_615 = arith.constant 7808 : i32
      %add3A_616 = arith.addi %add3A_615, %mul3A_4 : i32
      %get3A_617 = arith.index_cast %add3A_616 : i32 to index
      %get3A_618 = tpu.vector_load %arg7[%get3A_617] {strides = array<i32>} : memref<8192xf32, #tpu.memory_space<vmem>>, vector<16xf32>,
      %get3A_619 = vector.shape_cast %get3A_618 : vector<16xf32> to vector<16xf32>
      %gt3A_620 = arith.cmpf ogt, %get3A_619, %select_n3A_611 : vector<16xf32>
      %select_n3A_621 = arith.select %gt3A_620, %get3A_619, %select_n3A_611 : vector<16xi1>, vector<16xf32>
      %broadcast_in_dim3A_622 = arith.constant 61 : i32
      %broadcast_in_dim3A_623 = vector.broadcast %broadcast_in_dim3A_622 : i32 to vector<16xi32>
      %select_n3A_624 = arith.select %gt3A_620, %broadcast_in_dim3A_623, %select_n3A_614 : vector<16xi1>, vector<16xi32>
      %add3A_625 = arith.constant 7936 : i32
      %add3A_626 = arith.addi %add3A_625, %mul3A_4 : i32
      %get3A_627 = arith.index_cast %add3A_626 : i32 to index
      %get3A_628 = tpu.vector_load %arg7[%get3A_627] {strides = array<i32>} : memref<8192xf32, #tpu.memory_space<vmem>>, vector<16xf32>,
      %get3A_629 = vector.shape_cast %get3A_628 : vector<16xf32> to vector<16xf32>
      %gt3A_630 = arith.cmpf ogt, %get3A_629, %select_n3A_621 : vector<16xf32>
      %select_n3A_631 = arith.select %gt3A_630, %get3A_629, %select_n3A_621 : vector<16xi1>, vector<16xf32>
      %broadcast_in_dim3A_632 = arith.constant 62 : i32
      %broadcast_in_dim3A_633 = vector.broadcast %broadcast_in_dim3A_632 : i32 to vector<16xi32>
      %select_n3A_634 = arith.select %gt3A_630, %broadcast_in_dim3A_633, %select_n3A_624 : vector<16xi1>, vector<16xi32>
      %add3A_635 = arith.constant 8064 : i32
      %add3A_636 = arith.addi %add3A_635, %mul3A_4 : i32
      %get3A_637 = arith.index_cast %add3A_636 : i32 to index
      %get3A_638 = tpu.vector_load %arg7[%get3A_637] {strides = array<i32>} : memref<8192xf32, #tpu.memory_space<vmem>>, vector<16xf32>,
      %get3A_639 = vector.shape_cast %get3A_638 : vector<16xf32> to vector<16xf32>
      %gt3A_640 = arith.cmpf ogt, %get3A_639, %select_n3A_631 : vector<16xf32>
      %select_n3A_641 = arith.select %gt3A_640, %get3A_639, %select_n3A_631 : vector<16xi1>, vector<16xf32>
      %broadcast_in_dim3A_642 = arith.constant 63 : i32
      %broadcast_in_dim3A_643 = vector.broadcast %broadcast_in_dim3A_642 : i32 to vector<16xi32>
      %select_n3A_644 = arith.select %gt3A_640, %broadcast_in_dim3A_643, %select_n3A_634 : vector<16xi1>, vector<16xi32>
      %broadcast_in_dim3A_645 = arith.constant 0 : i32
      %broadcast_in_dim3A_646 = vector.broadcast %broadcast_in_dim3A_645 : i32 to vector<16xi32>
      %add3A_647 = arith.constant 0 : i32
      %add3A_648 = arith.addi %add3A_647, %mul3A_4 : i32
      %get3A_649 = arith.index_cast %add3A_648 : i32 to index
      %get3A_650 = tpu.vector_load %arg7[%get3A_649] {strides = array<i32>} : memref<8192xf32, #tpu.memory_space<vmem>>, vector<16xf32>,
      %get3A_651 = vector.shape_cast %get3A_650 : vector<16xf32> to vector<16xf32>
      %eq3A = arith.constant 0 : i32
      %eq3A_652 = vector.broadcast %eq3A : i32 to vector<16xi32>
      %eq3A_653 = arith.cmpi eq, %select_n3A_644, %eq3A_652 : vector<16xi32>
      %select_n3A_654 = arith.select %eq3A_653, %broadcast_in_dim3A_5, %get3A_651 : vector<16xi1>, vector<16xf32>
      %gt3A_655 = arith.cmpf ogt, %select_n3A_654, %broadcast_in_dim3A_5 : vector<16xf32>
      %select_n3A_656 = arith.select %gt3A_655, %select_n3A_654, %broadcast_in_dim3A_5 : vector<16xi1>, vector<16xf32>
      %broadcast_in_dim3A_657 = arith.constant 0 : i32
      %broadcast_in_dim3A_658 = vector.broadcast %broadcast_in_dim3A_657 : i32 to vector<16xi32>
      %select_n3A_659 = arith.select %gt3A_655, %broadcast_in_dim3A_658, %broadcast_in_dim3A_646 : vector<16xi1>, vector<16xi32>
      %add3A_660 = arith.constant 128 : i32
      %add3A_661 = arith.addi %add3A_660, %mul3A_4 : i32
      %get3A_662 = arith.index_cast %add3A_661 : i32 to index
      %get3A_663 = tpu.vector_load %arg7[%get3A_662] {strides = array<i32>} : memref<8192xf32, #tpu.memory_space<vmem>>, vector<16xf32>,
      %get3A_664 = vector.shape_cast %get3A_663 : vector<16xf32> to vector<16xf32>
      %eq3A_665 = arith.constant 1 : i32
      %eq3A_666 = vector.broadcast %eq3A_665 : i32 to vector<16xi32>
      %eq3A_667 = arith.cmpi eq, %select_n3A_644, %eq3A_666 : vector<16xi32>
      %select_n3A_668 = arith.select %eq3A_667, %broadcast_in_dim3A_5, %get3A_664 : vector<16xi1>, vector<16xf32>
      %gt3A_669 = arith.cmpf ogt, %select_n3A_668, %select_n3A_656 : vector<16xf32>
      %select_n3A_670 = arith.select %gt3A_669, %select_n3A_668, %select_n3A_656 : vector<16xi1>, vector<16xf32>
      %broadcast_in_dim3A_671 = arith.constant 1 : i32
      %broadcast_in_dim3A_672 = vector.broadcast %broadcast_in_dim3A_671 : i32 to vector<16xi32>
      %select_n3A_673 = arith.select %gt3A_669, %broadcast_in_dim3A_672, %select_n3A_659 : vector<16xi1>, vector<16xi32>
      %add3A_674 = arith.constant 256 : i32
      %add3A_675 = arith.addi %add3A_674, %mul3A_4 : i32
      %get3A_676 = arith.index_cast %add3A_675 : i32 to index
      %get3A_677 = tpu.vector_load %arg7[%get3A_676] {strides = array<i32>} : memref<8192xf32, #tpu.memory_space<vmem>>, vector<16xf32>,
      %get3A_678 = vector.shape_cast %get3A_677 : vector<16xf32> to vector<16xf32>
      %eq3A_679 = arith.constant 2 : i32
      %eq3A_680 = vector.broadcast %eq3A_679 : i32 to vector<16xi32>
      %eq3A_681 = arith.cmpi eq, %select_n3A_644, %eq3A_680 : vector<16xi32>
      %select_n3A_682 = arith.select %eq3A_681, %broadcast_in_dim3A_5, %get3A_678 : vector<16xi1>, vector<16xf32>
      %gt3A_683 = arith.cmpf ogt, %select_n3A_682, %select_n3A_670 : vector<16xf32>
      %select_n3A_684 = arith.select %gt3A_683, %select_n3A_682, %select_n3A_670 : vector<16xi1>, vector<16xf32>
      %broadcast_in_dim3A_685 = arith.constant 2 : i32
      %broadcast_in_dim3A_686 = vector.broadcast %broadcast_in_dim3A_685 : i32 to vector<16xi32>
      %select_n3A_687 = arith.select %gt3A_683, %broadcast_in_dim3A_686, %select_n3A_673 : vector<16xi1>, vector<16xi32>
      %add3A_688 = arith.constant 384 : i32
      %add3A_689 = arith.addi %add3A_688, %mul3A_4 : i32
      %get3A_690 = arith.index_cast %add3A_689 : i32 to index
      %get3A_691 = tpu.vector_load %arg7[%get3A_690] {strides = array<i32>} : memref<8192xf32, #tpu.memory_space<vmem>>, vector<16xf32>,
      %get3A_692 = vector.shape_cast %get3A_691 : vector<16xf32> to vector<16xf32>
      %eq3A_693 = arith.constant 3 : i32
      %eq3A_694 = vector.broadcast %eq3A_693 : i32 to vector<16xi32>
      %eq3A_695 = arith.cmpi eq, %select_n3A_644, %eq3A_694 : vector<16xi32>
      %select_n3A_696 = arith.select %eq3A_695, %broadcast_in_dim3A_5, %get3A_692 : vector<16xi1>, vector<16xf32>
      %gt3A_697 = arith.cmpf ogt, %select_n3A_696, %select_n3A_684 : vector<16xf32>
      %select_n3A_698 = arith.select %gt3A_697, %select_n3A_696, %select_n3A_684 : vector<16xi1>, vector<16xf32>
      %broadcast_in_dim3A_699 = arith.constant 3 : i32
      %broadcast_in_dim3A_700 = vector.broadcast %broadcast_in_dim3A_699 : i32 to vector<16xi32>
      %select_n3A_701 = arith.select %gt3A_697, %broadcast_in_dim3A_700, %select_n3A_687 : vector<16xi1>, vector<16xi32>
      %add3A_702 = arith.constant 512 : i32
      %add3A_703 = arith.addi %add3A_702, %mul3A_4 : i32
      %get3A_704 = arith.index_cast %add3A_703 : i32 to index
      %get3A_705 = tpu.vector_load %arg7[%get3A_704] {strides = array<i32>} : memref<8192xf32, #tpu.memory_space<vmem>>, vector<16xf32>,
      %get3A_706 = vector.shape_cast %get3A_705 : vector<16xf32> to vector<16xf32>
      %eq3A_707 = arith.constant 4 : i32
      %eq3A_708 = vector.broadcast %eq3A_707 : i32 to vector<16xi32>
      %eq3A_709 = arith.cmpi eq, %select_n3A_644, %eq3A_708 : vector<16xi32>
      %select_n3A_710 = arith.select %eq3A_709, %broadcast_in_dim3A_5, %get3A_706 : vector<16xi1>, vector<16xf32>
      %gt3A_711 = arith.cmpf ogt, %select_n3A_710, %select_n3A_698 : vector<16xf32>
      %select_n3A_712 = arith.select %gt3A_711, %select_n3A_710, %select_n3A_698 : vector<16xi1>, vector<16xf32>
      %broadcast_in_dim3A_713 = arith.constant 4 : i32
      %broadcast_in_dim3A_714 = vector.broadcast %broadcast_in_dim3A_713 : i32 to vector<16xi32>
      %select_n3A_715 = arith.select %gt3A_711, %broadcast_in_dim3A_714, %select_n3A_701 : vector<16xi1>, vector<16xi32>
      %add3A_716 = arith.constant 640 : i32
      %add3A_717 = arith.addi %add3A_716, %mul3A_4 : i32
      %get3A_718 = arith.index_cast %add3A_717 : i32 to index
      %get3A_719 = tpu.vector_load %arg7[%get3A_718] {strides = array<i32>} : memref<8192xf32, #tpu.memory_space<vmem>>, vector<16xf32>,
      %get3A_720 = vector.shape_cast %get3A_719 : vector<16xf32> to vector<16xf32>
      %eq3A_721 = arith.constant 5 : i32
      %eq3A_722 = vector.broadcast %eq3A_721 : i32 to vector<16xi32>
      %eq3A_723 = arith.cmpi eq, %select_n3A_644, %eq3A_722 : vector<16xi32>
      %select_n3A_724 = arith.select %eq3A_723, %broadcast_in_dim3A_5, %get3A_720 : vector<16xi1>, vector<16xf32>
      %gt3A_725 = arith.cmpf ogt, %select_n3A_724, %select_n3A_712 : vector<16xf32>
      %select_n3A_726 = arith.select %gt3A_725, %select_n3A_724, %select_n3A_712 : vector<16xi1>, vector<16xf32>
      %broadcast_in_dim3A_727 = arith.constant 5 : i32
      %broadcast_in_dim3A_728 = vector.broadcast %broadcast_in_dim3A_727 : i32 to vector<16xi32>
      %select_n3A_729 = arith.select %gt3A_725, %broadcast_in_dim3A_728, %select_n3A_715 : vector<16xi1>, vector<16xi32>
      %add3A_730 = arith.constant 768 : i32
      %add3A_731 = arith.addi %add3A_730, %mul3A_4 : i32
      %get3A_732 = arith.index_cast %add3A_731 : i32 to index
      %get3A_733 = tpu.vector_load %arg7[%get3A_732] {strides = array<i32>} : memref<8192xf32, #tpu.memory_space<vmem>>, vector<16xf32>,
      %get3A_734 = vector.shape_cast %get3A_733 : vector<16xf32> to vector<16xf32>
      %eq3A_735 = arith.constant 6 : i32
      %eq3A_736 = vector.broadcast %eq3A_735 : i32 to vector<16xi32>
      %eq3A_737 = arith.cmpi eq, %select_n3A_644, %eq3A_736 : vector<16xi32>
      %select_n3A_738 = arith.select %eq3A_737, %broadcast_in_dim3A_5, %get3A_734 : vector<16xi1>, vector<16xf32>
      %gt3A_739 = arith.cmpf ogt, %select_n3A_738, %select_n3A_726 : vector<16xf32>
      %select_n3A_740 = arith.select %gt3A_739, %select_n3A_738, %select_n3A_726 : vector<16xi1>, vector<16xf32>
      %broadcast_in_dim3A_741 = arith.constant 6 : i32
      %broadcast_in_dim3A_742 = vector.broadcast %broadcast_in_dim3A_741 : i32 to vector<16xi32>
      %select_n3A_743 = arith.select %gt3A_739, %broadcast_in_dim3A_742, %select_n3A_729 : vector<16xi1>, vector<16xi32>
      %add3A_744 = arith.constant 896 : i32
      %add3A_745 = arith.addi %add3A_744, %mul3A_4 : i32
      %get3A_746 = arith.index_cast %add3A_745 : i32 to index
      %get3A_747 = tpu.vector_load %arg7[%get3A_746] {strides = array<i32>} : memref<8192xf32, #tpu.memory_space<vmem>>, vector<16xf32>,
      %get3A_748 = vector.shape_cast %get3A_747 : vector<16xf32> to vector<16xf32>
      %eq3A_749 = arith.constant 7 : i32
      %eq3A_750 = vector.broadcast %eq3A_749 : i32 to vector<16xi32>
      %eq3A_751 = arith.cmpi eq, %select_n3A_644, %eq3A_750 : vector<16xi32>
      %select_n3A_752 = arith.select %eq3A_751, %broadcast_in_dim3A_5, %get3A_748 : vector<16xi1>, vector<16xf32>
      %gt3A_753 = arith.cmpf ogt, %select_n3A_752, %select_n3A_740 : vector<16xf32>
      %select_n3A_754 = arith.select %gt3A_753, %select_n3A_752, %select_n3A_740 : vector<16xi1>, vector<16xf32>
      %broadcast_in_dim3A_755 = arith.constant 7 : i32
      %broadcast_in_dim3A_756 = vector.broadcast %broadcast_in_dim3A_755 : i32 to vector<16xi32>
      %select_n3A_757 = arith.select %gt3A_753, %broadcast_in_dim3A_756, %select_n3A_743 : vector<16xi1>, vector<16xi32>
      %add3A_758 = arith.constant 1024 : i32
      %add3A_759 = arith.addi %add3A_758, %mul3A_4 : i32
      %get3A_760 = arith.index_cast %add3A_759 : i32 to index
      %get3A_761 = tpu.vector_load %arg7[%get3A_760] {strides = array<i32>} : memref<8192xf32, #tpu.memory_space<vmem>>, vector<16xf32>,
      %get3A_762 = vector.shape_cast %get3A_761 : vector<16xf32> to vector<16xf32>
      %eq3A_763 = arith.constant 8 : i32
      %eq3A_764 = vector.broadcast %eq3A_763 : i32 to vector<16xi32>
      %eq3A_765 = arith.cmpi eq, %select_n3A_644, %eq3A_764 : vector<16xi32>
      %select_n3A_766 = arith.select %eq3A_765, %broadcast_in_dim3A_5, %get3A_762 : vector<16xi1>, vector<16xf32>
      %gt3A_767 = arith.cmpf ogt, %select_n3A_766, %select_n3A_754 : vector<16xf32>
      %select_n3A_768 = arith.select %gt3A_767, %select_n3A_766, %select_n3A_754 : vector<16xi1>, vector<16xf32>
      %broadcast_in_dim3A_769 = arith.constant 8 : i32
      %broadcast_in_dim3A_770 = vector.broadcast %broadcast_in_dim3A_769 : i32 to vector<16xi32>
      %select_n3A_771 = arith.select %gt3A_767, %broadcast_in_dim3A_770, %select_n3A_757 : vector<16xi1>, vector<16xi32>
      %add3A_772 = arith.constant 1152 : i32
      %add3A_773 = arith.addi %add3A_772, %mul3A_4 : i32
      %get3A_774 = arith.index_cast %add3A_773 : i32 to index
      %get3A_775 = tpu.vector_load %arg7[%get3A_774] {strides = array<i32>} : memref<8192xf32, #tpu.memory_space<vmem>>, vector<16xf32>,
      %get3A_776 = vector.shape_cast %get3A_775 : vector<16xf32> to vector<16xf32>
      %eq3A_777 = arith.constant 9 : i32
      %eq3A_778 = vector.broadcast %eq3A_777 : i32 to vector<16xi32>
      %eq3A_779 = arith.cmpi eq, %select_n3A_644, %eq3A_778 : vector<16xi32>
      %select_n3A_780 = arith.select %eq3A_779, %broadcast_in_dim3A_5, %get3A_776 : vector<16xi1>, vector<16xf32>
      %gt3A_781 = arith.cmpf ogt, %select_n3A_780, %select_n3A_768 : vector<16xf32>
      %select_n3A_782 = arith.select %gt3A_781, %select_n3A_780, %select_n3A_768 : vector<16xi1>, vector<16xf32>
      %broadcast_in_dim3A_783 = arith.constant 9 : i32
      %broadcast_in_dim3A_784 = vector.broadcast %broadcast_in_dim3A_783 : i32 to vector<16xi32>
      %select_n3A_785 = arith.select %gt3A_781, %broadcast_in_dim3A_784, %select_n3A_771 : vector<16xi1>, vector<16xi32>
      %add3A_786 = arith.constant 1280 : i32
      %add3A_787 = arith.addi %add3A_786, %mul3A_4 : i32
      %get3A_788 = arith.index_cast %add3A_787 : i32 to index
      %get3A_789 = tpu.vector_load %arg7[%get3A_788] {strides = array<i32>} : memref<8192xf32, #tpu.memory_space<vmem>>, vector<16xf32>,
      %get3A_790 = vector.shape_cast %get3A_789 : vector<16xf32> to vector<16xf32>
      %eq3A_791 = arith.constant 10 : i32
      %eq3A_792 = vector.broadcast %eq3A_791 : i32 to vector<16xi32>
      %eq3A_793 = arith.cmpi eq, %select_n3A_644, %eq3A_792 : vector<16xi32>
      %select_n3A_794 = arith.select %eq3A_793, %broadcast_in_dim3A_5, %get3A_790 : vector<16xi1>, vector<16xf32>
      %gt3A_795 = arith.cmpf ogt, %select_n3A_794, %select_n3A_782 : vector<16xf32>
      %select_n3A_796 = arith.select %gt3A_795, %select_n3A_794, %select_n3A_782 : vector<16xi1>, vector<16xf32>
      %broadcast_in_dim3A_797 = arith.constant 10 : i32
      %broadcast_in_dim3A_798 = vector.broadcast %broadcast_in_dim3A_797 : i32 to vector<16xi32>
      %select_n3A_799 = arith.select %gt3A_795, %broadcast_in_dim3A_798, %select_n3A_785 : vector<16xi1>, vector<16xi32>
      %add3A_800 = arith.constant 1408 : i32
      %add3A_801 = arith.addi %add3A_800, %mul3A_4 : i32
      %get3A_802 = arith.index_cast %add3A_801 : i32 to index
      %get3A_803 = tpu.vector_load %arg7[%get3A_802] {strides = array<i32>} : memref<8192xf32, #tpu.memory_space<vmem>>, vector<16xf32>,
      %get3A_804 = vector.shape_cast %get3A_803 : vector<16xf32> to vector<16xf32>
      %eq3A_805 = arith.constant 11 : i32
      %eq3A_806 = vector.broadcast %eq3A_805 : i32 to vector<16xi32>
      %eq3A_807 = arith.cmpi eq, %select_n3A_644, %eq3A_806 : vector<16xi32>
      %select_n3A_808 = arith.select %eq3A_807, %broadcast_in_dim3A_5, %get3A_804 : vector<16xi1>, vector<16xf32>
      %gt3A_809 = arith.cmpf ogt, %select_n3A_808, %select_n3A_796 : vector<16xf32>
      %select_n3A_810 = arith.select %gt3A_809, %select_n3A_808, %select_n3A_796 : vector<16xi1>, vector<16xf32>
      %broadcast_in_dim3A_811 = arith.constant 11 : i32
      %broadcast_in_dim3A_812 = vector.broadcast %broadcast_in_dim3A_811 : i32 to vector<16xi32>
      %select_n3A_813 = arith.select %gt3A_809, %broadcast_in_dim3A_812, %select_n3A_799 : vector<16xi1>, vector<16xi32>
      %add3A_814 = arith.constant 1536 : i32
      %add3A_815 = arith.addi %add3A_814, %mul3A_4 : i32
      %get3A_816 = arith.index_cast %add3A_815 : i32 to index
      %get3A_817 = tpu.vector_load %arg7[%get3A_816] {strides = array<i32>} : memref<8192xf32, #tpu.memory_space<vmem>>, vector<16xf32>,
      %get3A_818 = vector.shape_cast %get3A_817 : vector<16xf32> to vector<16xf32>
      %eq3A_819 = arith.constant 12 : i32
      %eq3A_820 = vector.broadcast %eq3A_819 : i32 to vector<16xi32>
      %eq3A_821 = arith.cmpi eq, %select_n3A_644, %eq3A_820 : vector<16xi32>
      %select_n3A_822 = arith.select %eq3A_821, %broadcast_in_dim3A_5, %get3A_818 : vector<16xi1>, vector<16xf32>
      %gt3A_823 = arith.cmpf ogt, %select_n3A_822, %select_n3A_810 : vector<16xf32>
      %select_n3A_824 = arith.select %gt3A_823, %select_n3A_822, %select_n3A_810 : vector<16xi1>, vector<16xf32>
      %broadcast_in_dim3A_825 = arith.constant 12 : i32
      %broadcast_in_dim3A_826 = vector.broadcast %broadcast_in_dim3A_825 : i32 to vector<16xi32>
      %select_n3A_827 = arith.select %gt3A_823, %broadcast_in_dim3A_826, %select_n3A_813 : vector<16xi1>, vector<16xi32>
      %add3A_828 = arith.constant 1664 : i32
      %add3A_829 = arith.addi %add3A_828, %mul3A_4 : i32
      %get3A_830 = arith.index_cast %add3A_829 : i32 to index
      %get3A_831 = tpu.vector_load %arg7[%get3A_830] {strides = array<i32>} : memref<8192xf32, #tpu.memory_space<vmem>>, vector<16xf32>,
      %get3A_832 = vector.shape_cast %get3A_831 : vector<16xf32> to vector<16xf32>
      %eq3A_833 = arith.constant 13 : i32
      %eq3A_834 = vector.broadcast %eq3A_833 : i32 to vector<16xi32>
      %eq3A_835 = arith.cmpi eq, %select_n3A_644, %eq3A_834 : vector<16xi32>
      %select_n3A_836 = arith.select %eq3A_835, %broadcast_in_dim3A_5, %get3A_832 : vector<16xi1>, vector<16xf32>
      %gt3A_837 = arith.cmpf ogt, %select_n3A_836, %select_n3A_824 : vector<16xf32>
      %select_n3A_838 = arith.select %gt3A_837, %select_n3A_836, %select_n3A_824 : vector<16xi1>, vector<16xf32>
      %broadcast_in_dim3A_839 = arith.constant 13 : i32
      %broadcast_in_dim3A_840 = vector.broadcast %broadcast_in_dim3A_839 : i32 to vector<16xi32>
      %select_n3A_841 = arith.select %gt3A_837, %broadcast_in_dim3A_840, %select_n3A_827 : vector<16xi1>, vector<16xi32>
      %add3A_842 = arith.constant 1792 : i32
      %add3A_843 = arith.addi %add3A_842, %mul3A_4 : i32
      %get3A_844 = arith.index_cast %add3A_843 : i32 to index
      %get3A_845 = tpu.vector_load %arg7[%get3A_844] {strides = array<i32>} : memref<8192xf32, #tpu.memory_space<vmem>>, vector<16xf32>,
      %get3A_846 = vector.shape_cast %get3A_845 : vector<16xf32> to vector<16xf32>
      %eq3A_847 = arith.constant 14 : i32
      %eq3A_848 = vector.broadcast %eq3A_847 : i32 to vector<16xi32>
      %eq3A_849 = arith.cmpi eq, %select_n3A_644, %eq3A_848 : vector<16xi32>
      %select_n3A_850 = arith.select %eq3A_849, %broadcast_in_dim3A_5, %get3A_846 : vector<16xi1>, vector<16xf32>
      %gt3A_851 = arith.cmpf ogt, %select_n3A_850, %select_n3A_838 : vector<16xf32>
      %select_n3A_852 = arith.select %gt3A_851, %select_n3A_850, %select_n3A_838 : vector<16xi1>, vector<16xf32>
      %broadcast_in_dim3A_853 = arith.constant 14 : i32
      %broadcast_in_dim3A_854 = vector.broadcast %broadcast_in_dim3A_853 : i32 to vector<16xi32>
      %select_n3A_855 = arith.select %gt3A_851, %broadcast_in_dim3A_854, %select_n3A_841 : vector<16xi1>, vector<16xi32>
      %add3A_856 = arith.constant 1920 : i32
      %add3A_857 = arith.addi %add3A_856, %mul3A_4 : i32
      %get3A_858 = arith.index_cast %add3A_857 : i32 to index
      %get3A_859 = tpu.vector_load %arg7[%get3A_858] {strides = array<i32>} : memref<8192xf32, #tpu.memory_space<vmem>>, vector<16xf32>,
      %get3A_860 = vector.shape_cast %get3A_859 : vector<16xf32> to vector<16xf32>
      %eq3A_861 = arith.constant 15 : i32
      %eq3A_862 = vector.broadcast %eq3A_861 : i32 to vector<16xi32>
      %eq3A_863 = arith.cmpi eq, %select_n3A_644, %eq3A_862 : vector<16xi32>
      %select_n3A_864 = arith.select %eq3A_863, %broadcast_in_dim3A_5, %get3A_860 : vector<16xi1>, vector<16xf32>
      %gt3A_865 = arith.cmpf ogt, %select_n3A_864, %select_n3A_852 : vector<16xf32>
      %select_n3A_866 = arith.select %gt3A_865, %select_n3A_864, %select_n3A_852 : vector<16xi1>, vector<16xf32>
      %broadcast_in_dim3A_867 = arith.constant 15 : i32
      %broadcast_in_dim3A_868 = vector.broadcast %broadcast_in_dim3A_867 : i32 to vector<16xi32>
      %select_n3A_869 = arith.select %gt3A_865, %broadcast_in_dim3A_868, %select_n3A_855 : vector<16xi1>, vector<16xi32>
      %add3A_870 = arith.constant 2048 : i32
      %add3A_871 = arith.addi %add3A_870, %mul3A_4 : i32
      %get3A_872 = arith.index_cast %add3A_871 : i32 to index
      %get3A_873 = tpu.vector_load %arg7[%get3A_872] {strides = array<i32>} : memref<8192xf32, #tpu.memory_space<vmem>>, vector<16xf32>,
      %get3A_874 = vector.shape_cast %get3A_873 : vector<16xf32> to vector<16xf32>
      %eq3A_875 = arith.constant 16 : i32
      %eq3A_876 = vector.broadcast %eq3A_875 : i32 to vector<16xi32>
      %eq3A_877 = arith.cmpi eq, %select_n3A_644, %eq3A_876 : vector<16xi32>
      %select_n3A_878 = arith.select %eq3A_877, %broadcast_in_dim3A_5, %get3A_874 : vector<16xi1>, vector<16xf32>
      %gt3A_879 = arith.cmpf ogt, %select_n3A_878, %select_n3A_866 : vector<16xf32>
      %select_n3A_880 = arith.select %gt3A_879, %select_n3A_878, %select_n3A_866 : vector<16xi1>, vector<16xf32>
      %broadcast_in_dim3A_881 = arith.constant 16 : i32
      %broadcast_in_dim3A_882 = vector.broadcast %broadcast_in_dim3A_881 : i32 to vector<16xi32>
      %select_n3A_883 = arith.select %gt3A_879, %broadcast_in_dim3A_882, %select_n3A_869 : vector<16xi1>, vector<16xi32>
      %add3A_884 = arith.constant 2176 : i32
      %add3A_885 = arith.addi %add3A_884, %mul3A_4 : i32
      %get3A_886 = arith.index_cast %add3A_885 : i32 to index
      %get3A_887 = tpu.vector_load %arg7[%get3A_886] {strides = array<i32>} : memref<8192xf32, #tpu.memory_space<vmem>>, vector<16xf32>,
      %get3A_888 = vector.shape_cast %get3A_887 : vector<16xf32> to vector<16xf32>
      %eq3A_889 = arith.constant 17 : i32
      %eq3A_890 = vector.broadcast %eq3A_889 : i32 to vector<16xi32>
      %eq3A_891 = arith.cmpi eq, %select_n3A_644, %eq3A_890 : vector<16xi32>
      %select_n3A_892 = arith.select %eq3A_891, %broadcast_in_dim3A_5, %get3A_888 : vector<16xi1>, vector<16xf32>
      %gt3A_893 = arith.cmpf ogt, %select_n3A_892, %select_n3A_880 : vector<16xf32>
      %select_n3A_894 = arith.select %gt3A_893, %select_n3A_892, %select_n3A_880 : vector<16xi1>, vector<16xf32>
      %broadcast_in_dim3A_895 = arith.constant 17 : i32
      %broadcast_in_dim3A_896 = vector.broadcast %broadcast_in_dim3A_895 : i32 to vector<16xi32>
      %select_n3A_897 = arith.select %gt3A_893, %broadcast_in_dim3A_896, %select_n3A_883 : vector<16xi1>, vector<16xi32>
      %add3A_898 = arith.constant 2304 : i32
      %add3A_899 = arith.addi %add3A_898, %mul3A_4 : i32
      %get3A_900 = arith.index_cast %add3A_899 : i32 to index
      %get3A_901 = tpu.vector_load %arg7[%get3A_900] {strides = array<i32>} : memref<8192xf32, #tpu.memory_space<vmem>>, vector<16xf32>,
      %get3A_902 = vector.shape_cast %get3A_901 : vector<16xf32> to vector<16xf32>
      %eq3A_903 = arith.constant 18 : i32
      %eq3A_904 = vector.broadcast %eq3A_903 : i32 to vector<16xi32>
      %eq3A_905 = arith.cmpi eq, %select_n3A_644, %eq3A_904 : vector<16xi32>
      %select_n3A_906 = arith.select %eq3A_905, %broadcast_in_dim3A_5, %get3A_902 : vector<16xi1>, vector<16xf32>
      %gt3A_907 = arith.cmpf ogt, %select_n3A_906, %select_n3A_894 : vector<16xf32>
      %select_n3A_908 = arith.select %gt3A_907, %select_n3A_906, %select_n3A_894 : vector<16xi1>, vector<16xf32>
      %broadcast_in_dim3A_909 = arith.constant 18 : i32
      %broadcast_in_dim3A_910 = vector.broadcast %broadcast_in_dim3A_909 : i32 to vector<16xi32>
      %select_n3A_911 = arith.select %gt3A_907, %broadcast_in_dim3A_910, %select_n3A_897 : vector<16xi1>, vector<16xi32>
      %add3A_912 = arith.constant 2432 : i32
      %add3A_913 = arith.addi %add3A_912, %mul3A_4 : i32
      %get3A_914 = arith.index_cast %add3A_913 : i32 to index
      %get3A_915 = tpu.vector_load %arg7[%get3A_914] {strides = array<i32>} : memref<8192xf32, #tpu.memory_space<vmem>>, vector<16xf32>,
      %get3A_916 = vector.shape_cast %get3A_915 : vector<16xf32> to vector<16xf32>
      %eq3A_917 = arith.constant 19 : i32
      %eq3A_918 = vector.broadcast %eq3A_917 : i32 to vector<16xi32>
      %eq3A_919 = arith.cmpi eq, %select_n3A_644, %eq3A_918 : vector<16xi32>
      %select_n3A_920 = arith.select %eq3A_919, %broadcast_in_dim3A_5, %get3A_916 : vector<16xi1>, vector<16xf32>
      %gt3A_921 = arith.cmpf ogt, %select_n3A_920, %select_n3A_908 : vector<16xf32>
      %select_n3A_922 = arith.select %gt3A_921, %select_n3A_920, %select_n3A_908 : vector<16xi1>, vector<16xf32>
      %broadcast_in_dim3A_923 = arith.constant 19 : i32
      %broadcast_in_dim3A_924 = vector.broadcast %broadcast_in_dim3A_923 : i32 to vector<16xi32>
      %select_n3A_925 = arith.select %gt3A_921, %broadcast_in_dim3A_924, %select_n3A_911 : vector<16xi1>, vector<16xi32>
      %add3A_926 = arith.constant 2560 : i32
      %add3A_927 = arith.addi %add3A_926, %mul3A_4 : i32
      %get3A_928 = arith.index_cast %add3A_927 : i32 to index
      %get3A_929 = tpu.vector_load %arg7[%get3A_928] {strides = array<i32>} : memref<8192xf32, #tpu.memory_space<vmem>>, vector<16xf32>,
      %get3A_930 = vector.shape_cast %get3A_929 : vector<16xf32> to vector<16xf32>
      %eq3A_931 = arith.constant 20 : i32
      %eq3A_932 = vector.broadcast %eq3A_931 : i32 to vector<16xi32>
      %eq3A_933 = arith.cmpi eq, %select_n3A_644, %eq3A_932 : vector<16xi32>
      %select_n3A_934 = arith.select %eq3A_933, %broadcast_in_dim3A_5, %get3A_930 : vector<16xi1>, vector<16xf32>
      %gt3A_935 = arith.cmpf ogt, %select_n3A_934, %select_n3A_922 : vector<16xf32>
      %select_n3A_936 = arith.select %gt3A_935, %select_n3A_934, %select_n3A_922 : vector<16xi1>, vector<16xf32>
      %broadcast_in_dim3A_937 = arith.constant 20 : i32
      %broadcast_in_dim3A_938 = vector.broadcast %broadcast_in_dim3A_937 : i32 to vector<16xi32>
      %select_n3A_939 = arith.select %gt3A_935, %broadcast_in_dim3A_938, %select_n3A_925 : vector<16xi1>, vector<16xi32>
      %add3A_940 = arith.constant 2688 : i32
      %add3A_941 = arith.addi %add3A_940, %mul3A_4 : i32
      %get3A_942 = arith.index_cast %add3A_941 : i32 to index
      %get3A_943 = tpu.vector_load %arg7[%get3A_942] {strides = array<i32>} : memref<8192xf32, #tpu.memory_space<vmem>>, vector<16xf32>,
      %get3A_944 = vector.shape_cast %get3A_943 : vector<16xf32> to vector<16xf32>
      %eq3A_945 = arith.constant 21 : i32
      %eq3A_946 = vector.broadcast %eq3A_945 : i32 to vector<16xi32>
      %eq3A_947 = arith.cmpi eq, %select_n3A_644, %eq3A_946 : vector<16xi32>
      %select_n3A_948 = arith.select %eq3A_947, %broadcast_in_dim3A_5, %get3A_944 : vector<16xi1>, vector<16xf32>
      %gt3A_949 = arith.cmpf ogt, %select_n3A_948, %select_n3A_936 : vector<16xf32>
      %select_n3A_950 = arith.select %gt3A_949, %select_n3A_948, %select_n3A_936 : vector<16xi1>, vector<16xf32>
      %broadcast_in_dim3A_951 = arith.constant 21 : i32
      %broadcast_in_dim3A_952 = vector.broadcast %broadcast_in_dim3A_951 : i32 to vector<16xi32>
      %select_n3A_953 = arith.select %gt3A_949, %broadcast_in_dim3A_952, %select_n3A_939 : vector<16xi1>, vector<16xi32>
      %add3A_954 = arith.constant 2816 : i32
      %add3A_955 = arith.addi %add3A_954, %mul3A_4 : i32
      %get3A_956 = arith.index_cast %add3A_955 : i32 to index
      %get3A_957 = tpu.vector_load %arg7[%get3A_956] {strides = array<i32>} : memref<8192xf32, #tpu.memory_space<vmem>>, vector<16xf32>,
      %get3A_958 = vector.shape_cast %get3A_957 : vector<16xf32> to vector<16xf32>
      %eq3A_959 = arith.constant 22 : i32
      %eq3A_960 = vector.broadcast %eq3A_959 : i32 to vector<16xi32>
      %eq3A_961 = arith.cmpi eq, %select_n3A_644, %eq3A_960 : vector<16xi32>
      %select_n3A_962 = arith.select %eq3A_961, %broadcast_in_dim3A_5, %get3A_958 : vector<16xi1>, vector<16xf32>
      %gt3A_963 = arith.cmpf ogt, %select_n3A_962, %select_n3A_950 : vector<16xf32>
      %select_n3A_964 = arith.select %gt3A_963, %select_n3A_962, %select_n3A_950 : vector<16xi1>, vector<16xf32>
      %broadcast_in_dim3A_965 = arith.constant 22 : i32
      %broadcast_in_dim3A_966 = vector.broadcast %broadcast_in_dim3A_965 : i32 to vector<16xi32>
      %select_n3A_967 = arith.select %gt3A_963, %broadcast_in_dim3A_966, %select_n3A_953 : vector<16xi1>, vector<16xi32>
      %add3A_968 = arith.constant 2944 : i32
      %add3A_969 = arith.addi %add3A_968, %mul3A_4 : i32
      %get3A_970 = arith.index_cast %add3A_969 : i32 to index
      %get3A_971 = tpu.vector_load %arg7[%get3A_970] {strides = array<i32>} : memref<8192xf32, #tpu.memory_space<vmem>>, vector<16xf32>,
      %get3A_972 = vector.shape_cast %get3A_971 : vector<16xf32> to vector<16xf32>
      %eq3A_973 = arith.constant 23 : i32
      %eq3A_974 = vector.broadcast %eq3A_973 : i32 to vector<16xi32>
      %eq3A_975 = arith.cmpi eq, %select_n3A_644, %eq3A_974 : vector<16xi32>
      %select_n3A_976 = arith.select %eq3A_975, %broadcast_in_dim3A_5, %get3A_972 : vector<16xi1>, vector<16xf32>
      %gt3A_977 = arith.cmpf ogt, %select_n3A_976, %select_n3A_964 : vector<16xf32>
      %select_n3A_978 = arith.select %gt3A_977, %select_n3A_976, %select_n3A_964 : vector<16xi1>, vector<16xf32>
      %broadcast_in_dim3A_979 = arith.constant 23 : i32
      %broadcast_in_dim3A_980 = vector.broadcast %broadcast_in_dim3A_979 : i32 to vector<16xi32>
      %select_n3A_981 = arith.select %gt3A_977, %broadcast_in_dim3A_980, %select_n3A_967 : vector<16xi1>, vector<16xi32>
      %add3A_982 = arith.constant 3072 : i32
      %add3A_983 = arith.addi %add3A_982, %mul3A_4 : i32
      %get3A_984 = arith.index_cast %add3A_983 : i32 to index
      %get3A_985 = tpu.vector_load %arg7[%get3A_984] {strides = array<i32>} : memref<8192xf32, #tpu.memory_space<vmem>>, vector<16xf32>,
      %get3A_986 = vector.shape_cast %get3A_985 : vector<16xf32> to vector<16xf32>
      %eq3A_987 = arith.constant 24 : i32
      %eq3A_988 = vector.broadcast %eq3A_987 : i32 to vector<16xi32>
      %eq3A_989 = arith.cmpi eq, %select_n3A_644, %eq3A_988 : vector<16xi32>
      %select_n3A_990 = arith.select %eq3A_989, %broadcast_in_dim3A_5, %get3A_986 : vector<16xi1>, vector<16xf32>
      %gt3A_991 = arith.cmpf ogt, %select_n3A_990, %select_n3A_978 : vector<16xf32>
      %select_n3A_992 = arith.select %gt3A_991, %select_n3A_990, %select_n3A_978 : vector<16xi1>, vector<16xf32>
      %broadcast_in_dim3A_993 = arith.constant 24 : i32
      %broadcast_in_dim3A_994 = vector.broadcast %broadcast_in_dim3A_993 : i32 to vector<16xi32>
      %select_n3A_995 = arith.select %gt3A_991, %broadcast_in_dim3A_994, %select_n3A_981 : vector<16xi1>, vector<16xi32>
      %add3A_996 = arith.constant 3200 : i32
      %add3A_997 = arith.addi %add3A_996, %mul3A_4 : i32
      %get3A_998 = arith.index_cast %add3A_997 : i32 to index
      %get3A_999 = tpu.vector_load %arg7[%get3A_998] {strides = array<i32>} : memref<8192xf32, #tpu.memory_space<vmem>>, vector<16xf32>,
      %get3A_1000 = vector.shape_cast %get3A_999 : vector<16xf32> to vector<16xf32>
      %eq3A_1001 = arith.constant 25 : i32
      %eq3A_1002 = vector.broadcast %eq3A_1001 : i32 to vector<16xi32>
      %eq3A_1003 = arith.cmpi eq, %select_n3A_644, %eq3A_1002 : vector<16xi32>
      %select_n3A_1004 = arith.select %eq3A_1003, %broadcast_in_dim3A_5, %get3A_1000 : vector<16xi1>, vector<16xf32>
      %gt3A_1005 = arith.cmpf ogt, %select_n3A_1004, %select_n3A_992 : vector<16xf32>
      %select_n3A_1006 = arith.select %gt3A_1005, %select_n3A_1004, %select_n3A_992 : vector<16xi1>, vector<16xf32>
      %broadcast_in_dim3A_1007 = arith.constant 25 : i32
      %broadcast_in_dim3A_1008 = vector.broadcast %broadcast_in_dim3A_1007 : i32 to vector<16xi32>
      %select_n3A_1009 = arith.select %gt3A_1005, %broadcast_in_dim3A_1008, %select_n3A_995 : vector<16xi1>, vector<16xi32>
      %add3A_1010 = arith.constant 3328 : i32
      %add3A_1011 = arith.addi %add3A_1010, %mul3A_4 : i32
      %get3A_1012 = arith.index_cast %add3A_1011 : i32 to index
      %get3A_1013 = tpu.vector_load %arg7[%get3A_1012] {strides = array<i32>} : memref<8192xf32, #tpu.memory_space<vmem>>, vector<16xf32>,
      %get3A_1014 = vector.shape_cast %get3A_1013 : vector<16xf32> to vector<16xf32>
      %eq3A_1015 = arith.constant 26 : i32
      %eq3A_1016 = vector.broadcast %eq3A_1015 : i32 to vector<16xi32>
      %eq3A_1017 = arith.cmpi eq, %select_n3A_644, %eq3A_1016 : vector<16xi32>
      %select_n3A_1018 = arith.select %eq3A_1017, %broadcast_in_dim3A_5, %get3A_1014 : vector<16xi1>, vector<16xf32>
      %gt3A_1019 = arith.cmpf ogt, %select_n3A_1018, %select_n3A_1006 : vector<16xf32>
      %select_n3A_1020 = arith.select %gt3A_1019, %select_n3A_1018, %select_n3A_1006 : vector<16xi1>, vector<16xf32>
      %broadcast_in_dim3A_1021 = arith.constant 26 : i32
      %broadcast_in_dim3A_1022 = vector.broadcast %broadcast_in_dim3A_1021 : i32 to vector<16xi32>
      %select_n3A_1023 = arith.select %gt3A_1019, %broadcast_in_dim3A_1022, %select_n3A_1009 : vector<16xi1>, vector<16xi32>
      %add3A_1024 = arith.constant 3456 : i32
      %add3A_1025 = arith.addi %add3A_1024, %mul3A_4 : i32
      %get3A_1026 = arith.index_cast %add3A_1025 : i32 to index
      %get3A_1027 = tpu.vector_load %arg7[%get3A_1026] {strides = array<i32>} : memref<8192xf32, #tpu.memory_space<vmem>>, vector<16xf32>,
      %get3A_1028 = vector.shape_cast %get3A_1027 : vector<16xf32> to vector<16xf32>
      %eq3A_1029 = arith.constant 27 : i32
      %eq3A_1030 = vector.broadcast %eq3A_1029 : i32 to vector<16xi32>
      %eq3A_1031 = arith.cmpi eq, %select_n3A_644, %eq3A_1030 : vector<16xi32>
      %select_n3A_1032 = arith.select %eq3A_1031, %broadcast_in_dim3A_5, %get3A_1028 : vector<16xi1>, vector<16xf32>
      %gt3A_1033 = arith.cmpf ogt, %select_n3A_1032, %select_n3A_1020 : vector<16xf32>
      %select_n3A_1034 = arith.select %gt3A_1033, %select_n3A_1032, %select_n3A_1020 : vector<16xi1>, vector<16xf32>
      %broadcast_in_dim3A_1035 = arith.constant 27 : i32
      %broadcast_in_dim3A_1036 = vector.broadcast %broadcast_in_dim3A_1035 : i32 to vector<16xi32>
      %select_n3A_1037 = arith.select %gt3A_1033, %broadcast_in_dim3A_1036, %select_n3A_1023 : vector<16xi1>, vector<16xi32>
      %add3A_1038 = arith.constant 3584 : i32
      %add3A_1039 = arith.addi %add3A_1038, %mul3A_4 : i32
      %get3A_1040 = arith.index_cast %add3A_1039 : i32 to index
      %get3A_1041 = tpu.vector_load %arg7[%get3A_1040] {strides = array<i32>} : memref<8192xf32, #tpu.memory_space<vmem>>, vector<16xf32>,
      %get3A_1042 = vector.shape_cast %get3A_1041 : vector<16xf32> to vector<16xf32>
      %eq3A_1043 = arith.constant 28 : i32
      %eq3A_1044 = vector.broadcast %eq3A_1043 : i32 to vector<16xi32>
      %eq3A_1045 = arith.cmpi eq, %select_n3A_644, %eq3A_1044 : vector<16xi32>
      %select_n3A_1046 = arith.select %eq3A_1045, %broadcast_in_dim3A_5, %get3A_1042 : vector<16xi1>, vector<16xf32>
      %gt3A_1047 = arith.cmpf ogt, %select_n3A_1046, %select_n3A_1034 : vector<16xf32>
      %select_n3A_1048 = arith.select %gt3A_1047, %select_n3A_1046, %select_n3A_1034 : vector<16xi1>, vector<16xf32>
      %broadcast_in_dim3A_1049 = arith.constant 28 : i32
      %broadcast_in_dim3A_1050 = vector.broadcast %broadcast_in_dim3A_1049 : i32 to vector<16xi32>
      %select_n3A_1051 = arith.select %gt3A_1047, %broadcast_in_dim3A_1050, %select_n3A_1037 : vector<16xi1>, vector<16xi32>
      %add3A_1052 = arith.constant 3712 : i32
      %add3A_1053 = arith.addi %add3A_1052, %mul3A_4 : i32
      %get3A_1054 = arith.index_cast %add3A_1053 : i32 to index
      %get3A_1055 = tpu.vector_load %arg7[%get3A_1054] {strides = array<i32>} : memref<8192xf32, #tpu.memory_space<vmem>>, vector<16xf32>,
      %get3A_1056 = vector.shape_cast %get3A_1055 : vector<16xf32> to vector<16xf32>
      %eq3A_1057 = arith.constant 29 : i32
      %eq3A_1058 = vector.broadcast %eq3A_1057 : i32 to vector<16xi32>
      %eq3A_1059 = arith.cmpi eq, %select_n3A_644, %eq3A_1058 : vector<16xi32>
      %select_n3A_1060 = arith.select %eq3A_1059, %broadcast_in_dim3A_5, %get3A_1056 : vector<16xi1>, vector<16xf32>
      %gt3A_1061 = arith.cmpf ogt, %select_n3A_1060, %select_n3A_1048 : vector<16xf32>
      %select_n3A_1062 = arith.select %gt3A_1061, %select_n3A_1060, %select_n3A_1048 : vector<16xi1>, vector<16xf32>
      %broadcast_in_dim3A_1063 = arith.constant 29 : i32
      %broadcast_in_dim3A_1064 = vector.broadcast %broadcast_in_dim3A_1063 : i32 to vector<16xi32>
      %select_n3A_1065 = arith.select %gt3A_1061, %broadcast_in_dim3A_1064, %select_n3A_1051 : vector<16xi1>, vector<16xi32>
      %add3A_1066 = arith.constant 3840 : i32
      %add3A_1067 = arith.addi %add3A_1066, %mul3A_4 : i32
      %get3A_1068 = arith.index_cast %add3A_1067 : i32 to index
      %get3A_1069 = tpu.vector_load %arg7[%get3A_1068] {strides = array<i32>} : memref<8192xf32, #tpu.memory_space<vmem>>, vector<16xf32>,
      %get3A_1070 = vector.shape_cast %get3A_1069 : vector<16xf32> to vector<16xf32>
      %eq3A_1071 = arith.constant 30 : i32
      %eq3A_1072 = vector.broadcast %eq3A_1071 : i32 to vector<16xi32>
      %eq3A_1073 = arith.cmpi eq, %select_n3A_644, %eq3A_1072 : vector<16xi32>
      %select_n3A_1074 = arith.select %eq3A_1073, %broadcast_in_dim3A_5, %get3A_1070 : vector<16xi1>, vector<16xf32>
      %gt3A_1075 = arith.cmpf ogt, %select_n3A_1074, %select_n3A_1062 : vector<16xf32>
      %select_n3A_1076 = arith.select %gt3A_1075, %select_n3A_1074, %select_n3A_1062 : vector<16xi1>, vector<16xf32>
      %broadcast_in_dim3A_1077 = arith.constant 30 : i32
      %broadcast_in_dim3A_1078 = vector.broadcast %broadcast_in_dim3A_1077 : i32 to vector<16xi32>
      %select_n3A_1079 = arith.select %gt3A_1075, %broadcast_in_dim3A_1078, %select_n3A_1065 : vector<16xi1>, vector<16xi32>
      %add3A_1080 = arith.constant 3968 : i32
      %add3A_1081 = arith.addi %add3A_1080, %mul3A_4 : i32
      %get3A_1082 = arith.index_cast %add3A_1081 : i32 to index
      %get3A_1083 = tpu.vector_load %arg7[%get3A_1082] {strides = array<i32>} : memref<8192xf32, #tpu.memory_space<vmem>>, vector<16xf32>,
      %get3A_1084 = vector.shape_cast %get3A_1083 : vector<16xf32> to vector<16xf32>
      %eq3A_1085 = arith.constant 31 : i32
      %eq3A_1086 = vector.broadcast %eq3A_1085 : i32 to vector<16xi32>
      %eq3A_1087 = arith.cmpi eq, %select_n3A_644, %eq3A_1086 : vector<16xi32>
      %select_n3A_1088 = arith.select %eq3A_1087, %broadcast_in_dim3A_5, %get3A_1084 : vector<16xi1>, vector<16xf32>
      %gt3A_1089 = arith.cmpf ogt, %select_n3A_1088, %select_n3A_1076 : vector<16xf32>
      %select_n3A_1090 = arith.select %gt3A_1089, %select_n3A_1088, %select_n3A_1076 : vector<16xi1>, vector<16xf32>
      %broadcast_in_dim3A_1091 = arith.constant 31 : i32
      %broadcast_in_dim3A_1092 = vector.broadcast %broadcast_in_dim3A_1091 : i32 to vector<16xi32>
      %select_n3A_1093 = arith.select %gt3A_1089, %broadcast_in_dim3A_1092, %select_n3A_1079 : vector<16xi1>, vector<16xi32>
      %add3A_1094 = arith.constant 4096 : i32
      %add3A_1095 = arith.addi %add3A_1094, %mul3A_4 : i32
      %get3A_1096 = arith.index_cast %add3A_1095 : i32 to index
      %get3A_1097 = tpu.vector_load %arg7[%get3A_1096] {strides = array<i32>} : memref<8192xf32, #tpu.memory_space<vmem>>, vector<16xf32>,
      %get3A_1098 = vector.shape_cast %get3A_1097 : vector<16xf32> to vector<16xf32>
      %eq3A_1099 = arith.constant 32 : i32
      %eq3A_1100 = vector.broadcast %eq3A_1099 : i32 to vector<16xi32>
      %eq3A_1101 = arith.cmpi eq, %select_n3A_644, %eq3A_1100 : vector<16xi32>
      %select_n3A_1102 = arith.select %eq3A_1101, %broadcast_in_dim3A_5, %get3A_1098 : vector<16xi1>, vector<16xf32>
      %gt3A_1103 = arith.cmpf ogt, %select_n3A_1102, %select_n3A_1090 : vector<16xf32>
      %select_n3A_1104 = arith.select %gt3A_1103, %select_n3A_1102, %select_n3A_1090 : vector<16xi1>, vector<16xf32>
      %broadcast_in_dim3A_1105 = arith.constant 32 : i32
      %broadcast_in_dim3A_1106 = vector.broadcast %broadcast_in_dim3A_1105 : i32 to vector<16xi32>
      %select_n3A_1107 = arith.select %gt3A_1103, %broadcast_in_dim3A_1106, %select_n3A_1093 : vector<16xi1>, vector<16xi32>
      %add3A_1108 = arith.constant 4224 : i32
      %add3A_1109 = arith.addi %add3A_1108, %mul3A_4 : i32
      %get3A_1110 = arith.index_cast %add3A_1109 : i32 to index
      %get3A_1111 = tpu.vector_load %arg7[%get3A_1110] {strides = array<i32>} : memref<8192xf32, #tpu.memory_space<vmem>>, vector<16xf32>,
      %get3A_1112 = vector.shape_cast %get3A_1111 : vector<16xf32> to vector<16xf32>
      %eq3A_1113 = arith.constant 33 : i32
      %eq3A_1114 = vector.broadcast %eq3A_1113 : i32 to vector<16xi32>
      %eq3A_1115 = arith.cmpi eq, %select_n3A_644, %eq3A_1114 : vector<16xi32>
      %select_n3A_1116 = arith.select %eq3A_1115, %broadcast_in_dim3A_5, %get3A_1112 : vector<16xi1>, vector<16xf32>
      %gt3A_1117 = arith.cmpf ogt, %select_n3A_1116, %select_n3A_1104 : vector<16xf32>
      %select_n3A_1118 = arith.select %gt3A_1117, %select_n3A_1116, %select_n3A_1104 : vector<16xi1>, vector<16xf32>
      %broadcast_in_dim3A_1119 = arith.constant 33 : i32
      %broadcast_in_dim3A_1120 = vector.broadcast %broadcast_in_dim3A_1119 : i32 to vector<16xi32>
      %select_n3A_1121 = arith.select %gt3A_1117, %broadcast_in_dim3A_1120, %select_n3A_1107 : vector<16xi1>, vector<16xi32>
      %add3A_1122 = arith.constant 4352 : i32
      %add3A_1123 = arith.addi %add3A_1122, %mul3A_4 : i32
      %get3A_1124 = arith.index_cast %add3A_1123 : i32 to index
      %get3A_1125 = tpu.vector_load %arg7[%get3A_1124] {strides = array<i32>} : memref<8192xf32, #tpu.memory_space<vmem>>, vector<16xf32>,
      %get3A_1126 = vector.shape_cast %get3A_1125 : vector<16xf32> to vector<16xf32>
      %eq3A_1127 = arith.constant 34 : i32
      %eq3A_1128 = vector.broadcast %eq3A_1127 : i32 to vector<16xi32>
      %eq3A_1129 = arith.cmpi eq, %select_n3A_644, %eq3A_1128 : vector<16xi32>
      %select_n3A_1130 = arith.select %eq3A_1129, %broadcast_in_dim3A_5, %get3A_1126 : vector<16xi1>, vector<16xf32>
      %gt3A_1131 = arith.cmpf ogt, %select_n3A_1130, %select_n3A_1118 : vector<16xf32>
      %select_n3A_1132 = arith.select %gt3A_1131, %select_n3A_1130, %select_n3A_1118 : vector<16xi1>, vector<16xf32>
      %broadcast_in_dim3A_1133 = arith.constant 34 : i32
      %broadcast_in_dim3A_1134 = vector.broadcast %broadcast_in_dim3A_1133 : i32 to vector<16xi32>
      %select_n3A_1135 = arith.select %gt3A_1131, %broadcast_in_dim3A_1134, %select_n3A_1121 : vector<16xi1>, vector<16xi32>
      %add3A_1136 = arith.constant 4480 : i32
      %add3A_1137 = arith.addi %add3A_1136, %mul3A_4 : i32
      %get3A_1138 = arith.index_cast %add3A_1137 : i32 to index
      %get3A_1139 = tpu.vector_load %arg7[%get3A_1138] {strides = array<i32>} : memref<8192xf32, #tpu.memory_space<vmem>>, vector<16xf32>,
      %get3A_1140 = vector.shape_cast %get3A_1139 : vector<16xf32> to vector<16xf32>
      %eq3A_1141 = arith.constant 35 : i32
      %eq3A_1142 = vector.broadcast %eq3A_1141 : i32 to vector<16xi32>
      %eq3A_1143 = arith.cmpi eq, %select_n3A_644, %eq3A_1142 : vector<16xi32>
      %select_n3A_1144 = arith.select %eq3A_1143, %broadcast_in_dim3A_5, %get3A_1140 : vector<16xi1>, vector<16xf32>
      %gt3A_1145 = arith.cmpf ogt, %select_n3A_1144, %select_n3A_1132 : vector<16xf32>
      %select_n3A_1146 = arith.select %gt3A_1145, %select_n3A_1144, %select_n3A_1132 : vector<16xi1>, vector<16xf32>
      %broadcast_in_dim3A_1147 = arith.constant 35 : i32
      %broadcast_in_dim3A_1148 = vector.broadcast %broadcast_in_dim3A_1147 : i32 to vector<16xi32>
      %select_n3A_1149 = arith.select %gt3A_1145, %broadcast_in_dim3A_1148, %select_n3A_1135 : vector<16xi1>, vector<16xi32>
      %add3A_1150 = arith.constant 4608 : i32
      %add3A_1151 = arith.addi %add3A_1150, %mul3A_4 : i32
      %get3A_1152 = arith.index_cast %add3A_1151 : i32 to index
      %get3A_1153 = tpu.vector_load %arg7[%get3A_1152] {strides = array<i32>} : memref<8192xf32, #tpu.memory_space<vmem>>, vector<16xf32>,
      %get3A_1154 = vector.shape_cast %get3A_1153 : vector<16xf32> to vector<16xf32>
      %eq3A_1155 = arith.constant 36 : i32
      %eq3A_1156 = vector.broadcast %eq3A_1155 : i32 to vector<16xi32>
      %eq3A_1157 = arith.cmpi eq, %select_n3A_644, %eq3A_1156 : vector<16xi32>
      %select_n3A_1158 = arith.select %eq3A_1157, %broadcast_in_dim3A_5, %get3A_1154 : vector<16xi1>, vector<16xf32>
      %gt3A_1159 = arith.cmpf ogt, %select_n3A_1158, %select_n3A_1146 : vector<16xf32>
      %select_n3A_1160 = arith.select %gt3A_1159, %select_n3A_1158, %select_n3A_1146 : vector<16xi1>, vector<16xf32>
      %broadcast_in_dim3A_1161 = arith.constant 36 : i32
      %broadcast_in_dim3A_1162 = vector.broadcast %broadcast_in_dim3A_1161 : i32 to vector<16xi32>
      %select_n3A_1163 = arith.select %gt3A_1159, %broadcast_in_dim3A_1162, %select_n3A_1149 : vector<16xi1>, vector<16xi32>
      %add3A_1164 = arith.constant 4736 : i32
      %add3A_1165 = arith.addi %add3A_1164, %mul3A_4 : i32
      %get3A_1166 = arith.index_cast %add3A_1165 : i32 to index
      %get3A_1167 = tpu.vector_load %arg7[%get3A_1166] {strides = array<i32>} : memref<8192xf32, #tpu.memory_space<vmem>>, vector<16xf32>,
      %get3A_1168 = vector.shape_cast %get3A_1167 : vector<16xf32> to vector<16xf32>
      %eq3A_1169 = arith.constant 37 : i32
      %eq3A_1170 = vector.broadcast %eq3A_1169 : i32 to vector<16xi32>
      %eq3A_1171 = arith.cmpi eq, %select_n3A_644, %eq3A_1170 : vector<16xi32>
      %select_n3A_1172 = arith.select %eq3A_1171, %broadcast_in_dim3A_5, %get3A_1168 : vector<16xi1>, vector<16xf32>
      %gt3A_1173 = arith.cmpf ogt, %select_n3A_1172, %select_n3A_1160 : vector<16xf32>
      %select_n3A_1174 = arith.select %gt3A_1173, %select_n3A_1172, %select_n3A_1160 : vector<16xi1>, vector<16xf32>
      %broadcast_in_dim3A_1175 = arith.constant 37 : i32
      %broadcast_in_dim3A_1176 = vector.broadcast %broadcast_in_dim3A_1175 : i32 to vector<16xi32>
      %select_n3A_1177 = arith.select %gt3A_1173, %broadcast_in_dim3A_1176, %select_n3A_1163 : vector<16xi1>, vector<16xi32>
      %add3A_1178 = arith.constant 4864 : i32
      %add3A_1179 = arith.addi %add3A_1178, %mul3A_4 : i32
      %get3A_1180 = arith.index_cast %add3A_1179 : i32 to index
      %get3A_1181 = tpu.vector_load %arg7[%get3A_1180] {strides = array<i32>} : memref<8192xf32, #tpu.memory_space<vmem>>, vector<16xf32>,
      %get3A_1182 = vector.shape_cast %get3A_1181 : vector<16xf32> to vector<16xf32>
      %eq3A_1183 = arith.constant 38 : i32
      %eq3A_1184 = vector.broadcast %eq3A_1183 : i32 to vector<16xi32>
      %eq3A_1185 = arith.cmpi eq, %select_n3A_644, %eq3A_1184 : vector<16xi32>
      %select_n3A_1186 = arith.select %eq3A_1185, %broadcast_in_dim3A_5, %get3A_1182 : vector<16xi1>, vector<16xf32>
      %gt3A_1187 = arith.cmpf ogt, %select_n3A_1186, %select_n3A_1174 : vector<16xf32>
      %select_n3A_1188 = arith.select %gt3A_1187, %select_n3A_1186, %select_n3A_1174 : vector<16xi1>, vector<16xf32>
      %broadcast_in_dim3A_1189 = arith.constant 38 : i32
      %broadcast_in_dim3A_1190 = vector.broadcast %broadcast_in_dim3A_1189 : i32 to vector<16xi32>
      %select_n3A_1191 = arith.select %gt3A_1187, %broadcast_in_dim3A_1190, %select_n3A_1177 : vector<16xi1>, vector<16xi32>
      %add3A_1192 = arith.constant 4992 : i32
      %add3A_1193 = arith.addi %add3A_1192, %mul3A_4 : i32
      %get3A_1194 = arith.index_cast %add3A_1193 : i32 to index
      %get3A_1195 = tpu.vector_load %arg7[%get3A_1194] {strides = array<i32>} : memref<8192xf32, #tpu.memory_space<vmem>>, vector<16xf32>,
      %get3A_1196 = vector.shape_cast %get3A_1195 : vector<16xf32> to vector<16xf32>
      %eq3A_1197 = arith.constant 39 : i32
      %eq3A_1198 = vector.broadcast %eq3A_1197 : i32 to vector<16xi32>
      %eq3A_1199 = arith.cmpi eq, %select_n3A_644, %eq3A_1198 : vector<16xi32>
      %select_n3A_1200 = arith.select %eq3A_1199, %broadcast_in_dim3A_5, %get3A_1196 : vector<16xi1>, vector<16xf32>
      %gt3A_1201 = arith.cmpf ogt, %select_n3A_1200, %select_n3A_1188 : vector<16xf32>
      %select_n3A_1202 = arith.select %gt3A_1201, %select_n3A_1200, %select_n3A_1188 : vector<16xi1>, vector<16xf32>
      %broadcast_in_dim3A_1203 = arith.constant 39 : i32
      %broadcast_in_dim3A_1204 = vector.broadcast %broadcast_in_dim3A_1203 : i32 to vector<16xi32>
      %select_n3A_1205 = arith.select %gt3A_1201, %broadcast_in_dim3A_1204, %select_n3A_1191 : vector<16xi1>, vector<16xi32>
      %add3A_1206 = arith.constant 5120 : i32
      %add3A_1207 = arith.addi %add3A_1206, %mul3A_4 : i32
      %get3A_1208 = arith.index_cast %add3A_1207 : i32 to index
      %get3A_1209 = tpu.vector_load %arg7[%get3A_1208] {strides = array<i32>} : memref<8192xf32, #tpu.memory_space<vmem>>, vector<16xf32>,
      %get3A_1210 = vector.shape_cast %get3A_1209 : vector<16xf32> to vector<16xf32>
      %eq3A_1211 = arith.constant 40 : i32
      %eq3A_1212 = vector.broadcast %eq3A_1211 : i32 to vector<16xi32>
      %eq3A_1213 = arith.cmpi eq, %select_n3A_644, %eq3A_1212 : vector<16xi32>
      %select_n3A_1214 = arith.select %eq3A_1213, %broadcast_in_dim3A_5, %get3A_1210 : vector<16xi1>, vector<16xf32>
      %gt3A_1215 = arith.cmpf ogt, %select_n3A_1214, %select_n3A_1202 : vector<16xf32>
      %select_n3A_1216 = arith.select %gt3A_1215, %select_n3A_1214, %select_n3A_1202 : vector<16xi1>, vector<16xf32>
      %broadcast_in_dim3A_1217 = arith.constant 40 : i32
      %broadcast_in_dim3A_1218 = vector.broadcast %broadcast_in_dim3A_1217 : i32 to vector<16xi32>
      %select_n3A_1219 = arith.select %gt3A_1215, %broadcast_in_dim3A_1218, %select_n3A_1205 : vector<16xi1>, vector<16xi32>
      %add3A_1220 = arith.constant 5248 : i32
      %add3A_1221 = arith.addi %add3A_1220, %mul3A_4 : i32
      %get3A_1222 = arith.index_cast %add3A_1221 : i32 to index
      %get3A_1223 = tpu.vector_load %arg7[%get3A_1222] {strides = array<i32>} : memref<8192xf32, #tpu.memory_space<vmem>>, vector<16xf32>,
      %get3A_1224 = vector.shape_cast %get3A_1223 : vector<16xf32> to vector<16xf32>
      %eq3A_1225 = arith.constant 41 : i32
      %eq3A_1226 = vector.broadcast %eq3A_1225 : i32 to vector<16xi32>
      %eq3A_1227 = arith.cmpi eq, %select_n3A_644, %eq3A_1226 : vector<16xi32>
      %select_n3A_1228 = arith.select %eq3A_1227, %broadcast_in_dim3A_5, %get3A_1224 : vector<16xi1>, vector<16xf32>
      %gt3A_1229 = arith.cmpf ogt, %select_n3A_1228, %select_n3A_1216 : vector<16xf32>
      %select_n3A_1230 = arith.select %gt3A_1229, %select_n3A_1228, %select_n3A_1216 : vector<16xi1>, vector<16xf32>
      %broadcast_in_dim3A_1231 = arith.constant 41 : i32
      %broadcast_in_dim3A_1232 = vector.broadcast %broadcast_in_dim3A_1231 : i32 to vector<16xi32>
      %select_n3A_1233 = arith.select %gt3A_1229, %broadcast_in_dim3A_1232, %select_n3A_1219 : vector<16xi1>, vector<16xi32>
      %add3A_1234 = arith.constant 5376 : i32
      %add3A_1235 = arith.addi %add3A_1234, %mul3A_4 : i32
      %get3A_1236 = arith.index_cast %add3A_1235 : i32 to index
      %get3A_1237 = tpu.vector_load %arg7[%get3A_1236] {strides = array<i32>} : memref<8192xf32, #tpu.memory_space<vmem>>, vector<16xf32>,
      %get3A_1238 = vector.shape_cast %get3A_1237 : vector<16xf32> to vector<16xf32>
      %eq3A_1239 = arith.constant 42 : i32
      %eq3A_1240 = vector.broadcast %eq3A_1239 : i32 to vector<16xi32>
      %eq3A_1241 = arith.cmpi eq, %select_n3A_644, %eq3A_1240 : vector<16xi32>
      %select_n3A_1242 = arith.select %eq3A_1241, %broadcast_in_dim3A_5, %get3A_1238 : vector<16xi1>, vector<16xf32>
      %gt3A_1243 = arith.cmpf ogt, %select_n3A_1242, %select_n3A_1230 : vector<16xf32>
      %select_n3A_1244 = arith.select %gt3A_1243, %select_n3A_1242, %select_n3A_1230 : vector<16xi1>, vector<16xf32>
      %broadcast_in_dim3A_1245 = arith.constant 42 : i32
      %broadcast_in_dim3A_1246 = vector.broadcast %broadcast_in_dim3A_1245 : i32 to vector<16xi32>
      %select_n3A_1247 = arith.select %gt3A_1243, %broadcast_in_dim3A_1246, %select_n3A_1233 : vector<16xi1>, vector<16xi32>
      %add3A_1248 = arith.constant 5504 : i32
      %add3A_1249 = arith.addi %add3A_1248, %mul3A_4 : i32
      %get3A_1250 = arith.index_cast %add3A_1249 : i32 to index
      %get3A_1251 = tpu.vector_load %arg7[%get3A_1250] {strides = array<i32>} : memref<8192xf32, #tpu.memory_space<vmem>>, vector<16xf32>,
      %get3A_1252 = vector.shape_cast %get3A_1251 : vector<16xf32> to vector<16xf32>
      %eq3A_1253 = arith.constant 43 : i32
      %eq3A_1254 = vector.broadcast %eq3A_1253 : i32 to vector<16xi32>
      %eq3A_1255 = arith.cmpi eq, %select_n3A_644, %eq3A_1254 : vector<16xi32>
      %select_n3A_1256 = arith.select %eq3A_1255, %broadcast_in_dim3A_5, %get3A_1252 : vector<16xi1>, vector<16xf32>
      %gt3A_1257 = arith.cmpf ogt, %select_n3A_1256, %select_n3A_1244 : vector<16xf32>
      %select_n3A_1258 = arith.select %gt3A_1257, %select_n3A_1256, %select_n3A_1244 : vector<16xi1>, vector<16xf32>
      %broadcast_in_dim3A_1259 = arith.constant 43 : i32
      %broadcast_in_dim3A_1260 = vector.broadcast %broadcast_in_dim3A_1259 : i32 to vector<16xi32>
      %select_n3A_1261 = arith.select %gt3A_1257, %broadcast_in_dim3A_1260, %select_n3A_1247 : vector<16xi1>, vector<16xi32>
      %add3A_1262 = arith.constant 5632 : i32
      %add3A_1263 = arith.addi %add3A_1262, %mul3A_4 : i32
      %get3A_1264 = arith.index_cast %add3A_1263 : i32 to index
      %get3A_1265 = tpu.vector_load %arg7[%get3A_1264] {strides = array<i32>} : memref<8192xf32, #tpu.memory_space<vmem>>, vector<16xf32>,
      %get3A_1266 = vector.shape_cast %get3A_1265 : vector<16xf32> to vector<16xf32>
      %eq3A_1267 = arith.constant 44 : i32
      %eq3A_1268 = vector.broadcast %eq3A_1267 : i32 to vector<16xi32>
      %eq3A_1269 = arith.cmpi eq, %select_n3A_644, %eq3A_1268 : vector<16xi32>
      %select_n3A_1270 = arith.select %eq3A_1269, %broadcast_in_dim3A_5, %get3A_1266 : vector<16xi1>, vector<16xf32>
      %gt3A_1271 = arith.cmpf ogt, %select_n3A_1270, %select_n3A_1258 : vector<16xf32>
      %select_n3A_1272 = arith.select %gt3A_1271, %select_n3A_1270, %select_n3A_1258 : vector<16xi1>, vector<16xf32>
      %broadcast_in_dim3A_1273 = arith.constant 44 : i32
      %broadcast_in_dim3A_1274 = vector.broadcast %broadcast_in_dim3A_1273 : i32 to vector<16xi32>
      %select_n3A_1275 = arith.select %gt3A_1271, %broadcast_in_dim3A_1274, %select_n3A_1261 : vector<16xi1>, vector<16xi32>
      %add3A_1276 = arith.constant 5760 : i32
      %add3A_1277 = arith.addi %add3A_1276, %mul3A_4 : i32
      %get3A_1278 = arith.index_cast %add3A_1277 : i32 to index
      %get3A_1279 = tpu.vector_load %arg7[%get3A_1278] {strides = array<i32>} : memref<8192xf32, #tpu.memory_space<vmem>>, vector<16xf32>,
      %get3A_1280 = vector.shape_cast %get3A_1279 : vector<16xf32> to vector<16xf32>
      %eq3A_1281 = arith.constant 45 : i32
      %eq3A_1282 = vector.broadcast %eq3A_1281 : i32 to vector<16xi32>
      %eq3A_1283 = arith.cmpi eq, %select_n3A_644, %eq3A_1282 : vector<16xi32>
      %select_n3A_1284 = arith.select %eq3A_1283, %broadcast_in_dim3A_5, %get3A_1280 : vector<16xi1>, vector<16xf32>
      %gt3A_1285 = arith.cmpf ogt, %select_n3A_1284, %select_n3A_1272 : vector<16xf32>
      %select_n3A_1286 = arith.select %gt3A_1285, %select_n3A_1284, %select_n3A_1272 : vector<16xi1>, vector<16xf32>
      %broadcast_in_dim3A_1287 = arith.constant 45 : i32
      %broadcast_in_dim3A_1288 = vector.broadcast %broadcast_in_dim3A_1287 : i32 to vector<16xi32>
      %select_n3A_1289 = arith.select %gt3A_1285, %broadcast_in_dim3A_1288, %select_n3A_1275 : vector<16xi1>, vector<16xi32>
      %add3A_1290 = arith.constant 5888 : i32
      %add3A_1291 = arith.addi %add3A_1290, %mul3A_4 : i32
      %get3A_1292 = arith.index_cast %add3A_1291 : i32 to index
      %get3A_1293 = tpu.vector_load %arg7[%get3A_1292] {strides = array<i32>} : memref<8192xf32, #tpu.memory_space<vmem>>, vector<16xf32>,
      %get3A_1294 = vector.shape_cast %get3A_1293 : vector<16xf32> to vector<16xf32>
      %eq3A_1295 = arith.constant 46 : i32
      %eq3A_1296 = vector.broadcast %eq3A_1295 : i32 to vector<16xi32>
      %eq3A_1297 = arith.cmpi eq, %select_n3A_644, %eq3A_1296 : vector<16xi32>
      %select_n3A_1298 = arith.select %eq3A_1297, %broadcast_in_dim3A_5, %get3A_1294 : vector<16xi1>, vector<16xf32>
      %gt3A_1299 = arith.cmpf ogt, %select_n3A_1298, %select_n3A_1286 : vector<16xf32>
      %select_n3A_1300 = arith.select %gt3A_1299, %select_n3A_1298, %select_n3A_1286 : vector<16xi1>, vector<16xf32>
      %broadcast_in_dim3A_1301 = arith.constant 46 : i32
      %broadcast_in_dim3A_1302 = vector.broadcast %broadcast_in_dim3A_1301 : i32 to vector<16xi32>
      %select_n3A_1303 = arith.select %gt3A_1299, %broadcast_in_dim3A_1302, %select_n3A_1289 : vector<16xi1>, vector<16xi32>
      %add3A_1304 = arith.constant 6016 : i32
      %add3A_1305 = arith.addi %add3A_1304, %mul3A_4 : i32
      %get3A_1306 = arith.index_cast %add3A_1305 : i32 to index
      %get3A_1307 = tpu.vector_load %arg7[%get3A_1306] {strides = array<i32>} : memref<8192xf32, #tpu.memory_space<vmem>>, vector<16xf32>,
      %get3A_1308 = vector.shape_cast %get3A_1307 : vector<16xf32> to vector<16xf32>
      %eq3A_1309 = arith.constant 47 : i32
      %eq3A_1310 = vector.broadcast %eq3A_1309 : i32 to vector<16xi32>
      %eq3A_1311 = arith.cmpi eq, %select_n3A_644, %eq3A_1310 : vector<16xi32>
      %select_n3A_1312 = arith.select %eq3A_1311, %broadcast_in_dim3A_5, %get3A_1308 : vector<16xi1>, vector<16xf32>
      %gt3A_1313 = arith.cmpf ogt, %select_n3A_1312, %select_n3A_1300 : vector<16xf32>
      %select_n3A_1314 = arith.select %gt3A_1313, %select_n3A_1312, %select_n3A_1300 : vector<16xi1>, vector<16xf32>
      %broadcast_in_dim3A_1315 = arith.constant 47 : i32
      %broadcast_in_dim3A_1316 = vector.broadcast %broadcast_in_dim3A_1315 : i32 to vector<16xi32>
      %select_n3A_1317 = arith.select %gt3A_1313, %broadcast_in_dim3A_1316, %select_n3A_1303 : vector<16xi1>, vector<16xi32>
      %add3A_1318 = arith.constant 6144 : i32
      %add3A_1319 = arith.addi %add3A_1318, %mul3A_4 : i32
      %get3A_1320 = arith.index_cast %add3A_1319 : i32 to index
      %get3A_1321 = tpu.vector_load %arg7[%get3A_1320] {strides = array<i32>} : memref<8192xf32, #tpu.memory_space<vmem>>, vector<16xf32>,
      %get3A_1322 = vector.shape_cast %get3A_1321 : vector<16xf32> to vector<16xf32>
      %eq3A_1323 = arith.constant 48 : i32
      %eq3A_1324 = vector.broadcast %eq3A_1323 : i32 to vector<16xi32>
      %eq3A_1325 = arith.cmpi eq, %select_n3A_644, %eq3A_1324 : vector<16xi32>
      %select_n3A_1326 = arith.select %eq3A_1325, %broadcast_in_dim3A_5, %get3A_1322 : vector<16xi1>, vector<16xf32>
      %gt3A_1327 = arith.cmpf ogt, %select_n3A_1326, %select_n3A_1314 : vector<16xf32>
      %select_n3A_1328 = arith.select %gt3A_1327, %select_n3A_1326, %select_n3A_1314 : vector<16xi1>, vector<16xf32>
      %broadcast_in_dim3A_1329 = arith.constant 48 : i32
      %broadcast_in_dim3A_1330 = vector.broadcast %broadcast_in_dim3A_1329 : i32 to vector<16xi32>
      %select_n3A_1331 = arith.select %gt3A_1327, %broadcast_in_dim3A_1330, %select_n3A_1317 : vector<16xi1>, vector<16xi32>
      %add3A_1332 = arith.constant 6272 : i32
      %add3A_1333 = arith.addi %add3A_1332, %mul3A_4 : i32
      %get3A_1334 = arith.index_cast %add3A_1333 : i32 to index
      %get3A_1335 = tpu.vector_load %arg7[%get3A_1334] {strides = array<i32>} : memref<8192xf32, #tpu.memory_space<vmem>>, vector<16xf32>,
      %get3A_1336 = vector.shape_cast %get3A_1335 : vector<16xf32> to vector<16xf32>
      %eq3A_1337 = arith.constant 49 : i32
      %eq3A_1338 = vector.broadcast %eq3A_1337 : i32 to vector<16xi32>
      %eq3A_1339 = arith.cmpi eq, %select_n3A_644, %eq3A_1338 : vector<16xi32>
      %select_n3A_1340 = arith.select %eq3A_1339, %broadcast_in_dim3A_5, %get3A_1336 : vector<16xi1>, vector<16xf32>
      %gt3A_1341 = arith.cmpf ogt, %select_n3A_1340, %select_n3A_1328 : vector<16xf32>
      %select_n3A_1342 = arith.select %gt3A_1341, %select_n3A_1340, %select_n3A_1328 : vector<16xi1>, vector<16xf32>
      %broadcast_in_dim3A_1343 = arith.constant 49 : i32
      %broadcast_in_dim3A_1344 = vector.broadcast %broadcast_in_dim3A_1343 : i32 to vector<16xi32>
      %select_n3A_1345 = arith.select %gt3A_1341, %broadcast_in_dim3A_1344, %select_n3A_1331 : vector<16xi1>, vector<16xi32>
      %add3A_1346 = arith.constant 6400 : i32
      %add3A_1347 = arith.addi %add3A_1346, %mul3A_4 : i32
      %get3A_1348 = arith.index_cast %add3A_1347 : i32 to index
      %get3A_1349 = tpu.vector_load %arg7[%get3A_1348] {strides = array<i32>} : memref<8192xf32, #tpu.memory_space<vmem>>, vector<16xf32>,
      %get3A_1350 = vector.shape_cast %get3A_1349 : vector<16xf32> to vector<16xf32>
      %eq3A_1351 = arith.constant 50 : i32
      %eq3A_1352 = vector.broadcast %eq3A_1351 : i32 to vector<16xi32>
      %eq3A_1353 = arith.cmpi eq, %select_n3A_644, %eq3A_1352 : vector<16xi32>
      %select_n3A_1354 = arith.select %eq3A_1353, %broadcast_in_dim3A_5, %get3A_1350 : vector<16xi1>, vector<16xf32>
      %gt3A_1355 = arith.cmpf ogt, %select_n3A_1354, %select_n3A_1342 : vector<16xf32>
      %select_n3A_1356 = arith.select %gt3A_1355, %select_n3A_1354, %select_n3A_1342 : vector<16xi1>, vector<16xf32>
      %broadcast_in_dim3A_1357 = arith.constant 50 : i32
      %broadcast_in_dim3A_1358 = vector.broadcast %broadcast_in_dim3A_1357 : i32 to vector<16xi32>
      %select_n3A_1359 = arith.select %gt3A_1355, %broadcast_in_dim3A_1358, %select_n3A_1345 : vector<16xi1>, vector<16xi32>
      %add3A_1360 = arith.constant 6528 : i32
      %add3A_1361 = arith.addi %add3A_1360, %mul3A_4 : i32
      %get3A_1362 = arith.index_cast %add3A_1361 : i32 to index
      %get3A_1363 = tpu.vector_load %arg7[%get3A_1362] {strides = array<i32>} : memref<8192xf32, #tpu.memory_space<vmem>>, vector<16xf32>,
      %get3A_1364 = vector.shape_cast %get3A_1363 : vector<16xf32> to vector<16xf32>
      %eq3A_1365 = arith.constant 51 : i32
      %eq3A_1366 = vector.broadcast %eq3A_1365 : i32 to vector<16xi32>
      %eq3A_1367 = arith.cmpi eq, %select_n3A_644, %eq3A_1366 : vector<16xi32>
      %select_n3A_1368 = arith.select %eq3A_1367, %broadcast_in_dim3A_5, %get3A_1364 : vector<16xi1>, vector<16xf32>
      %gt3A_1369 = arith.cmpf ogt, %select_n3A_1368, %select_n3A_1356 : vector<16xf32>
      %select_n3A_1370 = arith.select %gt3A_1369, %select_n3A_1368, %select_n3A_1356 : vector<16xi1>, vector<16xf32>
      %broadcast_in_dim3A_1371 = arith.constant 51 : i32
      %broadcast_in_dim3A_1372 = vector.broadcast %broadcast_in_dim3A_1371 : i32 to vector<16xi32>
      %select_n3A_1373 = arith.select %gt3A_1369, %broadcast_in_dim3A_1372, %select_n3A_1359 : vector<16xi1>, vector<16xi32>
      %add3A_1374 = arith.constant 6656 : i32
      %add3A_1375 = arith.addi %add3A_1374, %mul3A_4 : i32
      %get3A_1376 = arith.index_cast %add3A_1375 : i32 to index
      %get3A_1377 = tpu.vector_load %arg7[%get3A_1376] {strides = array<i32>} : memref<8192xf32, #tpu.memory_space<vmem>>, vector<16xf32>,
      %get3A_1378 = vector.shape_cast %get3A_1377 : vector<16xf32> to vector<16xf32>
      %eq3A_1379 = arith.constant 52 : i32
      %eq3A_1380 = vector.broadcast %eq3A_1379 : i32 to vector<16xi32>
      %eq3A_1381 = arith.cmpi eq, %select_n3A_644, %eq3A_1380 : vector<16xi32>
      %select_n3A_1382 = arith.select %eq3A_1381, %broadcast_in_dim3A_5, %get3A_1378 : vector<16xi1>, vector<16xf32>
      %gt3A_1383 = arith.cmpf ogt, %select_n3A_1382, %select_n3A_1370 : vector<16xf32>
      %select_n3A_1384 = arith.select %gt3A_1383, %select_n3A_1382, %select_n3A_1370 : vector<16xi1>, vector<16xf32>
      %broadcast_in_dim3A_1385 = arith.constant 52 : i32
      %broadcast_in_dim3A_1386 = vector.broadcast %broadcast_in_dim3A_1385 : i32 to vector<16xi32>
      %select_n3A_1387 = arith.select %gt3A_1383, %broadcast_in_dim3A_1386, %select_n3A_1373 : vector<16xi1>, vector<16xi32>
      %add3A_1388 = arith.constant 6784 : i32
      %add3A_1389 = arith.addi %add3A_1388, %mul3A_4 : i32
      %get3A_1390 = arith.index_cast %add3A_1389 : i32 to index
      %get3A_1391 = tpu.vector_load %arg7[%get3A_1390] {strides = array<i32>} : memref<8192xf32, #tpu.memory_space<vmem>>, vector<16xf32>,
      %get3A_1392 = vector.shape_cast %get3A_1391 : vector<16xf32> to vector<16xf32>
      %eq3A_1393 = arith.constant 53 : i32
      %eq3A_1394 = vector.broadcast %eq3A_1393 : i32 to vector<16xi32>
      %eq3A_1395 = arith.cmpi eq, %select_n3A_644, %eq3A_1394 : vector<16xi32>
      %select_n3A_1396 = arith.select %eq3A_1395, %broadcast_in_dim3A_5, %get3A_1392 : vector<16xi1>, vector<16xf32>
      %gt3A_1397 = arith.cmpf ogt, %select_n3A_1396, %select_n3A_1384 : vector<16xf32>
      %select_n3A_1398 = arith.select %gt3A_1397, %select_n3A_1396, %select_n3A_1384 : vector<16xi1>, vector<16xf32>
      %broadcast_in_dim3A_1399 = arith.constant 53 : i32
      %broadcast_in_dim3A_1400 = vector.broadcast %broadcast_in_dim3A_1399 : i32 to vector<16xi32>
      %select_n3A_1401 = arith.select %gt3A_1397, %broadcast_in_dim3A_1400, %select_n3A_1387 : vector<16xi1>, vector<16xi32>
      %add3A_1402 = arith.constant 6912 : i32
      %add3A_1403 = arith.addi %add3A_1402, %mul3A_4 : i32
      %get3A_1404 = arith.index_cast %add3A_1403 : i32 to index
      %get3A_1405 = tpu.vector_load %arg7[%get3A_1404] {strides = array<i32>} : memref<8192xf32, #tpu.memory_space<vmem>>, vector<16xf32>,
      %get3A_1406 = vector.shape_cast %get3A_1405 : vector<16xf32> to vector<16xf32>
      %eq3A_1407 = arith.constant 54 : i32
      %eq3A_1408 = vector.broadcast %eq3A_1407 : i32 to vector<16xi32>
      %eq3A_1409 = arith.cmpi eq, %select_n3A_644, %eq3A_1408 : vector<16xi32>
      %select_n3A_1410 = arith.select %eq3A_1409, %broadcast_in_dim3A_5, %get3A_1406 : vector<16xi1>, vector<16xf32>
      %gt3A_1411 = arith.cmpf ogt, %select_n3A_1410, %select_n3A_1398 : vector<16xf32>
      %select_n3A_1412 = arith.select %gt3A_1411, %select_n3A_1410, %select_n3A_1398 : vector<16xi1>, vector<16xf32>
      %broadcast_in_dim3A_1413 = arith.constant 54 : i32
      %broadcast_in_dim3A_1414 = vector.broadcast %broadcast_in_dim3A_1413 : i32 to vector<16xi32>
      %select_n3A_1415 = arith.select %gt3A_1411, %broadcast_in_dim3A_1414, %select_n3A_1401 : vector<16xi1>, vector<16xi32>
      %add3A_1416 = arith.constant 7040 : i32
      %add3A_1417 = arith.addi %add3A_1416, %mul3A_4 : i32
      %get3A_1418 = arith.index_cast %add3A_1417 : i32 to index
      %get3A_1419 = tpu.vector_load %arg7[%get3A_1418] {strides = array<i32>} : memref<8192xf32, #tpu.memory_space<vmem>>, vector<16xf32>,
      %get3A_1420 = vector.shape_cast %get3A_1419 : vector<16xf32> to vector<16xf32>
      %eq3A_1421 = arith.constant 55 : i32
      %eq3A_1422 = vector.broadcast %eq3A_1421 : i32 to vector<16xi32>
      %eq3A_1423 = arith.cmpi eq, %select_n3A_644, %eq3A_1422 : vector<16xi32>
      %select_n3A_1424 = arith.select %eq3A_1423, %broadcast_in_dim3A_5, %get3A_1420 : vector<16xi1>, vector<16xf32>
      %gt3A_1425 = arith.cmpf ogt, %select_n3A_1424, %select_n3A_1412 : vector<16xf32>
      %select_n3A_1426 = arith.select %gt3A_1425, %select_n3A_1424, %select_n3A_1412 : vector<16xi1>, vector<16xf32>
      %broadcast_in_dim3A_1427 = arith.constant 55 : i32
      %broadcast_in_dim3A_1428 = vector.broadcast %broadcast_in_dim3A_1427 : i32 to vector<16xi32>
      %select_n3A_1429 = arith.select %gt3A_1425, %broadcast_in_dim3A_1428, %select_n3A_1415 : vector<16xi1>, vector<16xi32>
      %add3A_1430 = arith.constant 7168 : i32
      %add3A_1431 = arith.addi %add3A_1430, %mul3A_4 : i32
      %get3A_1432 = arith.index_cast %add3A_1431 : i32 to index
      %get3A_1433 = tpu.vector_load %arg7[%get3A_1432] {strides = array<i32>} : memref<8192xf32, #tpu.memory_space<vmem>>, vector<16xf32>,
      %get3A_1434 = vector.shape_cast %get3A_1433 : vector<16xf32> to vector<16xf32>
      %eq3A_1435 = arith.constant 56 : i32
      %eq3A_1436 = vector.broadcast %eq3A_1435 : i32 to vector<16xi32>
      %eq3A_1437 = arith.cmpi eq, %select_n3A_644, %eq3A_1436 : vector<16xi32>
      %select_n3A_1438 = arith.select %eq3A_1437, %broadcast_in_dim3A_5, %get3A_1434 : vector<16xi1>, vector<16xf32>
      %gt3A_1439 = arith.cmpf ogt, %select_n3A_1438, %select_n3A_1426 : vector<16xf32>
      %select_n3A_1440 = arith.select %gt3A_1439, %select_n3A_1438, %select_n3A_1426 : vector<16xi1>, vector<16xf32>
      %broadcast_in_dim3A_1441 = arith.constant 56 : i32
      %broadcast_in_dim3A_1442 = vector.broadcast %broadcast_in_dim3A_1441 : i32 to vector<16xi32>
      %select_n3A_1443 = arith.select %gt3A_1439, %broadcast_in_dim3A_1442, %select_n3A_1429 : vector<16xi1>, vector<16xi32>
      %add3A_1444 = arith.constant 7296 : i32
      %add3A_1445 = arith.addi %add3A_1444, %mul3A_4 : i32
      %get3A_1446 = arith.index_cast %add3A_1445 : i32 to index
      %get3A_1447 = tpu.vector_load %arg7[%get3A_1446] {strides = array<i32>} : memref<8192xf32, #tpu.memory_space<vmem>>, vector<16xf32>,
      %get3A_1448 = vector.shape_cast %get3A_1447 : vector<16xf32> to vector<16xf32>
      %eq3A_1449 = arith.constant 57 : i32
      %eq3A_1450 = vector.broadcast %eq3A_1449 : i32 to vector<16xi32>
      %eq3A_1451 = arith.cmpi eq, %select_n3A_644, %eq3A_1450 : vector<16xi32>
      %select_n3A_1452 = arith.select %eq3A_1451, %broadcast_in_dim3A_5, %get3A_1448 : vector<16xi1>, vector<16xf32>
      %gt3A_1453 = arith.cmpf ogt, %select_n3A_1452, %select_n3A_1440 : vector<16xf32>
      %select_n3A_1454 = arith.select %gt3A_1453, %select_n3A_1452, %select_n3A_1440 : vector<16xi1>, vector<16xf32>
      %broadcast_in_dim3A_1455 = arith.constant 57 : i32
      %broadcast_in_dim3A_1456 = vector.broadcast %broadcast_in_dim3A_1455 : i32 to vector<16xi32>
      %select_n3A_1457 = arith.select %gt3A_1453, %broadcast_in_dim3A_1456, %select_n3A_1443 : vector<16xi1>, vector<16xi32>
      %add3A_1458 = arith.constant 7424 : i32
      %add3A_1459 = arith.addi %add3A_1458, %mul3A_4 : i32
      %get3A_1460 = arith.index_cast %add3A_1459 : i32 to index
      %get3A_1461 = tpu.vector_load %arg7[%get3A_1460] {strides = array<i32>} : memref<8192xf32, #tpu.memory_space<vmem>>, vector<16xf32>,
      %get3A_1462 = vector.shape_cast %get3A_1461 : vector<16xf32> to vector<16xf32>
      %eq3A_1463 = arith.constant 58 : i32
      %eq3A_1464 = vector.broadcast %eq3A_1463 : i32 to vector<16xi32>
      %eq3A_1465 = arith.cmpi eq, %select_n3A_644, %eq3A_1464 : vector<16xi32>
      %select_n3A_1466 = arith.select %eq3A_1465, %broadcast_in_dim3A_5, %get3A_1462 : vector<16xi1>, vector<16xf32>
      %gt3A_1467 = arith.cmpf ogt, %select_n3A_1466, %select_n3A_1454 : vector<16xf32>
      %select_n3A_1468 = arith.select %gt3A_1467, %select_n3A_1466, %select_n3A_1454 : vector<16xi1>, vector<16xf32>
      %broadcast_in_dim3A_1469 = arith.constant 58 : i32
      %broadcast_in_dim3A_1470 = vector.broadcast %broadcast_in_dim3A_1469 : i32 to vector<16xi32>
      %select_n3A_1471 = arith.select %gt3A_1467, %broadcast_in_dim3A_1470, %select_n3A_1457 : vector<16xi1>, vector<16xi32>
      %add3A_1472 = arith.constant 7552 : i32
      %add3A_1473 = arith.addi %add3A_1472, %mul3A_4 : i32
      %get3A_1474 = arith.index_cast %add3A_1473 : i32 to index
      %get3A_1475 = tpu.vector_load %arg7[%get3A_1474] {strides = array<i32>} : memref<8192xf32, #tpu.memory_space<vmem>>, vector<16xf32>,
      %get3A_1476 = vector.shape_cast %get3A_1475 : vector<16xf32> to vector<16xf32>
      %eq3A_1477 = arith.constant 59 : i32
      %eq3A_1478 = vector.broadcast %eq3A_1477 : i32 to vector<16xi32>
      %eq3A_1479 = arith.cmpi eq, %select_n3A_644, %eq3A_1478 : vector<16xi32>
      %select_n3A_1480 = arith.select %eq3A_1479, %broadcast_in_dim3A_5, %get3A_1476 : vector<16xi1>, vector<16xf32>
      %gt3A_1481 = arith.cmpf ogt, %select_n3A_1480, %select_n3A_1468 : vector<16xf32>
      %select_n3A_1482 = arith.select %gt3A_1481, %select_n3A_1480, %select_n3A_1468 : vector<16xi1>, vector<16xf32>
      %broadcast_in_dim3A_1483 = arith.constant 59 : i32
      %broadcast_in_dim3A_1484 = vector.broadcast %broadcast_in_dim3A_1483 : i32 to vector<16xi32>
      %select_n3A_1485 = arith.select %gt3A_1481, %broadcast_in_dim3A_1484, %select_n3A_1471 : vector<16xi1>, vector<16xi32>
      %add3A_1486 = arith.constant 7680 : i32
      %add3A_1487 = arith.addi %add3A_1486, %mul3A_4 : i32
      %get3A_1488 = arith.index_cast %add3A_1487 : i32 to index
      %get3A_1489 = tpu.vector_load %arg7[%get3A_1488] {strides = array<i32>} : memref<8192xf32, #tpu.memory_space<vmem>>, vector<16xf32>,
      %get3A_1490 = vector.shape_cast %get3A_1489 : vector<16xf32> to vector<16xf32>
      %eq3A_1491 = arith.constant 60 : i32
      %eq3A_1492 = vector.broadcast %eq3A_1491 : i32 to vector<16xi32>
      %eq3A_1493 = arith.cmpi eq, %select_n3A_644, %eq3A_1492 : vector<16xi32>
      %select_n3A_1494 = arith.select %eq3A_1493, %broadcast_in_dim3A_5, %get3A_1490 : vector<16xi1>, vector<16xf32>
      %gt3A_1495 = arith.cmpf ogt, %select_n3A_1494, %select_n3A_1482 : vector<16xf32>
      %select_n3A_1496 = arith.select %gt3A_1495, %select_n3A_1494, %select_n3A_1482 : vector<16xi1>, vector<16xf32>
      %broadcast_in_dim3A_1497 = arith.constant 60 : i32
      %broadcast_in_dim3A_1498 = vector.broadcast %broadcast_in_dim3A_1497 : i32 to vector<16xi32>
      %select_n3A_1499 = arith.select %gt3A_1495, %broadcast_in_dim3A_1498, %select_n3A_1485 : vector<16xi1>, vector<16xi32>
      %add3A_1500 = arith.constant 7808 : i32
      %add3A_1501 = arith.addi %add3A_1500, %mul3A_4 : i32
      %get3A_1502 = arith.index_cast %add3A_1501 : i32 to index
      %get3A_1503 = tpu.vector_load %arg7[%get3A_1502] {strides = array<i32>} : memref<8192xf32, #tpu.memory_space<vmem>>, vector<16xf32>,
      %get3A_1504 = vector.shape_cast %get3A_1503 : vector<16xf32> to vector<16xf32>
      %eq3A_1505 = arith.constant 61 : i32
      %eq3A_1506 = vector.broadcast %eq3A_1505 : i32 to vector<16xi32>
      %eq3A_1507 = arith.cmpi eq, %select_n3A_644, %eq3A_1506 : vector<16xi32>
      %select_n3A_1508 = arith.select %eq3A_1507, %broadcast_in_dim3A_5, %get3A_1504 : vector<16xi1>, vector<16xf32>
      %gt3A_1509 = arith.cmpf ogt, %select_n3A_1508, %select_n3A_1496 : vector<16xf32>
      %select_n3A_1510 = arith.select %gt3A_1509, %select_n3A_1508, %select_n3A_1496 : vector<16xi1>, vector<16xf32>
      %broadcast_in_dim3A_1511 = arith.constant 61 : i32
      %broadcast_in_dim3A_1512 = vector.broadcast %broadcast_in_dim3A_1511 : i32 to vector<16xi32>
      %select_n3A_1513 = arith.select %gt3A_1509, %broadcast_in_dim3A_1512, %select_n3A_1499 : vector<16xi1>, vector<16xi32>
      %add3A_1514 = arith.constant 7936 : i32
      %add3A_1515 = arith.addi %add3A_1514, %mul3A_4 : i32
      %get3A_1516 = arith.index_cast %add3A_1515 : i32 to index
      %get3A_1517 = tpu.vector_load %arg7[%get3A_1516] {strides = array<i32>} : memref<8192xf32, #tpu.memory_space<vmem>>, vector<16xf32>,
      %get3A_1518 = vector.shape_cast %get3A_1517 : vector<16xf32> to vector<16xf32>
      %eq3A_1519 = arith.constant 62 : i32
      %eq3A_1520 = vector.broadcast %eq3A_1519 : i32 to vector<16xi32>
      %eq3A_1521 = arith.cmpi eq, %select_n3A_644, %eq3A_1520 : vector<16xi32>
      %select_n3A_1522 = arith.select %eq3A_1521, %broadcast_in_dim3A_5, %get3A_1518 : vector<16xi1>, vector<16xf32>
      %gt3A_1523 = arith.cmpf ogt, %select_n3A_1522, %select_n3A_1510 : vector<16xf32>
      %select_n3A_1524 = arith.select %gt3A_1523, %select_n3A_1522, %select_n3A_1510 : vector<16xi1>, vector<16xf32>
      %broadcast_in_dim3A_1525 = arith.constant 62 : i32
      %broadcast_in_dim3A_1526 = vector.broadcast %broadcast_in_dim3A_1525 : i32 to vector<16xi32>
      %select_n3A_1527 = arith.select %gt3A_1523, %broadcast_in_dim3A_1526, %select_n3A_1513 : vector<16xi1>, vector<16xi32>
      %add3A_1528 = arith.constant 8064 : i32
      %add3A_1529 = arith.addi %add3A_1528, %mul3A_4 : i32
      %get3A_1530 = arith.index_cast %add3A_1529 : i32 to index
      %get3A_1531 = tpu.vector_load %arg7[%get3A_1530] {strides = array<i32>} : memref<8192xf32, #tpu.memory_space<vmem>>, vector<16xf32>,
      %get3A_1532 = vector.shape_cast %get3A_1531 : vector<16xf32> to vector<16xf32>
      %eq3A_1533 = arith.constant 63 : i32
      %eq3A_1534 = vector.broadcast %eq3A_1533 : i32 to vector<16xi32>
      %eq3A_1535 = arith.cmpi eq, %select_n3A_644, %eq3A_1534 : vector<16xi32>
      %select_n3A_1536 = arith.select %eq3A_1535, %broadcast_in_dim3A_5, %get3A_1532 : vector<16xi1>, vector<16xf32>
      %gt3A_1537 = arith.cmpf ogt, %select_n3A_1536, %select_n3A_1524 : vector<16xf32>
      %select_n3A_1538 = arith.select %gt3A_1537, %select_n3A_1536, %select_n3A_1524 : vector<16xi1>, vector<16xf32>
      %broadcast_in_dim3A_1539 = arith.constant 63 : i32
      %broadcast_in_dim3A_1540 = vector.broadcast %broadcast_in_dim3A_1539 : i32 to vector<16xi32>
      %select_n3A_1541 = arith.select %gt3A_1537, %broadcast_in_dim3A_1540, %select_n3A_1527 : vector<16xi1>, vector<16xi32>
      %sub3A = arith.subf %select_n3A_1538, %select_n3A_641 : vector<16xf32>
      %exp3A = math.exp %sub3A : vector<16xf32>
      %swap3A = arith.constant 0 : index
      %swap3A_1542 = tpu.vector_load %arg8[%swap3A] {strides = array<i32>} : memref<16xi32, #tpu.memory_space<vmem>>, vector<16xi32>,
      %swap3A_1543 = vector.shape_cast %swap3A_1542 : vector<16xi32> to vector<16xi32>
      %swap3A_1544 = vector.shape_cast %select_n3A_644 : vector<16xi32> to vector<16xi32>
      tpu.vector_store %arg8[%swap3A], %swap3A_1544 {strides = array<i32>} : memref<16xi32, #tpu.memory_space<vmem>>, vector<16xi32>,
      %swap3A_1545 = arith.constant 0 : index
      %swap3A_1546 = tpu.vector_load %arg9[%swap3A_1545] {strides = array<i32>} : memref<16xi32, #tpu.memory_space<vmem>>, vector<16xi32>,
      %swap3A_1547 = vector.shape_cast %swap3A_1546 : vector<16xi32> to vector<16xi32>
      %swap3A_1548 = vector.shape_cast %select_n3A_1541 : vector<16xi32> to vector<16xi32>
      tpu.vector_store %arg9[%swap3A_1545], %swap3A_1548 {strides = array<i32>} : memref<16xi32, #tpu.memory_space<vmem>>, vector<16xi32>,
      %add3A_1549 = arith.constant 1.000000e+00 : f32
      %add3A_1550 = vector.broadcast %add3A_1549 : f32 to vector<16xf32>
      %add3A_1551 = arith.addf %add3A_1550, %exp3A : vector<16xf32>
      %div3A = arith.constant 1.000000e+00 : f32
      %div3A_1552 = vector.broadcast %div3A : f32 to vector<16xf32>
      %div3A_1553 = arith.divf %div3A_1552, %add3A_1551 : vector<16xf32>
      %swap3A_1554 = arith.constant 0 : index
      %swap3A_1555 = tpu.vector_load %arg10[%swap3A_1554] {strides = array<i32>} : memref<16xf32, #tpu.memory_space<vmem>>, vector<16xf32>,
      %swap3A_1556 = vector.shape_cast %swap3A_1555 : vector<16xf32> to vector<16xf32>
      %swap3A_1557 = vector.shape_cast %div3A_1553 : vector<16xf32> to vector<16xf32>
      tpu.vector_store %arg10[%swap3A_1554], %swap3A_1557 {strides = array<i32>} : memref<16xf32, #tpu.memory_space<vmem>>, vector<16xf32>,
      %add3A_1558 = arith.constant 1.000000e+00 : f32
      %add3A_1559 = vector.broadcast %add3A_1558 : f32 to vector<16xf32>
      %add3A_1560 = arith.addf %add3A_1559, %exp3A : vector<16xf32>
      %div3A_1561 = arith.divf %exp3A, %add3A_1560 : vector<16xf32>
      %swap3A_1562 = arith.constant 0 : index
      %swap3A_1563 = tpu.vector_load %arg11[%swap3A_1562] {strides = array<i32>} : memref<16xf32, #tpu.memory_space<vmem>>, vector<16xf32>,
      %swap3A_1564 = vector.shape_cast %swap3A_1563 : vector<16xf32> to vector<16xf32>
      %swap3A_1565 = vector.shape_cast %div3A_1561 : vector<16xf32> to vector<16xf32>
      tpu.vector_store %arg11[%swap3A_1562], %swap3A_1565 {strides = array<i32>} : memref<16xf32, #tpu.memory_space<vmem>>, vector<16xf32>,
      "tpu.region"() ({
        %run_scoped3A = tpu.sem_alloc : memref<!tpu.dma_semaphore, #tpu.memory_space<semaphore_mem>>
        %dma_start3A = tpu.memref_slice %arg3[%mul3A_4] : memref<128xi32, #tpu.memory_space<hbm>> -> memref<16xi32, #tpu.memory_space<hbm>>
        %dma_start3A_1566 = tpu.memref_slice %arg3[%mul3A_4] : memref<128xi32, #tpu.memory_space<hbm>> -> memref<16xi32, #tpu.memory_space<hbm>>
        tpu.enqueue_dma source(%arg8 : memref<16xi32, #tpu.memory_space<vmem>>) target(%dma_start3A_1566 : memref<16xi32, #tpu.memory_space<hbm>>) target_semaphore(%run_scoped3A : memref<!tpu.dma_semaphore, #tpu.memory_space<semaphore_mem>>)
        %dma_wait3A = tpu.memref_slice %arg3[%mul3A_4] : memref<128xi32, #tpu.memory_space<hbm>> -> memref<16xi32, #tpu.memory_space<hbm>>
        %dma_wait3A_1567 = tpu.memref_slice %arg3[%mul3A_4] : memref<128xi32, #tpu.memory_space<hbm>> -> memref<16xi32, #tpu.memory_space<hbm>>
        tpu.wait_dma2 semaphore(%run_scoped3A : memref<!tpu.dma_semaphore, #tpu.memory_space<semaphore_mem>>) src(%arg8 : memref<16xi32, #tpu.memory_space<vmem>>) dst(%dma_wait3A_1567 : memref<16xi32, #tpu.memory_space<hbm>>)
        tpu.yield
      }) : () -> ()
      "tpu.region"() ({
        %run_scoped3A = tpu.sem_alloc : memref<!tpu.dma_semaphore, #tpu.memory_space<semaphore_mem>>
        %dma_start3A = tpu.memref_slice %arg4[%mul3A_4] : memref<128xi32, #tpu.memory_space<hbm>> -> memref<16xi32, #tpu.memory_space<hbm>>
        %dma_start3A_1566 = tpu.memref_slice %arg4[%mul3A_4] : memref<128xi32, #tpu.memory_space<hbm>> -> memref<16xi32, #tpu.memory_space<hbm>>
        tpu.enqueue_dma source(%arg9 : memref<16xi32, #tpu.memory_space<vmem>>) target(%dma_start3A_1566 : memref<16xi32, #tpu.memory_space<hbm>>) target_semaphore(%run_scoped3A : memref<!tpu.dma_semaphore, #tpu.memory_space<semaphore_mem>>)
        %dma_wait3A = tpu.memref_slice %arg4[%mul3A_4] : memref<128xi32, #tpu.memory_space<hbm>> -> memref<16xi32, #tpu.memory_space<hbm>>
        %dma_wait3A_1567 = tpu.memref_slice %arg4[%mul3A_4] : memref<128xi32, #tpu.memory_space<hbm>> -> memref<16xi32, #tpu.memory_space<hbm>>
        tpu.wait_dma2 semaphore(%run_scoped3A : memref<!tpu.dma_semaphore, #tpu.memory_space<semaphore_mem>>) src(%arg9 : memref<16xi32, #tpu.memory_space<vmem>>) dst(%dma_wait3A_1567 : memref<16xi32, #tpu.memory_space<hbm>>)
        tpu.yield
      }) : () -> ()
      "tpu.region"() ({
        %run_scoped3A = tpu.sem_alloc : memref<!tpu.dma_semaphore, #tpu.memory_space<semaphore_mem>>
        %dma_start3A = tpu.memref_slice %arg5[%mul3A_4] : memref<128xf32, #tpu.memory_space<hbm>> -> memref<16xf32, #tpu.memory_space<hbm>>
        %dma_start3A_1566 = tpu.memref_slice %arg5[%mul3A_4] : memref<128xf32, #tpu.memory_space<hbm>> -> memref<16xf32, #tpu.memory_space<hbm>>
        tpu.enqueue_dma source(%arg10 : memref<16xf32, #tpu.memory_space<vmem>>) target(%dma_start3A_1566 : memref<16xf32, #tpu.memory_space<hbm>>) target_semaphore(%run_scoped3A : memref<!tpu.dma_semaphore, #tpu.memory_space<semaphore_mem>>)
        %dma_wait3A = tpu.memref_slice %arg5[%mul3A_4] : memref<128xf32, #tpu.memory_space<hbm>> -> memref<16xf32, #tpu.memory_space<hbm>>
        %dma_wait3A_1567 = tpu.memref_slice %arg5[%mul3A_4] : memref<128xf32, #tpu.memory_space<hbm>> -> memref<16xf32, #tpu.memory_space<hbm>>
        tpu.wait_dma2 semaphore(%run_scoped3A : memref<!tpu.dma_semaphore, #tpu.memory_space<semaphore_mem>>) src(%arg10 : memref<16xf32, #tpu.memory_space<vmem>>) dst(%dma_wait3A_1567 : memref<16xf32, #tpu.memory_space<hbm>>)
        tpu.yield
      }) : () -> ()
      "tpu.region"() ({
        %run_scoped3A = tpu.sem_alloc : memref<!tpu.dma_semaphore, #tpu.memory_space<semaphore_mem>>
        %dma_start3A = tpu.memref_slice %arg6[%mul3A_4] : memref<128xf32, #tpu.memory_space<hbm>> -> memref<16xf32, #tpu.memory_space<hbm>>
        %dma_start3A_1566 = tpu.memref_slice %arg6[%mul3A_4] : memref<128xf32, #tpu.memory_space<hbm>> -> memref<16xf32, #tpu.memory_space<hbm>>
        tpu.enqueue_dma source(%arg11 : memref<16xf32, #tpu.memory_space<vmem>>) target(%dma_start3A_1566 : memref<16xf32, #tpu.memory_space<hbm>>) target_semaphore(%run_scoped3A : memref<!tpu.dma_semaphore, #tpu.memory_space<semaphore_mem>>)
        %dma_wait3A = tpu.memref_slice %arg6[%mul3A_4] : memref<128xf32, #tpu.memory_space<hbm>> -> memref<16xf32, #tpu.memory_space<hbm>>
        %dma_wait3A_1567 = tpu.memref_slice %arg6[%mul3A_4] : memref<128xf32, #tpu.memory_space<hbm>> -> memref<16xf32, #tpu.memory_space<hbm>>
        tpu.wait_dma2 semaphore(%run_scoped3A : memref<!tpu.dma_semaphore, #tpu.memory_space<semaphore_mem>>) src(%arg11 : memref<16xf32, #tpu.memory_space<vmem>>) dst(%dma_wait3A_1567 : memref<16xf32, #tpu.memory_space<hbm>>)
        tpu.yield
      }) : () -> ()
    } else {
    }
    return
  }
}

module attributes {stable_mosaic.version = 14 : i64} {
  func.func @_logits_kernel(%arg0: memref<128x768xf32, #tpu.memory_space<vmem>>, %arg1: memref<64x768xf32, #tpu.memory_space<vmem>>, %arg2: memref<64x128xf32, #tpu.memory_space<vmem>>) attributes {dimension_semantics = [], scalar_prefetch = 0 : i64, scratch_operands = 0 : i64, tpu.core_type = #tpu.core_type<tc>} {
    %get3A = arith.constant 0 : index
    %get3A_0 = arith.constant 0 : index
    %get3A_1 = vector.load %arg1[%get3A, %get3A_0] : memref<64x768xf32, #tpu.memory_space<vmem>>, vector<64x768xf32>
    %get3A_2 = arith.constant 0 : index
    %get3A_3 = arith.constant 0 : index
    %get3A_4 = vector.load %arg0[%get3A_2, %get3A_3] : memref<128x768xf32, #tpu.memory_space<vmem>>, vector<128x768xf32>
    %dot_general3A = arith.constant dense<0.000000e+00> : vector<64x128xf32>
    %dot_general3A_5 = tpu.matmul %get3A_1, %get3A_4, %dot_general3A {dimension_numbers = #tpu.dot_dimension_numbers<[1], [1], [0], [0], [0, 0, 1, 0], [], []>, transpose_lhs_hint = false} : vector<64x768xf32>, vector<128x768xf32>, vector<64x128xf32> -> vector<64x128xf32>
    %swap3A = arith.constant 0 : index
    %swap3A_6 = arith.constant 0 : index
    %swap3A_7 = vector.load %arg2[%swap3A, %swap3A_6] : memref<64x128xf32, #tpu.memory_space<vmem>>, vector<64x128xf32>
    tpu.vector_store %arg2[%swap3A, %swap3A_6], %dot_general3A_5 {strides = array<i32>} : memref<64x128xf32, #tpu.memory_space<vmem>>, vector<64x128xf32>,
    return
  }
}

module attributes {stable_mosaic.version = 14 : i64} {
  func.func @_moe_kernel(%arg0: i32, %arg1: memref<128x768xf32, #tpu.memory_space<vmem>>, %arg2: memref<2x768x768xf32, #tpu.memory_space<vmem>>, %arg3: memref<2x1x768xf32, #tpu.memory_space<vmem>>, %arg4: memref<2x768x768xf32, #tpu.memory_space<vmem>>, %arg5: memref<2x1x768xf32, #tpu.memory_space<vmem>>, %arg6: memref<128x1xi32, #tpu.memory_space<vmem>>, %arg7: memref<128x1xi32, #tpu.memory_space<vmem>>, %arg8: memref<128x1xf32, #tpu.memory_space<vmem>>, %arg9: memref<128x1xf32, #tpu.memory_space<vmem>>, %arg10: memref<128x768xf32, #tpu.memory_space<vmem>>, %arg11: memref<128x768xf32, #tpu.memory_space<vmem>>) attributes {dimension_semantics = [#tpu.dimension_semantics<arbitrary>], iteration_bounds = array<i64: 32>, scalar_prefetch = 0 : i64, scratch_operands = 1 : i64, tpu.core_type = #tpu.core_type<tc>, window_params = [{pipeline_mode = #tpu.pipeline_mode<synchronous>, transform_indices = @transform_0, window_bounds = array<i64: 128, 768>}, {transform_indices = @transform_1, window_bounds = array<i64: 2, 768, 768>}, {transform_indices = @transform_2, window_bounds = array<i64: 2, 1, 768>}, {transform_indices = @transform_3, window_bounds = array<i64: 2, 768, 768>}, {transform_indices = @transform_4, window_bounds = array<i64: 2, 1, 768>}, {pipeline_mode = #tpu.pipeline_mode<synchronous>, transform_indices = @transform_5, window_bounds = array<i64: 128, 1>}, {pipeline_mode = #tpu.pipeline_mode<synchronous>, transform_indices = @transform_6, window_bounds = array<i64: 128, 1>}, {pipeline_mode = #tpu.pipeline_mode<synchronous>, transform_indices = @transform_7, window_bounds = array<i64: 128, 1>}, {pipeline_mode = #tpu.pipeline_mode<synchronous>, transform_indices = @transform_8, window_bounds = array<i64: 128, 1>}, {pipeline_mode = #tpu.pipeline_mode<synchronous>, transform_indices = @transform_9, window_bounds = array<i64: 128, 768>}]} {
    %eq3A = arith.constant 0 : i32
    %eq3A_0 = arith.cmpi eq, %arg0, %eq3A : i32
    %convert_element_type3A = arith.extui %eq3A_0 : i1 to i32
    %cond3A = arith.constant 0 : i32
    %cond3A_1 = arith.cmpi ne, %convert_element_type3A, %cond3A : i32
    scf.if %cond3A_1 {
      %broadcast_in_dim3A_156 = arith.constant 0.000000e+00 : f32
      %broadcast_in_dim3A_157 = vector.broadcast %broadcast_in_dim3A_156 : f32 to vector<128x768xf32>
      %swap3A_158 = arith.constant 0 : index
      %swap3A_159 = arith.constant 0 : index
      %swap3A_160 = vector.load %arg11[%swap3A_158, %swap3A_159] : memref<128x768xf32, #tpu.memory_space<vmem>>, vector<128x768xf32>
      tpu.vector_store %arg11[%swap3A_158, %swap3A_159], %broadcast_in_dim3A_157 {strides = array<i32>} : memref<128x768xf32, #tpu.memory_space<vmem>>, vector<128x768xf32>,
    } else {
    }
    %get3A = arith.constant 0 : index
    %get3A_2 = arith.constant 0 : index
    %get3A_3 = vector.load %arg1[%get3A, %get3A_2] : memref<128x768xf32, #tpu.memory_space<vmem>>, vector<128x768xf32>
    %convert_element_type3A_4 = arith.truncf %get3A_3 : vector<128x768xf32> to vector<128x768xbf16>
    %get3A_5 = arith.constant 0 : index
    %get3A_6 = arith.constant 0 : index
    %get3A_7 = vector.load %arg11[%get3A_5, %get3A_6] : memref<128x768xf32, #tpu.memory_space<vmem>>, vector<128x768xf32>
    %mul3A = arith.constant 2 : i32
    %mul3A_8 = arith.muli %arg0, %mul3A : i32
    %add3A = arith.constant 0 : i32
    %add3A_9 = arith.addi %mul3A_8, %add3A : i32
    %get3A_10 = arith.constant 0 : index
    %get3A_11 = arith.constant 0 : index
    %get3A_12 = arith.constant 0 : index
    %get3A_13 = vector.load %arg2[%get3A_10, %get3A_11, %get3A_12] : memref<2x768x768xf32, #tpu.memory_space<vmem>>, vector<1x768x768xf32>
    %get3A_14 = vector.shape_cast %get3A_13 : vector<1x768x768xf32> to vector<768x768xf32>
    %convert_element_type3A_15 = arith.truncf %get3A_14 : vector<768x768xf32> to vector<768x768xbf16>
    %dot_general3A = arith.constant dense<0.000000e+00> : vector<128x768xf32>
    %dot_general3A_16 = tpu.matmul %convert_element_type3A_4, %convert_element_type3A_15, %dot_general3A {dimension_numbers = #tpu.dot_dimension_numbers<[1], [0], [0], [1], [0, 0, 1, 1], [], []>, transpose_lhs_hint = false} : vector<128x768xbf16>, vector<768x768xbf16>, vector<128x768xf32> -> vector<128x768xf32>
    %get3A_17 = arith.constant 0 : index
    %get3A_18 = arith.constant 0 : index
    %get3A_19 = arith.constant 0 : index
    %get3A_20 = vector.load %arg3[%get3A_17, %get3A_18, %get3A_19] : memref<2x1x768xf32, #tpu.memory_space<vmem>>, vector<1x1x768xf32>
    %get3A_21 = vector.shape_cast %get3A_20 : vector<1x1x768xf32> to vector<768xf32>
    %broadcast_in_dim3A = vector.shape_cast %get3A_21 : vector<768xf32> to vector<1x768xf32>
    %add3A_22 = vector.broadcast %broadcast_in_dim3A : vector<1x768xf32> to vector<128x768xf32>
    %add3A_23 = arith.addf %dot_general3A_16, %add3A_22 : vector<128x768xf32>
    %mul3A_24 = arith.constant 5.000000e-01 : f32
    %mul3A_25 = vector.broadcast %mul3A_24 : f32 to vector<128x768xf32>
    %mul3A_26 = arith.mulf %add3A_23, %mul3A_25 : vector<128x768xf32>
    %mul3A_27 = arith.constant 0.707106769 : f32
    %mul3A_28 = vector.broadcast %mul3A_27 : f32 to vector<128x768xf32>
    %mul3A_29 = arith.mulf %add3A_23, %mul3A_28 : vector<128x768xf32>
    %erf3A = math.erf %mul3A_29 : vector<128x768xf32>
    %add3A_30 = arith.constant 1.000000e+00 : f32
    %add3A_31 = vector.broadcast %add3A_30 : f32 to vector<128x768xf32>
    %add3A_32 = arith.addf %add3A_31, %erf3A : vector<128x768xf32>
    %mul3A_33 = arith.mulf %mul3A_26, %add3A_32 : vector<128x768xf32>
    %get3A_34 = arith.constant 0 : index
    %get3A_35 = arith.constant 0 : index
    %get3A_36 = arith.constant 0 : index
    %get3A_37 = vector.load %arg4[%get3A_34, %get3A_35, %get3A_36] : memref<2x768x768xf32, #tpu.memory_space<vmem>>, vector<1x768x768xf32>
    %get3A_38 = vector.shape_cast %get3A_37 : vector<1x768x768xf32> to vector<768x768xf32>
    %convert_element_type3A_39 = arith.truncf %get3A_38 : vector<768x768xf32> to vector<768x768xbf16>
    %convert_element_type3A_40 = arith.truncf %mul3A_33 : vector<128x768xf32> to vector<128x768xbf16>
    %dot_general3A_41 = arith.constant dense<0.000000e+00> : vector<128x768xf32>
    %dot_general3A_42 = tpu.matmul %convert_element_type3A_40, %convert_element_type3A_39, %dot_general3A_41 {dimension_numbers = #tpu.dot_dimension_numbers<[1], [0], [0], [1], [0, 0, 1, 1], [], []>, transpose_lhs_hint = false} : vector<128x768xbf16>, vector<768x768xbf16>, vector<128x768xf32> -> vector<128x768xf32>
    %get3A_43 = arith.constant 0 : index
    %get3A_44 = arith.constant 0 : index
    %get3A_45 = arith.constant 0 : index
    %get3A_46 = vector.load %arg5[%get3A_43, %get3A_44, %get3A_45] : memref<2x1x768xf32, #tpu.memory_space<vmem>>, vector<1x1x768xf32>
    %get3A_47 = vector.shape_cast %get3A_46 : vector<1x1x768xf32> to vector<768xf32>
    %broadcast_in_dim3A_48 = vector.shape_cast %get3A_47 : vector<768xf32> to vector<1x768xf32>
    %add3A_49 = vector.broadcast %broadcast_in_dim3A_48 : vector<1x768xf32> to vector<128x768xf32>
    %add3A_50 = arith.addf %dot_general3A_42, %add3A_49 : vector<128x768xf32>
    %get3A_51 = arith.constant 0 : index
    %get3A_52 = arith.constant 0 : index
    %get3A_53 = vector.load %arg6[%get3A_51, %get3A_52] : memref<128x1xi32, #tpu.memory_space<vmem>>, vector<128x1xi32>
    %eq3A_54 = vector.broadcast %add3A_9 : i32 to vector<128x1xi32>
    %eq3A_55 = arith.cmpi eq, %get3A_53, %eq3A_54 : vector<128x1xi32>
    %get3A_56 = arith.constant 0 : index
    %get3A_57 = arith.constant 0 : index
    %get3A_58 = vector.load %arg8[%get3A_56, %get3A_57] : memref<128x1xf32, #tpu.memory_space<vmem>>, vector<128x1xf32>
    %jit3A = arith.constant 0.000000e+00 : f32
    %broadcast_in_dim3A_59 = vector.broadcast %jit3A : f32 to vector<128x1xf32>
    %select_n3A = arith.select %eq3A_55, %get3A_58, %broadcast_in_dim3A_59 : vector<128x1xi1>, vector<128x1xf32>
    %get3A_60 = arith.constant 0 : index
    %get3A_61 = arith.constant 0 : index
    %get3A_62 = vector.load %arg7[%get3A_60, %get3A_61] : memref<128x1xi32, #tpu.memory_space<vmem>>, vector<128x1xi32>
    %eq3A_63 = vector.broadcast %add3A_9 : i32 to vector<128x1xi32>
    %eq3A_64 = arith.cmpi eq, %get3A_62, %eq3A_63 : vector<128x1xi32>
    %get3A_65 = arith.constant 0 : index
    %get3A_66 = arith.constant 0 : index
    %get3A_67 = vector.load %arg9[%get3A_65, %get3A_66] : memref<128x1xf32, #tpu.memory_space<vmem>>, vector<128x1xf32>
    %jit3A_68 = arith.constant 0.000000e+00 : f32
    %broadcast_in_dim3A_69 = vector.broadcast %jit3A_68 : f32 to vector<128x1xf32>
    %select_n3A_70 = arith.select %eq3A_64, %get3A_67, %broadcast_in_dim3A_69 : vector<128x1xi1>, vector<128x1xf32>
    %add3A_71 = arith.addf %select_n3A, %select_n3A_70 : vector<128x1xf32>
    %mul3A_72 = vector.broadcast %add3A_71 : vector<128x1xf32> to vector<128x768xf32>
    %mul3A_73 = arith.mulf %add3A_50, %mul3A_72 : vector<128x768xf32>
    %add3A_74 = arith.addf %get3A_7, %mul3A_73 : vector<128x768xf32>
    %mul3A_75 = arith.constant 2 : i32
    %mul3A_76 = arith.muli %arg0, %mul3A_75 : i32
    %add3A_77 = arith.constant 1 : i32
    %add3A_78 = arith.addi %mul3A_76, %add3A_77 : i32
    %get3A_79 = arith.constant 1 : index
    %get3A_80 = arith.constant 0 : index
    %get3A_81 = arith.constant 0 : index
    %get3A_82 = vector.load %arg2[%get3A_79, %get3A_80, %get3A_81] : memref<2x768x768xf32, #tpu.memory_space<vmem>>, vector<1x768x768xf32>
    %get3A_83 = vector.shape_cast %get3A_82 : vector<1x768x768xf32> to vector<768x768xf32>
    %convert_element_type3A_84 = arith.truncf %get3A_83 : vector<768x768xf32> to vector<768x768xbf16>
    %dot_general3A_85 = arith.constant dense<0.000000e+00> : vector<128x768xf32>
    %dot_general3A_86 = tpu.matmul %convert_element_type3A_4, %convert_element_type3A_84, %dot_general3A_85 {dimension_numbers = #tpu.dot_dimension_numbers<[1], [0], [0], [1], [0, 0, 1, 1], [], []>, transpose_lhs_hint = false} : vector<128x768xbf16>, vector<768x768xbf16>, vector<128x768xf32> -> vector<128x768xf32>
    %get3A_87 = arith.constant 1 : index
    %get3A_88 = arith.constant 0 : index
    %get3A_89 = arith.constant 0 : index
    %get3A_90 = vector.load %arg3[%get3A_87, %get3A_88, %get3A_89] : memref<2x1x768xf32, #tpu.memory_space<vmem>>, vector<1x1x768xf32>
    %get3A_91 = vector.shape_cast %get3A_90 : vector<1x1x768xf32> to vector<768xf32>
    %broadcast_in_dim3A_92 = vector.shape_cast %get3A_91 : vector<768xf32> to vector<1x768xf32>
    %add3A_93 = vector.broadcast %broadcast_in_dim3A_92 : vector<1x768xf32> to vector<128x768xf32>
    %add3A_94 = arith.addf %dot_general3A_86, %add3A_93 : vector<128x768xf32>
    %mul3A_95 = arith.constant 5.000000e-01 : f32
    %mul3A_96 = vector.broadcast %mul3A_95 : f32 to vector<128x768xf32>
    %mul3A_97 = arith.mulf %add3A_94, %mul3A_96 : vector<128x768xf32>
    %mul3A_98 = arith.constant 0.707106769 : f32
    %mul3A_99 = vector.broadcast %mul3A_98 : f32 to vector<128x768xf32>
    %mul3A_100 = arith.mulf %add3A_94, %mul3A_99 : vector<128x768xf32>
    %erf3A_101 = math.erf %mul3A_100 : vector<128x768xf32>
    %add3A_102 = arith.constant 1.000000e+00 : f32
    %add3A_103 = vector.broadcast %add3A_102 : f32 to vector<128x768xf32>
    %add3A_104 = arith.addf %add3A_103, %erf3A_101 : vector<128x768xf32>
    %mul3A_105 = arith.mulf %mul3A_97, %add3A_104 : vector<128x768xf32>
    %get3A_106 = arith.constant 1 : index
    %get3A_107 = arith.constant 0 : index
    %get3A_108 = arith.constant 0 : index
    %get3A_109 = vector.load %arg4[%get3A_106, %get3A_107, %get3A_108] : memref<2x768x768xf32, #tpu.memory_space<vmem>>, vector<1x768x768xf32>
    %get3A_110 = vector.shape_cast %get3A_109 : vector<1x768x768xf32> to vector<768x768xf32>
    %convert_element_type3A_111 = arith.truncf %get3A_110 : vector<768x768xf32> to vector<768x768xbf16>
    %convert_element_type3A_112 = arith.truncf %mul3A_105 : vector<128x768xf32> to vector<128x768xbf16>
    %dot_general3A_113 = arith.constant dense<0.000000e+00> : vector<128x768xf32>
    %dot_general3A_114 = tpu.matmul %convert_element_type3A_112, %convert_element_type3A_111, %dot_general3A_113 {dimension_numbers = #tpu.dot_dimension_numbers<[1], [0], [0], [1], [0, 0, 1, 1], [], []>, transpose_lhs_hint = false} : vector<128x768xbf16>, vector<768x768xbf16>, vector<128x768xf32> -> vector<128x768xf32>
    %get3A_115 = arith.constant 1 : index
    %get3A_116 = arith.constant 0 : index
    %get3A_117 = arith.constant 0 : index
    %get3A_118 = vector.load %arg5[%get3A_115, %get3A_116, %get3A_117] : memref<2x1x768xf32, #tpu.memory_space<vmem>>, vector<1x1x768xf32>
    %get3A_119 = vector.shape_cast %get3A_118 : vector<1x1x768xf32> to vector<768xf32>
    %broadcast_in_dim3A_120 = vector.shape_cast %get3A_119 : vector<768xf32> to vector<1x768xf32>
    %add3A_121 = vector.broadcast %broadcast_in_dim3A_120 : vector<1x768xf32> to vector<128x768xf32>
    %add3A_122 = arith.addf %dot_general3A_114, %add3A_121 : vector<128x768xf32>
    %get3A_123 = arith.constant 0 : index
    %get3A_124 = arith.constant 0 : index
    %get3A_125 = vector.load %arg6[%get3A_123, %get3A_124] : memref<128x1xi32, #tpu.memory_space<vmem>>, vector<128x1xi32>
    %eq3A_126 = vector.broadcast %add3A_78 : i32 to vector<128x1xi32>
    %eq3A_127 = arith.cmpi eq, %get3A_125, %eq3A_126 : vector<128x1xi32>
    %get3A_128 = arith.constant 0 : index
    %get3A_129 = arith.constant 0 : index
    %get3A_130 = vector.load %arg8[%get3A_128, %get3A_129] : memref<128x1xf32, #tpu.memory_space<vmem>>, vector<128x1xf32>
    %jit3A_131 = arith.constant 0.000000e+00 : f32
    %broadcast_in_dim3A_132 = vector.broadcast %jit3A_131 : f32 to vector<128x1xf32>
    %select_n3A_133 = arith.select %eq3A_127, %get3A_130, %broadcast_in_dim3A_132 : vector<128x1xi1>, vector<128x1xf32>
    %get3A_134 = arith.constant 0 : index
    %get3A_135 = arith.constant 0 : index
    %get3A_136 = vector.load %arg7[%get3A_134, %get3A_135] : memref<128x1xi32, #tpu.memory_space<vmem>>, vector<128x1xi32>
    %eq3A_137 = vector.broadcast %add3A_78 : i32 to vector<128x1xi32>
    %eq3A_138 = arith.cmpi eq, %get3A_136, %eq3A_137 : vector<128x1xi32>
    %get3A_139 = arith.constant 0 : index
    %get3A_140 = arith.constant 0 : index
    %get3A_141 = vector.load %arg9[%get3A_139, %get3A_140] : memref<128x1xf32, #tpu.memory_space<vmem>>, vector<128x1xf32>
    %jit3A_142 = arith.constant 0.000000e+00 : f32
    %broadcast_in_dim3A_143 = vector.broadcast %jit3A_142 : f32 to vector<128x1xf32>
    %select_n3A_144 = arith.select %eq3A_138, %get3A_141, %broadcast_in_dim3A_143 : vector<128x1xi1>, vector<128x1xf32>
    %add3A_145 = arith.addf %select_n3A_133, %select_n3A_144 : vector<128x1xf32>
    %mul3A_146 = vector.broadcast %add3A_145 : vector<128x1xf32> to vector<128x768xf32>
    %mul3A_147 = arith.mulf %add3A_122, %mul3A_146 : vector<128x768xf32>
    %add3A_148 = arith.addf %add3A_74, %mul3A_147 : vector<128x768xf32>
    %swap3A = arith.constant 0 : index
    %swap3A_149 = arith.constant 0 : index
    %swap3A_150 = vector.load %arg11[%swap3A, %swap3A_149] : memref<128x768xf32, #tpu.memory_space<vmem>>, vector<128x768xf32>
    tpu.vector_store %arg11[%swap3A, %swap3A_149], %add3A_148 {strides = array<i32>} : memref<128x768xf32, #tpu.memory_space<vmem>>, vector<128x768xf32>,
    %eq3A_151 = arith.constant 31 : i32
    %eq3A_152 = arith.cmpi eq, %arg0, %eq3A_151 : i32
    %convert_element_type3A_153 = arith.extui %eq3A_152 : i1 to i32
    %cond3A_154 = arith.constant 0 : i32
    %cond3A_155 = arith.cmpi ne, %convert_element_type3A_153, %cond3A_154 : i32
    scf.if %cond3A_155 {
      %swap3A_156 = arith.constant 0 : index
      %swap3A_157 = arith.constant 0 : index
      %swap3A_158 = vector.load %arg10[%swap3A_156, %swap3A_157] : memref<128x768xf32, #tpu.memory_space<vmem>>, vector<128x768xf32>
      tpu.vector_store %arg10[%swap3A_156, %swap3A_157], %add3A_148 {strides = array<i32>} : memref<128x768xf32, #tpu.memory_space<vmem>>, vector<128x768xf32>,
    } else {
    }
    return
  }
  func.func @transform_0(%arg0: i32) -> (i32, i32) {
    %c0_i32 = arith.constant 0 : i32
    %c0_i32_0 = arith.constant 0 : i32
    %c0_i32_1 = arith.constant 0 : i32
    return %c0_i32, %c0_i32_0 : i32, i32
  }
  func.func @transform_1(%arg0: i32) -> (i32, i32, i32) {
    %c0_i32 = arith.constant 0 : i32
    %c0_i32_0 = arith.constant 0 : i32
    %c0_i32_1 = arith.constant 0 : i32
    return %arg0, %c0_i32, %c0_i32_0 : i32, i32, i32
  }
  func.func @transform_2(%arg0: i32) -> (i32, i32, i32) {
    %c0_i32 = arith.constant 0 : i32
    %c0_i32_0 = arith.constant 0 : i32
    %c0_i32_1 = arith.constant 0 : i32
    return %arg0, %c0_i32, %c0_i32_0 : i32, i32, i32
  }
  func.func @transform_3(%arg0: i32) -> (i32, i32, i32) {
    %c0_i32 = arith.constant 0 : i32
    %c0_i32_0 = arith.constant 0 : i32
    %c0_i32_1 = arith.constant 0 : i32
    return %arg0, %c0_i32, %c0_i32_0 : i32, i32, i32
  }
  func.func @transform_4(%arg0: i32) -> (i32, i32, i32) {
    %c0_i32 = arith.constant 0 : i32
    %c0_i32_0 = arith.constant 0 : i32
    %c0_i32_1 = arith.constant 0 : i32
    return %arg0, %c0_i32, %c0_i32_0 : i32, i32, i32
  }
  func.func @transform_5(%arg0: i32) -> (i32, i32) {
    %c0_i32 = arith.constant 0 : i32
    %c0_i32_0 = arith.constant 0 : i32
    %c0_i32_1 = arith.constant 0 : i32
    return %c0_i32, %c0_i32_0 : i32, i32
  }
  func.func @transform_6(%arg0: i32) -> (i32, i32) {
    %c0_i32 = arith.constant 0 : i32
    %c0_i32_0 = arith.constant 0 : i32
    %c0_i32_1 = arith.constant 0 : i32
    return %c0_i32, %c0_i32_0 : i32, i32
  }
  func.func @transform_7(%arg0: i32) -> (i32, i32) {
    %c0_i32 = arith.constant 0 : i32
    %c0_i32_0 = arith.constant 0 : i32
    %c0_i32_1 = arith.constant 0 : i32
    return %c0_i32, %c0_i32_0 : i32, i32
  }
  func.func @transform_8(%arg0: i32) -> (i32, i32) {
    %c0_i32 = arith.constant 0 : i32
    %c0_i32_0 = arith.constant 0 : i32
    %c0_i32_1 = arith.constant 0 : i32
    return %c0_i32, %c0_i32_0 : i32, i32
  }
  func.func @transform_9(%arg0: i32) -> (i32, i32) {
    %c0_i32 = arith.constant 0 : i32
    %c0_i32_0 = arith.constant 0 : i32
    %c0_i32_1 = arith.constant 0 : i32
    return %c0_i32, %c0_i32_0 : i32, i32
  }
}

</mosaic_0001>

<sc_bundles>
// kernel: kernel.5.cloned.1.call-start
scs
__scs_entry_jumppad:
0x0: {  	(pc) =	sbr.rel $0x88, $3  }
0x1: {  	(tag) =	ssettag $0x0;
	lr =	simm.s32 $0x1  }
0x2: {  	[smem:$0x3F9B] =	sst lr;
	_ =	strace $0xD0000000  }
0x3: {  	_ = 	snop  }
0x4: {  	_ = 	snop  }
0x5: {  	_ = 	snop  }
0x6: {  	_ = 	snop  }
0x7: {  	_ = 	snop  }
__scs_overlays_trampoline_lowered:
0x8: {  	[smem:$0x3FAA] =	sst s0  }
0x9: {  	[smem:$0x3FAB] =	sst s1  }
0xa: {  	[smem:$0x3FAC] =	sst s2  }
0xb: {  	[smem:$0x3FAD] =	sst s3  }
0xc: {  	[smem:$0x3FAE] =	sst s4  }
0xd: {  	[smem:$0x3FAF] =	sst s5  }
0xe: {  	[smem:$0x3FB0] =	sst s6  }
0xf: {  	[smem:$0x3FB1] =	sst s7  }
0x10: {  	[smem:$0x3FB2] =	sst s8  }
0x11: {  	[smem:$0x3FB3] =	sst s9;
	s0 =	simm.s32 @!p0 $0x0  }
0x12: {  	s1 =	sld [smem:$0x3F99];
	s0 =	simm.s32 @p0 $0x1  }
0x13: {  	[smem:$0x3FB4] =	sst s0;
	s0 =	simm.s32 @!p1 $0x0  }
0x14: {  	s2 =	sld [smem:$0x3F98];
	s0 =	simm.s32 @p1 $0x1  }
0x15: {  	[smem:$0x3FB5] =	sst s0;
	s0 =	simm.s32 @!p2 $0x0  }
0x16: {  	s3 =	sld [smem:$0x3FDB];
	s0 =	simm.s32 @p2 $0x1  }
0x17: {  	s4 =	simm.s32 $0x1BF5;
	[smem:$0x3FB7] =	sst s0  }
0x18: {  	s0 =	sld [smem:$0x3F9A];
	_ =	swait.ge [sflag:s4], $0x0  }
0x19: {  	s7 =	sld [smem:$0x3F9B]  }
0x1a: {  	s8 =	sadd.s32 $0xFFFFE003, lr  }
0x1b: {  	s9 =	sadd.s32 $0xFFFFFEF7, lr;
	s5 =	simm.s32 $0xFFFFFFFF;
	p2 =	slt.u32 s8, $0xFFFFF086  }
0x1c: {  	p1 =	slt.u32 s9, $0xF7A;
	s5 =	simm.s32 @!p2 $0x0  }
0x1d: {  	s5 =	simm.s32 @p1 $0x1;
	p0 =	seq.s32 s7, s2  }
0x1e: {  	s7 =	smul.u32 @!p0 $0xF7A, s2;
	p2 =	seq.s32 @!p0 s5, $0x0  }
0x1f: {  	s9 =	smul.u32 $0xF7A, s1;
	s8 =	simm.s32 @!p0 $0x1BF5;
	p2 =	por !p2, p0  }
0x20: {  	[sflag:s8] =	ssyncset.s32 @!p0 $0xFFFFF086;
	s6 =	sadd.s32 @!p0 s3, s7;
	s7 =	simm.s32 @!p0 $0x108  }
0x21: {  	s3 =	sadd.s32 s3, s9;
	s6 =	sadd.s32 @!p0 $0x88, s6;
	s7 =	simm.s32 @p2 $0x1082  }
0x22: {  	[simem:s7], [sflag:s8] =	dma.local @!p0 [hbm:s6], $0xF7A  }
0x23: {  	s9 =	sor.u32 $0xD0000000, s2;
	s6 =	simm.s32 $0x108;
	_ =	swait.ge @!p0 [sflag:s8], $0x0  }
0x24: {  	s3 =	sadd.s32 $0x88, s3;
	s6 =	simm.s32 @!p1 $0x1082;
	[sflag:s4] =	ssyncset.s32 $0xFFFFF086  }
0x25: {  	[simem:s6], [sflag:s4] =	dma.local [hbm:s3], $0xF7A  }
0x26: {  	[smem:$0x3F9B] =	sst s1;
	(tag) =	ssettag s2;
	_ =	strace s9  }
0x27: {  	s1 =	sld [smem:$0x3FAB]  }
0x28: {  	s2 =	sld [smem:$0x3FAC]  }
0x29: {  	s4 =	sld [smem:$0x3FAE]  }
0x2a: {  	p0 =	seq.s32 s5, $0x0;
	s5 =	sld [smem:$0x3FAF]  }
0x2b: {  	s6 =	sld [smem:$0x3FB0]  }
0x2c: {  	s7 =	sld [smem:$0x3FB1]  }
0x2d: {  	s3 =	simm.s32 $0x108;
	s8 =	sld [smem:$0x3FB2]  }
0x2e: {  	s3 =	simm.s32 @!p0 $0x1082;
	s9 =	sld [smem:$0x3FB3]  }
0x2f: {  	lr =	sadd.s32 s0, s3;
	s0 =	sld [smem:$0x3FAA]  }
0x30: {  	s3 =	sld [smem:$0x3FAD]  }
0x31: {  	[smem:$0x3FB6] =	sst s10  }
0x32: {  	s10 =	sld [smem:$0x3FB4];
	_ =	sdelay $0x3  }
0x33: {  	p0 =	seq.s32 s10, $0x1;
	s10 =	sld [smem:$0x3FB6];
	_ =	sdelay $0x3  }
0x34: {  	[smem:$0x3FB6] =	sst s10  }
0x35: {  	s10 =	sld [smem:$0x3FB5];
	_ =	sdelay $0x3  }
0x36: {  	p1 =	seq.s32 s10, $0x1;
	s10 =	sld [smem:$0x3FB6];
	_ =	sdelay $0x3  }
0x37: {  	[smem:$0x3FB6] =	sst s10  }
0x38: {  	s10 =	sld [smem:$0x3FB7]  }
0x39: {  	_ = 	snop;
	(pc) =	sbr.ind lr, $3  }
0x3a: {  	_ = 	snop  }
0x3b: {  	_ = 	snop  }
0x3c: {  	p2 =	seq.s32 s10, $0x1;
	s10 =	sld [smem:$0x3FB6]  }
0x3d: {  	_ =	shalt  }
0x3e: {  	_ =	shalt  }
0x3f: {  	_ =	shalt  }
0x40: {  	_ =	shalt  }
0x41: {  	_ =	shalt  }
0x42: {  	_ =	shalt  }
0x43: {  	_ =	shalt  }
0x44: {  	_ =	shalt  }
0x45: {  	_ =	shalt  }
0x46: {  	_ =	shalt  }
0x47: {  	_ =	shalt  }
0x48: {  	_ =	shalt  }
0x49: {  	_ =	shalt  }
0x4a: {  	_ =	shalt  }
0x4b: {  	_ =	shalt  }
0x4c: {  	_ =	shalt  }
0x4d: {  	_ =	shalt  }
0x4e: {  	_ =	shalt  }
0x4f: {  	_ =	shalt  }
0x50: {  	_ =	shalt  }
0x51: {  	_ =	shalt  }
0x52: {  	_ =	shalt  }
0x53: {  	_ =	shalt  }
0x54: {  	_ =	shalt  }
0x55: {  	_ =	shalt  }
0x56: {  	_ =	shalt  }
0x57: {  	_ =	shalt  }
0x58: {  	_ =	shalt  }
0x59: {  	_ =	shalt  }
0x5a: {  	_ =	shalt  }
0x5b: {  	_ =	shalt  }
0x5c: {  	_ =	shalt  }
0x5d: {  	_ =	shalt  }
0x5e: {  	_ =	shalt  }
0x5f: {  	_ =	shalt  }
0x60: {  	_ =	shalt  }
0x61: {  	_ =	shalt  }
0x62: {  	_ =	shalt  }
0x63: {  	_ =	shalt  }
0x64: {  	_ =	shalt  }
0x65: {  	_ =	shalt  }
0x66: {  	_ =	shalt  }
0x67: {  	_ =	shalt  }
0x68: {  	_ =	shalt  }
0x69: {  	_ =	shalt  }
0x6a: {  	_ =	shalt  }
0x6b: {  	_ =	shalt  }
0x6c: {  	_ =	shalt  }
0x6d: {  	_ =	shalt  }
0x6e: {  	_ =	shalt  }
0x6f: {  	_ =	shalt  }
0x70: {  	_ =	shalt  }
0x71: {  	_ =	shalt  }
0x72: {  	_ =	shalt  }
0x73: {  	_ =	shalt  }
0x74: {  	_ =	shalt  }
0x75: {  	_ =	shalt  }
0x76: {  	_ =	shalt  }
0x77: {  	_ =	shalt  }
0x78: {  	_ =	shalt  }
0x79: {  	_ =	shalt  }
0x7a: {  	_ =	shalt  }
0x7b: {  	_ =	shalt  }
0x7c: {  	_ =	shalt  }
0x7d: {  	_ =	shalt  }
0x7e: {  	_ =	shalt  }
0x7f: {  	_ =	shalt  }
0x80: {  	_ =	shalt  }
0x81: {  	_ =	shalt  }
0x82: {  	_ =	shalt  }
0x83: {  	_ =	shalt  }
0x84: {  	_ =	shalt  }
0x85: {  	_ =	shalt  }
0x86: {  	_ =	shalt  }
0x87: {  	_ =	shalt  }
.Lfunc_end0:
.L_simem_size_0:
called_computation_lowered:
.L_overlay_start_0:
0x88: {  	s2 =	sld [smem:$0x3FD9]  }
0x89: {  	s3 =	sld [smem:$0x3FFE];
	_ =	sdelay $0x1  }
0x8a: {  	s1 =	srdreg.scid  }
0x8b: {  	s0 =	sand.u32 $0x1, s1  }
0x8c: {  	s17 =	sshll.u32 s0, $0xA;
	s2 =	sadd.s32 s3, s2  }
0x8d: {  	s2 =	sadd.s32 s2, s17  }
0x8e: {  	[smem:$0x3FC2] =	sst s2  }
0x8f: {  	_ = 	snop  }
0x90: {  	s2 =	sld [smem:$0x3FD0];
	(tm) =	ssettm $0x1  }
0x91: {  	s18 =	sld [smem:$0x3FFB];
	_ =	sdelay $0x3  }
0x92: {  	_ =	strace s18  }
0x93: {  	s3 =	sld [smem:$0x3FFC];
	_ =	sdelay $0x3  }
0x94: {  	_ =	strace s3  }
0x95: {  	s3 =	sld [smem:$0x3FFD];
	_ =	sdelay $0x3  }
0x96: {  	_ =	strace s3  }
0x97: {  	_ =	strace $0x8FFFFFFF  }
0x98: {  	s19 =	sld [smem:$0x3FDB];
	_ =	sdelay $0x1  }
0x99: {  	s4 =	simm.s32 $_scs_section_size  }
0x9a: {  	s5 =	simm.s32 $_size__tile_overlayer_lowered;
	s6 =	simm.s32 $_tile_overlayer_lowered  }
0x9b: {  	s22 =	simm.s32 $0x1BFF;
	s21 =	sshll.u32 s6, $0x1;
	s3 =	sadd.s32 s4, s19  }
0x9c: {  	s7 =	simm.s32 $0x0;
	s20 =	sshll.u32 s5, $0x1;
	s5 =	sadd.s32 s21, s3  }
0x9d: {  	[timem:s7], [sflag:s22] =	dma.local [hbm:s5], s20  }
0x9e: {  	_ =	swait.ge [sflag:s22], s20  }
0x9f: {  	s4 =	ssub.s32 $0x0, s20;
	[sflag:s22] =	ssyncset.done $0x0  }
0xa0: {  	[sflag:s22] =	ssyncadd.s32 s4;
	_ =	sdelay $0x1  }
0xa1: {  	s23 =	simm.s32 $0x1B8B  }
0xa2: {  	_ =	swait.ge [sflag:s23], $0x1  }
0xa3: {  	[sflag:s23] =	ssyncset.done $0x0  }
0xa4: {  	s25 =	simm.s32 $0x1B8E;
	s24 =	sld [smem:$0x3FFE];
	[sflag:s23] =	ssyncadd.s32 $0xFFFFFFFF  }
0xa5: {  	s26 =	simm.s32 $execute0_lowered;
	[smem:$0x3FD2] =	sst s25  }
0xa6: {  	s5 =	sshll.u32 s26, $0x1;
	_ =	strace $0x80000046;
	[dreg:$0x1] =	wrdreg $0xFFFFFFFF  }
0xa7: {  	s28 =	simm.s32 $_size_execute0_lowered;
	s3 =	sadd.s32 s3, s5;
	[dreg:$0x0] =	wrdreg $0x0  }
0xa8: {  	s5 =	sshll.u32 s28, $0x1;
	[dreg:$0x2] =	wrdreg s3  }
0xa9: {  	[dreg:$0x3] =	wrdreg s5  }
0xaa: {  	[dreg:$0x4] =	wrdreg $0xC0  }
0xab: {  	_ =	task [dreg:s7], $0x5FFFF  }
0xac: {  	[dreg:$0x1] =	wrdreg $0xFFFFFFFF  }
0xad: {  	[dreg:$0x0] =	wrdreg $0x60  }
0xae: {  	[dreg:$0x2] =	wrdreg s2  }
0xaf: {  	[dreg:$0x3] =	wrdreg s24  }
0xb0: {  	[dreg:$0x4] =	wrdreg $0x9  }
0xb1: {  	_ =	task.clear_ibuf [dreg:s7], $0x5FFFF;
	_ =	strace $0x90000046  }
0xb2: {  	s29 =	simm.s32 $0x9;
	_ =	strace $0x80000048  }
0xb3: {  	_ =	swait.ge [sflag:s29], $0x1  }
0xb4: {  	[sflag:s29] =	ssyncadd.s32 $0xFFFFFFFF  }
0xb5: {  	_ =	strace $0x90000048  }
0xb6: {  	_ =	sfence  }
0xb7: {  	s30 =	sld [smem:$0x0];
	_ =	sdelay $0x2  }
0xb8: {  	s31 =	sshll.u32 s1, $0xD;
	s1 =	sshrl.u32 s1, $0x2  }
0xb9: {  	s3 =	sand.u32 $0x4000, s31;
	s1 =	sadd.s32 s1, s30  }
0xba: {  	s0 =	sor.u32 s3, s0;
	s1 =	sshll.u32 s1, $0x11  }
0xbb: {  	s0 =	sor.u32 s1, s0  }
0xbc: {  	s0 =	sadd.s32 $0x8F2B, s0  }
0xbd: {  	[sflag:s0] =	ssyncadd.remote.s32 $0x1  }
0xbe: {  	_ =	sfence.sel $0xFFFF  }
0xbf: {  	[dreg:$0x0] =	wrdreg $0xFFFFFFFF;
	(pc) =	sbr.abs _section_cstart, $3  }
0xc0: {  	[dreg:$0x1] =	wrdreg $0xFFFFFFFF  }
0xc1: {  	_ =	task.clear_ibuf [dreg:s7], $0x2FFFF;
	_ =	strace $0x9FFFFFFF  }
0xc2: {  	(tm) =	ssettm $0x7FFFFFFF  }
0xc3: {  	_ =	shalt  }
tec
execute0_lowered:
.L_overlay_start_1:
0x0: {  	(tag) =	ssettag $0x1  }
0x1: {  	s1 =	stileid.u32  }
0x2: {  	p0 =	sgt.u32 s1, $0x3  }
.Ltmp0:
0x3: {  	_ = 	snop;
	(pc) =	sbr.rel @p0 .LBB2_4-.Ltmp0, $4  }
0x4: {  	s2 =	rddreg [dreg:$0x0]  }
0x5: {  	s6 =	rddreg [dreg:$0x1];
	s3 =	simm.s32 $0x0  }
0x6: {  	[smem:$0x7FF] =	sst s3  }
0x7: {  	s0 =	rddreg [dreg:$0x2];
	_ =	strace $0x80000047  }
0x8: {  	s5 =	srdreg.scid;
	s4 =	simm.s32 $0x1  }
0x9: {  	[tilespmem:s3], [sflag:$0x1] =	stream.linear.gather [hbm4b:s2+s3], $0x2000, $0x38;
	[tilespmem:$0x2200] =	vst v63  }
0xa: {  	s31 =	sshll.u32 s1, $0x1;
	s12 =	sand.u32 $0x1, s5;
	_ =	swait.ge [sflag:s4], $0x2000  }
0xb: {  	s7 =	sor.u32 s12, s31;
	[sflag:s4] =	ssyncset.done $0x0  }
0xc: {  	s5 =	sshll.u32 s7, $0x4;
	[sflag:s4] =	ssyncadd.s32 $0xFFFFE000  }
0xd: {  	v4 =	vld [tilespmem:s5+$0x0];
	_ =	sdelay $0x1  }
0xe: {  	v5 =	vld [tilespmem:s5+$0x80];
	_ =	sdelay $0x1  }
0xf: {  	v63 =	vld [tilespmem:s5+$0x100]  }
0x10: {  	vm0 =	vgt.f32 v4, $-Inf  }
0x11: {  	v62 =	vld [tilespmem:s5+$0x180];
	v0 =	vnsel vm0, $0xFF800000, v4  }
0x12: {  	vm0 =	vgt.f32 v5, v0  }
0x13: {  	v61 =	vld [tilespmem:s5+$0x200];
	v0 =	vsel vm0, v5, v0  }
0x14: {  	vm1 =	vgt.f32 v63, v0  }
0x15: {  	v60 =	vld [tilespmem:s5+$0x280];
	v0 =	vsel vm1, v63, v0  }
0x16: {  	vm2 =	vgt.f32 v62, v0  }
0x17: {  	v59 =	vld [tilespmem:s5+$0x300];
	v0 =	vsel vm2, v62, v0  }
0x18: {  	vm3 =	vgt.f32 v61, v0  }
0x19: {  	v58 =	vld [tilespmem:s5+$0x380];
	v0 =	vsel vm3, v61, v0  }
0x1a: {  	vm4 =	vgt.f32 v60, v0  }
0x1b: {  	v57 =	vld [tilespmem:s5+$0x400];
	v0 =	vsel vm4, v60, v0  }
0x1c: {  	vm5 =	vgt.f32 v59, v0  }
0x1d: {  	v56 =	vld [tilespmem:s5+$0x480];
	v0 =	vsel vm5, v59, v0  }
0x1e: {  	vm6 =	vgt.f32 v58, v0  }
0x1f: {  	v55 =	vld [tilespmem:s5+$0x500];
	v0 =	vsel vm6, v58, v0  }
0x20: {  	vm7 =	vgt.f32 v57, v0  }
0x21: {  	v54 =	vld [tilespmem:s5+$0x580];
	v0 =	vsel vm7, v57, v0  }
0x22: {  	vm8 =	vgt.f32 v56, v0  }
0x23: {  	v53 =	vld [tilespmem:s5+$0x600];
	v0 =	vsel vm8, v56, v0  }
0x24: {  	vm9 =	vgt.f32 v55, v0  }
0x25: {  	v52 =	vld [tilespmem:s5+$0x680];
	v0 =	vsel vm9, v55, v0  }
0x26: {  	vm10 =	vgt.f32 v54, v0  }
0x27: {  	v1 =	vimm.s32 $0x0;
	v51 =	vld [tilespmem:s5+$0x700];
	v0 =	vsel vm10, v54, v0  }
0x28: {  	v1 =	vsel vm10, $0xFFFFFFFF, v1;
	vm10 =	vgt.f32 v53, v0  }
0x29: {  	v20 =	vimm.s32 $0x0;
	v49 =	vld [tilespmem:s5+$0x780];
	v0 =	vsel vm10, v53, v0  }
0x2a: {  	[tilespmem:$0x1FC20] =	vst v1;
	v1 =	vsel vm10, $0xFFFFFFFF, v20;
	vm10 =	vgt.f32 v52, v0  }
0x2b: {  	v21 =	vimm.s32 $0x0;
	v50 =	vld [tilespmem:s5+$0x800];
	v0 =	vsel vm10, v52, v0  }
0x2c: {  	[tilespmem:$0x1FC30] =	vst v1;
	v1 =	vsel vm10, $0xFFFFFFFF, v21;
	vm10 =	vgt.f32 v51, v0  }
0x2d: {  	v22 =	vimm.s32 $0x0;
	v48 =	vld [tilespmem:s5+$0x880];
	v0 =	vsel vm10, v51, v0  }
0x2e: {  	[tilespmem:$0x1FC40] =	vst v1;
	v1 =	vsel vm10, $0xFFFFFFFF, v22;
	vm10 =	vgt.f32 v49, v0  }
0x2f: {  	v23 =	vimm.s32 $0x0;
	v47 =	vld [tilespmem:s5+$0x900];
	v0 =	vsel vm10, v49, v0  }
0x30: {  	[tilespmem:$0x1FC50] =	vst v1;
	v1 =	vsel vm10, $0xFFFFFFFF, v23;
	vm10 =	vgt.f32 v50, v0  }
0x31: {  	v24 =	vimm.s32 $0x0;
	v46 =	vld [tilespmem:s5+$0x980];
	v0 =	vsel vm10, v50, v0  }
0x32: {  	[tilespmem:$0x1FC60] =	vst v1;
	v1 =	vsel vm10, $0xFFFFFFFF, v24;
	vm10 =	vgt.f32 v48, v0  }
0x33: {  	v25 =	vimm.s32 $0x0;
	v45 =	vld [tilespmem:s5+$0xA00];
	v0 =	vsel vm10, v48, v0  }
0x34: {  	[tilespmem:$0x1FC70] =	vst v1;
	v1 =	vsel vm10, $0xFFFFFFFF, v25;
	vm10 =	vgt.f32 v47, v0  }
0x35: {  	v26 =	vimm.s32 $0x0;
	v44 =	vld [tilespmem:s5+$0xA80];
	v0 =	vsel vm10, v47, v0  }
0x36: {  	[tilespmem:$0x1FC80] =	vst v1;
	v1 =	vsel vm10, $0xFFFFFFFF, v26;
	vm10 =	vgt.f32 v46, v0  }
0x37: {  	v27 =	vimm.s32 $0x0;
	v43 =	vld [tilespmem:s5+$0xB00];
	v0 =	vsel vm10, v46, v0  }
0x38: {  	[tilespmem:$0x1FC90] =	vst v1;
	v1 =	vsel vm10, $0xFFFFFFFF, v27;
	vm10 =	vgt.f32 v45, v0  }
0x39: {  	v28 =	vimm.s32 $0x0;
	v40 =	vld [tilespmem:s5+$0xB80];
	v0 =	vsel vm10, v45, v0  }
0x3a: {  	[tilespmem:$0x1FCA0] =	vst v1;
	v1 =	vsel vm10, $0xFFFFFFFF, v28;
	vm10 =	vgt.f32 v44, v0  }
0x3b: {  	v29 =	vimm.s32 $0x0;
	v37 =	vld [tilespmem:s5+$0xC00];
	v0 =	vsel vm10, v44, v0  }
0x3c: {  	[tilespmem:$0x1FCB0] =	vst v1;
	v1 =	vsel vm10, $0xFFFFFFFF, v29;
	vm10 =	vgt.f32 v43, v0  }
0x3d: {  	v30 =	vimm.s32 $0x0;
	v34 =	vld [tilespmem:s5+$0xC80];
	v0 =	vsel vm10, v43, v0  }
0x3e: {  	v31 =	vimm.s32 $0x0;
	[tilespmem:$0x1FCC0] =	vst v1;
	v1 =	vsel vm10, $0xFFFFFFFF, v30;
	vm10 =	vgt.f32 v40, v0  }
0x3f: {  	[tilespmem:$0x1FCD0] =	vst v1;
	v1 =	vsel vm10, $0xFFFFFFFF, v31;
	v0 =	vsel vm10, v40, v0;
	v31 =	vld [tilespmem:s5+$0xD00]  }
0x40: {  	v19 =	vld [tilespmem:s5+$0xF00];
	vm10 =	vgt.f32 v37, v0  }
0x41: {  	v32 =	vimm.s32 $0x0;
	v28 =	vld [tilespmem:s5+$0xD80];
	v0 =	vsel vm10, v37, v0  }
0x42: {  	v16 =	vld [tilespmem:s5+$0xF80];
	[tilespmem:$0x1FCE0] =	vst v1;
	v1 =	vsel vm10, $0xFFFFFFFF, v32;
	vm10 =	vgt.f32 v34, v0  }
0x43: {  	v33 =	vimm.s32 $0x0;
	v25 =	vld [tilespmem:s5+$0xE00];
	v0 =	vsel vm10, v34, v0  }
0x44: {  	v13 =	vld [tilespmem:s5+$0x1000];
	[tilespmem:$0x1FCF0] =	vst v1;
	v1 =	vsel vm10, $0xFFFFFFFF, v33;
	vm10 =	vgt.f32 v31, v0  }
0x45: {  	v35 =	vimm.s32 $0x0;
	v22 =	vld [tilespmem:s5+$0xE80];
	v0 =	vsel vm10, v31, v0  }
0x46: {  	v10 =	vld [tilespmem:s5+$0x1080];
	[tilespmem:$0x1FD00] =	vst v1;
	v1 =	vsel vm10, $0xFFFFFFFF, v35;
	vm10 =	vgt.f32 v28, v0  }
0x47: {  	v36 =	vimm.s32 $0x0;
	v8 =	vld [tilespmem:s5+$0x1100];
	v0 =	vsel vm10, v28, v0  }
0x48: {  	v11 =	vld [tilespmem:s5+$0x1180];
	[tilespmem:$0x1FD10] =	vst v1;
	v1 =	vsel vm10, $0xFFFFFFFF, v36;
	vm10 =	vgt.f32 v25, v0  }
0x49: {  	v38 =	vimm.s32 $0x0;
	v14 =	vld [tilespmem:s5+$0x1200];
	v0 =	vsel vm10, v25, v0  }
0x4a: {  	v17 =	vld [tilespmem:s5+$0x1280];
	[tilespmem:$0x1FD20] =	vst v1;
	v1 =	vsel vm10, $0xFFFFFFFF, v38;
	vm10 =	vgt.f32 v22, v0  }
0x4b: {  	v39 =	vimm.s32 $0x0;
	v20 =	vld [tilespmem:s5+$0x1300];
	v0 =	vsel vm10, v22, v0  }
0x4c: {  	v7 =	vld [tilespmem:$0x1FC20];
	[tilespmem:$0x1FD30] =	vst v1;
	v1 =	vsel vm10, $0xFFFFFFFF, v39;
	vm10 =	vgt.f32 v19, v0  }
0x4d: {  	v41 =	vimm.s32 $0x0;
	v9 =	vld [tilespmem:$0x1FC30];
	v0 =	vsel vm10, v19, v0  }
0x4e: {  	v12 =	vld [tilespmem:$0x1FC40];
	[tilespmem:$0x1FD40] =	vst v1;
	v1 =	vsel vm10, $0xFFFFFFFF, v41;
	vm10 =	vgt.f32 v16, v0  }
0x4f: {  	v42 =	vimm.s32 $0x0;
	v6 =	vimm.s32 $0x0;
	v23 =	vld [tilespmem:s5+$0x1380];
	v0 =	vsel vm10, v16, v0  }
0x50: {  	v3 =	vsel vm0, $0x1, v6;
	v15 =	vld [tilespmem:$0x1FC50];
	[tilespmem:$0x1FD50] =	vst v1;
	v1 =	vsel vm10, $0xFFFFFFFF, v42;
	vm10 =	vgt.f32 v13, v0  }
0x51: {  	v3 =	vsel vm1, $0x2, v3;
	v18 =	vld [tilespmem:$0x1FC60];
	v0 =	vsel vm10, v13, v0  }
0x52: {  	v3 =	vsel vm2, $0x3, v3;
	v21 =	vld [tilespmem:$0x1FC70];
	vm14 =	vgt.f32 v10, v0  }
0x53: {  	v3 =	vsel vm3, $0x4, v3;
	v26 =	vld [tilespmem:s5+$0x1400];
	v0 =	vsel vm14, v10, v0  }
0x54: {  	v3 =	vsel vm4, $0x5, v3;
	v24 =	vld [tilespmem:$0x1FC80];
	vm13 =	vgt.f32 v8, v0  }
0x55: {  	v3 =	vsel vm5, $0x6, v3;
	v27 =	vld [tilespmem:$0x1FC90];
	v0 =	vsel vm13, v8, v0  }
0x56: {  	v3 =	vsel vm6, $0x7, v3;
	v29 =	vld [tilespmem:s5+$0x1480];
	vm12 =	vgt.f32 v11, v0  }
0x57: {  	v3 =	vsel vm7, $0x8, v3;
	v30 =	vld [tilespmem:$0x1FCA0];
	v0 =	vsel vm12, v11, v0  }
0x58: {  	v3 =	vsel vm8, $0x9, v3;
	v32 =	vld [tilespmem:s5+$0x1500];
	vm11 =	vgt.f32 v14, v0  }
0x59: {  	v2 =	vimm.s32 $0x0;
	v3 =	vsel vm9, $0xA, v3;
	v33 =	vld [tilespmem:$0x1FCB0];
	v0 =	vsel vm11, v14, v0  }
0x5a: {  	vm6 =	vnez.u8 v7;
	v6 =	vld [tilespmem:$0x1FCF0];
	v2 =	vsel vm10, $0xFFFFFFFF, v2;
	vm10 =	vgt.f32 v17, v0  }
0x5b: {  	v3 =	vsel vm6, $0xB, v3;
	vm7 =	vnez.u8 v9;
	v35 =	vld [tilespmem:s5+$0x1580];
	v0 =	vsel vm10, v17, v0  }
0x5c: {  	v3 =	vsel vm7, $0xC, v3;
	vm8 =	vnez.u8 v12;
	v7 =	vld [tilespmem:$0x1FD00];
	vm9 =	vgt.f32 v20, v0  }
0x5d: {  	v3 =	vsel vm8, $0xD, v3;
	vm15 =	vnez.u8 v15;
	v36 =	vld [tilespmem:$0x1FCC0];
	v0 =	vsel vm9, v20, v0  }
0x5e: {  	v3 =	vsel vm15, $0xE, v3;
	vm4 =	vnez.u8 v18;
	v9 =	vld [tilespmem:$0x1FD10];
	vm8 =	vgt.f32 v23, v0  }
0x5f: {  	v3 =	vsel vm4, $0xF, v3;
	vm5 =	vnez.u8 v21;
	v38 =	vld [tilespmem:s5+$0x1600];
	v0 =	vsel vm8, v23, v0  }
0x60: {  	v3 =	vsel vm5, $0x10, v3;
	vm6 =	vnez.u8 v24;
	v39 =	vld [tilespmem:$0x1FCD0];
	vm7 =	vgt.f32 v26, v0  }
0x61: {  	v3 =	vsel vm6, $0x11, v3;
	vm15 =	vnez.u8 v27;
	v42 =	vld [tilespmem:$0x1FCE0];
	v0 =	vsel vm7, v26, v0  }
0x62: {  	v3 =	vsel vm15, $0x12, v3;
	vm4 =	vnez.u8 v30;
	v12 =	vld [tilespmem:$0x1FD20];
	vm6 =	vgt.f32 v29, v0  }
0x63: {  	v3 =	vsel vm4, $0x13, v3;
	vm5 =	vnez.u8 v33;
	v15 =	vld [tilespmem:$0x1FD30];
	v0 =	vsel vm6, v29, v0  }
0x64: {  	v3 =	vsel vm5, $0x14, v3;
	vm15 =	vnez.u8 v36;
	v41 =	vld [tilespmem:s5+$0x1680];
	vm5 =	vgt.f32 v32, v0  }
0x65: {  	v3 =	vsel vm15, $0x15, v3;
	v18 =	vld [tilespmem:$0x1FD40];
	vm4 =	vnez.u8 v39;
	v0 =	vsel vm5, v32, v0  }
0x66: {  	v21 =	vld [tilespmem:$0x1FD50];
	v3 =	vsel vm4, $0x16, v3;
	vm15 =	vnez.u8 v42;
	vm4 =	vgt.f32 v35, v0  }
0x67: {  	v42 =	vld [tilespmem:s5+$0x1700];
	v3 =	vsel vm15, $0x17, v3;
	vm15 =	vnez.u8 v6;
	v0 =	vsel vm4, v35, v0  }
0x68: {  	[tilespmem:$0x1FD60] =	vst v1;
	v39 =	vld [tilespmem:s5+$0x1780];
	v3 =	vsel vm15, $0x18, v3;
	vm15 =	vnez.u8 v7;
	vm3 =	vgt.f32 v38, v0  }
0x69: {  	v24 =	vld [tilespmem:$0x1FD60];
	[tilespmem:$0x1FD70] =	vst v2;
	v3 =	vsel vm15, $0x19, v3;
	vm15 =	vnez.u8 v9;
	v0 =	vsel vm3, v38, v0  }
0x6a: {  	v27 =	vld [tilespmem:$0x1FD70];
	v3 =	vsel vm15, $0x1A, v3;
	vm15 =	vnez.u8 v12;
	vm2 =	vgt.f32 v41, v0  }
0x6b: {  	v36 =	vld [tilespmem:s5+$0x1800];
	v3 =	vsel vm15, $0x1B, v3;
	vm15 =	vnez.u8 v15;
	v0 =	vsel vm2, v41, v0  }
0x6c: {  	v3 =	vsel vm15, $0x1C, v3;
	vm15 =	vnez.u8 v18;
	vm1 =	vgt.f32 v42, v0  }
0x6d: {  	v33 =	vld [tilespmem:s5+$0x1880];
	v3 =	vsel vm15, $0x1D, v3;
	vm15 =	vnez.u8 v21;
	v0 =	vsel vm1, v42, v0  }
0x6e: {  	v3 =	vsel vm15, $0x1E, v3;
	vm15 =	vnez.u8 v24;
	vm0 =	vgt.f32 v39, v0  }
0x6f: {  	v30 =	vld [tilespmem:s5+$0x1900];
	v3 =	vsel vm15, $0x1F, v3;
	vm15 =	vnez.u8 v27;
	v0 =	vsel vm0, v39, v0  }
0x70: {  	v3 =	vsel vm15, $0x20, v3;
	vm15 =	vgt.f32 v36, v0  }
0x71: {  	v27 =	vld [tilespmem:s5+$0x1980];
	v3 =	vsel vm14, $0x21, v3;
	v0 =	vsel vm15, v36, v0  }
0x72: {  	v3 =	vsel vm13, $0x22, v3;
	vm13 =	vgt.f32 v33, v0  }
0x73: {  	v24 =	vld [tilespmem:s5+$0x1A00];
	v3 =	vsel vm12, $0x23, v3;
	v0 =	vsel vm13, v33, v0  }
0x74: {  	v3 =	vsel vm11, $0x24, v3;
	vm11 =	vgt.f32 v30, v0  }
0x75: {  	v21 =	vld [tilespmem:s5+$0x1A80];
	v3 =	vsel vm10, $0x25, v3;
	v0 =	vsel vm11, v30, v0  }
0x76: {  	v3 =	vsel vm9, $0x26, v3;
	vm9 =	vgt.f32 v27, v0  }
0x77: {  	v18 =	vld [tilespmem:s5+$0x1B00];
	v3 =	vsel vm8, $0x27, v3;
	v0 =	vsel vm9, v27, v0  }
0x78: {  	v3 =	vsel vm7, $0x28, v3;
	vm12 =	vgt.f32 v24, v0  }
0x79: {  	v15 =	vld [tilespmem:s5+$0x1B80];
	v3 =	vsel vm6, $0x29, v3;
	v0 =	vsel vm12, v24, v0  }
0x7a: {  	v3 =	vsel vm5, $0x2A, v3;
	vm5 =	vgt.f32 v21, v0  }
0x7b: {  	v12 =	vld [tilespmem:s5+$0x1C00];
	v3 =	vsel vm4, $0x2B, v3;
	v0 =	vsel vm5, v21, v0  }
0x7c: {  	v3 =	vsel vm3, $0x2C, v3;
	vm14 =	vgt.f32 v18, v0  }
0x7d: {  	v9 =	vld [tilespmem:s5+$0x1C80];
	v3 =	vsel vm2, $0x2D, v3;
	v0 =	vsel vm14, v18, v0  }
0x7e: {  	v3 =	vsel vm1, $0x2E, v3;
	vm8 =	vgt.f32 v15, v0  }
0x7f: {  	v7 =	vld [tilespmem:s5+$0x1D00];
	v3 =	vsel vm0, $0x2F, v3;
	v0 =	vsel vm8, v15, v0  }
0x80: {  	v3 =	vsel vm15, $0x30, v3;
	vm10 =	vgt.f32 v12, v0  }
0x81: {  	v6 =	vld [tilespmem:s5+$0x1D80];
	v3 =	vsel vm13, $0x31, v3;
	v0 =	vsel vm10, v12, v0  }
0x82: {  	v3 =	vsel vm11, $0x32, v3;
	vm11 =	vgt.f32 v9, v0  }
0x83: {  	v1 =	vld [tilespmem:s5+$0x1E00];
	v3 =	vsel vm9, $0x33, v3;
	v0 =	vsel vm11, v9, v0  }
0x84: {  	v3 =	vsel vm12, $0x34, v3;
	vm12 =	vgt.f32 v7, v0  }
0x85: {  	v2 =	vsel vm5, $0x35, v3;
	v3 =	vld [tilespmem:s5+$0x1E80];
	v0 =	vsel vm12, v7, v0  }
0x86: {  	vm13 =	vgt.f32 v6, v0  }
0x87: {  	[tilespmem:$0x1FE60] =	vst v6;
	v2 =	vsel vm14, $0x36, v2;
	v0 =	vsel vm13, v6, v0;
	v6 =	vld [tilespmem:s5+$0x1F00]  }
0x88: {  	v2 =	vsel vm8, $0x37, v2;
	vm14 =	vgt.f32 v1, v0  }
0x89: {  	[tilespmem:$0x1FE90] =	vst v1;
	v2 =	vsel vm10, $0x38, v2;
	v0 =	vsel vm14, v1, v0;
	v1 =	vld [tilespmem:s5+$0x1F80]  }
0x8a: {  	v2 =	vsel vm11, $0x39, v2;
	vm15 =	vgt.f32 v3, v0  }
0x8b: {  	v2 =	vsel vm12, $0x3A, v2;
	v0 =	vsel vm15, v3, v0  }
0x8c: {  	v2 =	vsel vm13, $0x3B, v2;
	vm4 =	vgt.f32 v6, v0  }
0x8d: {  	v2 =	vsel vm14, $0x3C, v2;
	v0 =	vsel vm4, v6, v0  }
0x8e: {  	v2 =	vsel vm15, $0x3D, v2;
	[tilespmem:$0x1FF20] =	vst v0;
	vm5 =	vgt.f32 v1, v0;
	v0 =	vimm.s32 $0x0  }
0x8f: {  	v2 =	vsel vm4, $0x3E, v2;
	v0 =	vsel vm5, $0xFFFFFFFF, v0  }
0x90: {  	[tilespmem:$0x1FF30] =	vst v0;
	v0 =	vsel vm5, $0x3F, v2  }
0x91: {  	vm0 =	veq.s32 v0, $0x0  }
0x92: {  	v4 =	vsel vm0, $0xFF800000, v4  }
0x93: {  	vm6 =	veq.s32 v0, $0x1;
	vm7 =	vgt.f32 v4, $-Inf  }
0x94: {  	[tilespmem:$0x1FF00] =	vst v1;
	v5 =	vsel vm6, $0xFF800000, v5;
	v1 =	vnsel vm7, $0xFF800000, v4  }
0x95: {  	vm8 =	veq.s32 v0, $0x2;
	vm1 =	vgt.f32 v5, v1  }
0x96: {  	v4 =	vsel vm8, $0xFF800000, v63;
	v1 =	vsel vm1, v5, v1  }
0x97: {  	vm9 =	veq.s32 v0, $0x3;
	vm2 =	vgt.f32 v4, v1  }
0x98: {  	v5 =	vsel vm9, $0xFF800000, v62;
	v1 =	vsel vm2, v4, v1  }
0x99: {  	vm10 =	veq.s32 v0, $0x4;
	vm3 =	vgt.f32 v5, v1  }
0x9a: {  	v61 =	vsel vm10, $0xFF800000, v61;
	v1 =	vsel vm3, v5, v1  }
0x9b: {  	vm11 =	veq.s32 v0, $0x5;
	vm4 =	vgt.f32 v61, v1  }
0x9c: {  	v62 =	vsel vm11, $0xFF800000, v60;
	v1 =	vsel vm4, v61, v1  }
0x9d: {  	vm12 =	veq.s32 v0, $0x6;
	vm5 =	vgt.f32 v62, v1  }
0x9e: {  	v63 =	vsel vm12, $0xFF800000, v59;
	v1 =	vsel vm5, v62, v1  }
0x9f: {  	vm13 =	veq.s32 v0, $0x7;
	vm6 =	vgt.f32 v63, v1  }
0xa0: {  	v4 =	vsel vm13, $0xFF800000, v58;
	v1 =	vsel vm6, v63, v1  }
0xa1: {  	vm14 =	veq.s32 v0, $0x8;
	vm7 =	vgt.f32 v4, v1  }
0xa2: {  	v5 =	vsel vm14, $0xFF800000, v57;
	v1 =	vsel vm7, v4, v1  }
0xa3: {  	vm15 =	veq.s32 v0, $0x9;
	vm8 =	vgt.f32 v5, v1  }
0xa4: {  	v56 =	vsel vm15, $0xFF800000, v56;
	v1 =	vsel vm8, v5, v1  }
0xa5: {  	vm12 =	veq.s32 v0, $0xA;
	vm9 =	vgt.f32 v56, v1  }
0xa6: {  	v57 =	vsel vm12, $0xFF800000, v55;
	v1 =	vsel vm9, v56, v1  }
0xa7: {  	vm13 =	veq.s32 v0, $0xB;
	vm10 =	vgt.f32 v57, v1  }
0xa8: {  	v58 =	vsel vm13, $0xFF800000, v54;
	v1 =	vsel vm10, v57, v1  }
0xa9: {  	vm14 =	veq.s32 v0, $0xC;
	vm11 =	vgt.f32 v58, v1  }
0xaa: {  	v59 =	vsel vm14, $0xFF800000, v53;
	v1 =	vsel vm11, v58, v1  }
0xab: {  	vm15 =	veq.s32 v0, $0xD;
	vm0 =	veq.s32 v0, $0xE;
	vm12 =	vgt.f32 v59, v1  }
0xac: {  	v60 =	vsel vm15, $0xFF800000, v52;
	v52 =	vimm.s32 $0x0;
	v1 =	vsel vm12, v59, v1  }
0xad: {  	v54 =	vimm.s32 $0x0;
	v61 =	vsel vm0, $0xFF800000, v51;
	vm15 =	vgt.f32 v60, v1  }
0xae: {  	vm0 =	veq.s32 v0, $0xF;
	v62 =	vimm.s32 $0x0;
	v1 =	vsel vm15, v60, v1  }
0xaf: {  	v63 =	vsel vm0, $0xFF800000, v49;
	vm0 =	veq.s32 v0, $0x10;
	vm13 =	vgt.f32 v61, v1  }
0xb0: {  	v49 =	vimm.s32 $0x0;
	v51 =	vsel vm0, $0xFF800000, v50;
	v1 =	vsel vm13, v61, v1  }
0xb1: {  	vm0 =	veq.s32 v0, $0x11;
	v4 =	vsel vm13, $0xFFFFFFFF, v62;
	vm13 =	vgt.f32 v63, v1  }
0xb2: {  	v53 =	vsel vm0, $0xFF800000, v48;
	vm0 =	veq.s32 v0, $0x12;
	v1 =	vsel vm13, v63, v1  }
0xb3: {  	v55 =	vsel vm0, $0xFF800000, v47;
	[tilespmem:$0x1FD80] =	vst v4;
	v4 =	vsel vm13, $0xFFFFFFFF, v49;
	vm13 =	vgt.f32 v51, v1  }
0xb4: {  	vm0 =	veq.s32 v0, $0x13;
	v47 =	vimm.s32 $0x0;
	v1 =	vsel vm13, v51, v1  }
0xb5: {  	v5 =	vimm.s32 $0x0;
	v2 =	vsel vm13, $0xFFFFFFFF, v52;
	vm13 =	vgt.f32 v53, v1  }
0xb6: {  	v56 =	vimm.s32 $0x0;
	v57 =	vsel vm0, $0xFF800000, v46;
	v1 =	vsel vm13, v53, v1  }
0xb7: {  	vm0 =	veq.s32 v0, $0x14;
	[tilespmem:$0x1FD90] =	vst v4;
	v4 =	vsel vm13, $0xFFFFFFFF, v54;
	vm13 =	vgt.f32 v55, v1  }
0xb8: {  	v58 =	vimm.s32 $0x0;
	v59 =	vsel vm0, $0xFF800000, v45;
	v1 =	vsel vm13, v55, v1  }
0xb9: {  	vm0 =	veq.s32 v0, $0x15;
	[tilespmem:$0x1FDA0] =	vst v2;
	v2 =	vsel vm13, $0xFFFFFFFF, v56;
	vm13 =	vgt.f32 v57, v1  }
0xba: {  	v45 =	vimm.s32 $0x0;
	v61 =	vsel vm0, $0xFF800000, v44;
	v1 =	vsel vm13, v57, v1  }
0xbb: {  	vm0 =	veq.s32 v0, $0x16;
	[tilespmem:$0x1FDB0] =	vst v4;
	v4 =	vsel vm13, $0xFFFFFFFF, v58;
	vm13 =	vgt.f32 v59, v1  }
0xbc: {  	v60 =	vimm.s32 $0x0;
	v63 =	vsel vm0, $0xFF800000, v43;
	v1 =	vsel vm13, v59, v1  }
0xbd: {  	vm0 =	veq.s32 v0, $0x17;
	[tilespmem:$0x1FDC0] =	vst v2;
	v2 =	vsel vm13, $0xFFFFFFFF, v60;
	vm13 =	vgt.f32 v61, v1  }
0xbe: {  	v62 =	vimm.s32 $0x0;
	v40 =	vsel vm0, $0xFF800000, v40;
	v1 =	vsel vm13, v61, v1  }
0xbf: {  	vm0 =	veq.s32 v0, $0x18;
	[tilespmem:$0x1FDD0] =	vst v4;
	v4 =	vsel vm13, $0xFFFFFFFF, v62;
	vm13 =	vgt.f32 v63, v1  }
0xc0: {  	v43 =	vimm.s32 $0x0;
	v44 =	vsel vm0, $0xFF800000, v37;
	v1 =	vsel vm13, v63, v1  }
0xc1: {  	vm0 =	veq.s32 v0, $0x19;
	[tilespmem:$0x1FDE0] =	vst v2;
	v2 =	vsel vm13, $0xFFFFFFFF, v5;
	vm13 =	vgt.f32 v40, v1  }
0xc2: {  	v49 =	vimm.s32 $0x0;
	v46 =	vsel vm0, $0xFF800000, v34;
	v1 =	vsel vm13, v40, v1  }
0xc3: {  	vm0 =	veq.s32 v0, $0x1A;
	[tilespmem:$0x1FDF0] =	vst v4;
	v4 =	vsel vm13, $0xFFFFFFFF, v43;
	vm13 =	vgt.f32 v44, v1  }
0xc4: {  	v51 =	vimm.s32 $0x0;
	v48 =	vsel vm0, $0xFF800000, v31;
	v1 =	vsel vm13, v44, v1  }
0xc5: {  	vm0 =	veq.s32 v0, $0x1B;
	[tilespmem:$0x1FE00] =	vst v2;
	v2 =	vsel vm13, $0xFFFFFFFF, v45;
	vm13 =	vgt.f32 v46, v1  }
0xc6: {  	v37 =	vimm.s32 $0x0;
	v50 =	vsel vm0, $0xFF800000, v28;
	v1 =	vsel vm13, v46, v1  }
0xc7: {  	vm0 =	veq.s32 v0, $0x1C;
	[tilespmem:$0x1FE10] =	vst v4;
	v4 =	vsel vm13, $0xFFFFFFFF, v47;
	vm13 =	vgt.f32 v48, v1  }
0xc8: {  	v53 =	vimm.s32 $0x0;
	v52 =	vsel vm0, $0xFF800000, v25;
	v1 =	vsel vm13, v48, v1  }
0xc9: {  	vm0 =	veq.s32 v0, $0x1D;
	[tilespmem:$0x1FE20] =	vst v2;
	v2 =	vsel vm13, $0xFFFFFFFF, v49;
	vm13 =	vgt.f32 v50, v1  }
0xca: {  	v31 =	vimm.s32 $0x0;
	v54 =	vsel vm0, $0xFF800000, v22;
	v1 =	vsel vm13, v50, v1  }
0xcb: {  	vm0 =	veq.s32 v0, $0x1E;
	[tilespmem:$0x1FE30] =	vst v4;
	v4 =	vsel vm13, $0xFFFFFFFF, v51;
	vm13 =	vgt.f32 v52, v1  }
0xcc: {  	v55 =	vimm.s32 $0x0;
	v56 =	vsel vm0, $0xFF800000, v19;
	v1 =	vsel vm13, v52, v1  }
0xcd: {  	vm0 =	veq.s32 v0, $0x1F;
	[tilespmem:$0x1FE40] =	vst v2;
	v2 =	vsel vm13, $0xFFFFFFFF, v53;
	vm13 =	vgt.f32 v54, v1  }
0xce: {  	v25 =	vimm.s32 $0x0;
	v58 =	vsel vm0, $0xFF800000, v16;
	v1 =	vsel vm13, v54, v1  }
0xcf: {  	vm0 =	veq.s32 v0, $0x20;
	[tilespmem:$0x1FE50] =	vst v4;
	v4 =	vsel vm13, $0xFFFFFFFF, v55;
	vm13 =	vgt.f32 v56, v1  }
0xd0: {  	v57 =	vimm.s32 $0x0;
	v60 =	vsel vm0, $0xFF800000, v13;
	v1 =	vsel vm13, v56, v1  }
0xd1: {  	vm0 =	veq.s32 v0, $0x21;
	[tilespmem:$0x1FE70] =	vst v2;
	v2 =	vsel vm13, $0xFFFFFFFF, v57;
	vm13 =	vgt.f32 v58, v1  }
0xd2: {  	v59 =	vimm.s32 $0x0;
	v62 =	vsel vm0, $0xFF800000, v10;
	v1 =	vsel vm13, v58, v1  }
0xd3: {  	vm0 =	veq.s32 v0, $0x22;
	[tilespmem:$0x1FE80] =	vst v4;
	v4 =	vsel vm13, $0xFFFFFFFF, v59;
	vm13 =	vgt.f32 v60, v1  }
0xd4: {  	v61 =	vimm.s32 $0x0;
	v8 =	vsel vm0, $0xFF800000, v8;
	v1 =	vsel vm13, v60, v1  }
0xd5: {  	vm0 =	veq.s32 v0, $0x23;
	[tilespmem:$0x1FEA0] =	vst v2;
	v2 =	vsel vm13, $0xFFFFFFFF, v61;
	vm13 =	vgt.f32 v62, v1  }
0xd6: {  	v63 =	vimm.s32 $0x0;
	v11 =	vsel vm0, $0xFF800000, v11;
	v1 =	vsel vm13, v62, v1  }
0xd7: {  	vm0 =	veq.s32 v0, $0x24;
	[tilespmem:$0x1FEB0] =	vst v4;
	v4 =	vsel vm13, $0xFFFFFFFF, v63;
	vm13 =	vgt.f32 v8, v1  }
0xd8: {  	v10 =	vimm.s32 $0x0;
	v14 =	vsel vm0, $0xFF800000, v14;
	v1 =	vsel vm13, v8, v1  }
0xd9: {  	vm0 =	veq.s32 v0, $0x25;
	[tilespmem:$0x1FEC0] =	vst v2;
	v2 =	vsel vm13, $0xFFFFFFFF, v10;
	vm13 =	vgt.f32 v11, v1  }
0xda: {  	v13 =	vimm.s32 $0x0;
	v17 =	vsel vm0, $0xFF800000, v17;
	v1 =	vsel vm13, v11, v1  }
0xdb: {  	vm0 =	veq.s32 v0, $0x26;
	[tilespmem:$0x1FED0] =	vst v4;
	v4 =	vsel vm13, $0xFFFFFFFF, v13;
	vm13 =	vgt.f32 v14, v1  }
0xdc: {  	v16 =	vimm.s32 $0x0;
	v22 =	vsel vm0, $0xFF800000, v20;
	v1 =	vsel vm13, v14, v1  }
0xdd: {  	vm0 =	veq.s32 v0, $0x27;
	[tilespmem:$0x1FEE0] =	vst v2;
	v2 =	vsel vm13, $0xFFFFFFFF, v16;
	vm13 =	vgt.f32 v17, v1  }
0xde: {  	v19 =	vimm.s32 $0x0;
	v28 =	vsel vm0, $0xFF800000, v23;
	v1 =	vsel vm13, v17, v1  }
0xdf: {  	vm0 =	veq.s32 v0, $0x28;
	[tilespmem:$0x1FEF0] =	vst v4;
	v4 =	vsel vm13, $0xFFFFFFFF, v19;
	vm13 =	vgt.f32 v22, v1  }
0xe0: {  	v43 =	vimm.s32 $0x0;
	v34 =	vsel vm0, $0xFF800000, v26;
	v1 =	vsel vm13, v22, v1  }
0xe1: {  	vm0 =	veq.s32 v0, $0x29;
	[tilespmem:$0x1FF10] =	vst v2;
	v2 =	vsel vm13, $0xFFFFFFFF, v25;
	vm13 =	vgt.f32 v28, v1  }
0xe2: {  	v45 =	vimm.s32 $0x0;
	v40 =	vsel vm0, $0xFF800000, v29;
	v1 =	vsel vm13, v28, v1  }
0xe3: {  	vm0 =	veq.s32 v0, $0x2A;
	[tilespmem:$0x1FF40] =	vst v4;
	v4 =	vsel vm13, $0xFFFFFFFF, v31;
	vm13 =	vgt.f32 v34, v1  }
0xe4: {  	v47 =	vimm.s32 $0x0;
	v44 =	vsel vm0, $0xFF800000, v32;
	v1 =	vsel vm13, v34, v1  }
0xe5: {  	vm0 =	veq.s32 v0, $0x2B;
	[tilespmem:$0x1FF50] =	vst v2;
	v2 =	vsel vm13, $0xFFFFFFFF, v37;
	vm13 =	vgt.f32 v40, v1  }
0xe6: {  	v46 =	vsel vm0, $0xFF800000, v35;
	vm0 =	veq.s32 v0, $0x2C;
	v1 =	vsel vm13, v40, v1  }
0xe7: {  	v49 =	vimm.s32 $0x0;
	[tilespmem:$0x1FF60] =	vst v4;
	v4 =	vsel vm13, $0xFFFFFFFF, v43;
	vm13 =	vgt.f32 v44, v1  }
0xe8: {  	v48 =	vsel vm0, $0xFF800000, v38;
	vm0 =	veq.s32 v0, $0x2D;
	v1 =	vsel vm13, v44, v1  }
0xe9: {  	v50 =	vsel vm0, $0xFF800000, v41;
	[tilespmem:$0x1FF70] =	vst v2;
	v2 =	vsel vm13, $0xFFFFFFFF, v45;
	vm13 =	vgt.f32 v46, v1  }
0xea: {  	vm0 =	veq.s32 v0, $0x2E;
	v51 =	vimm.s32 $0x0;
	v1 =	vsel vm13, v46, v1  }
0xeb: {  	v52 =	vimm.s32 $0x0;
	[tilespmem:$0x1FF80] =	vst v4;
	v4 =	vsel vm13, $0xFFFFFFFF, v47;
	vm13 =	vgt.f32 v48, v1  }
0xec: {  	v53 =	vsel vm0, $0xFF800000, v42;
	vm0 =	veq.s32 v0, $0x3B;
	v1 =	vsel vm13, v48, v1  }
0xed: {  	v55 =	vimm.s32 $0x0;
	[tilespmem:$0x1FF90] =	vst v2;
	v2 =	vsel vm13, $0xFFFFFFFF, v49;
	vm13 =	vgt.f32 v50, v1  }
0xee: {  	v57 =	vimm.s32 $0x0;
	v59 =	vimm.s32 $0x0;
	[tilespmem:$0x1FFA0] =	vst v4;
	v4 =	vsel vm13, $0xFFFFFFFF, v51  }
0xef: {  	v1 =	vsel vm13, v50, v1;
	vm13 =	veq.s32 v0, $0x2F;
	[tilespmem:$0x1FFC0] =	vst v4;
	v4 =	vsel vm1, $0x1, v52  }
0xf0: {  	vm14 =	vgt.f32 v53, v1;
	v56 =	vsel vm13, $0xFF800000, v39;
	v54 =	vsel vm2, $0x2, v4  }
0xf1: {  	[tilespmem:$0x1FFB0] =	vst v2;
	v4 =	vsel vm14, $0xFFFFFFFF, v55;
	v1 =	vsel vm14, v53, v1;
	v2 =	vsel vm3, $0x3, v54  }
0xf2: {  	v17 =	vld [tilespmem:$0x1FDB0];
	vm1 =	vgt.f32 v56, v1;
	v2 =	vsel vm4, $0x4, v2;
	vm4 =	veq.s32 v0, $0x30  }
0xf3: {  	v11 =	vld [tilespmem:$0x1FD80];
	v5 =	vsel vm1, $0xFFFFFFFF, v57;
	v1 =	vsel vm1, v56, v1;
	v2 =	vsel vm5, $0x5, v2  }
0xf4: {  	v22 =	vld [tilespmem:$0x1FDE0];
	v58 =	vsel vm4, $0xFF800000, v36;
	vm4 =	veq.s32 v0, $0x33;
	vm5 =	veq.s32 v0, $0x34  }
0xf5: {  	v2 =	vsel vm6, $0x6, v2;
	vm6 =	veq.s32 v0, $0x31;
	vm1 =	vgt.f32 v58, v1  }
0xf6: {  	v32 =	vld [tilespmem:$0x1FE60];
	v62 =	vsel vm4, $0xFF800000, v27;
	v63 =	vsel vm5, $0xFF800000, v24;
	vm4 =	veq.s32 v0, $0x36  }
0xf7: {  	[tilespmem:$0x1FFD0] =	vst v4;
	vm5 =	vnez.u8 v17;
	v4 =	vsel vm1, $0xFFFFFFFF, v59;
	v2 =	vsel vm7, $0x7, v2  }
0xf8: {  	v25 =	vld [tilespmem:$0x1FE00];
	v60 =	vsel vm6, $0xFF800000, v33;
	v1 =	vsel vm1, v58, v1;
	vm6 =	vnez.u8 v11  }
0xf9: {  	v35 =	vld [tilespmem:$0x1FE90];
	vm7 =	veq.s32 v0, $0x35;
	v18 =	vsel vm4, $0xFF800000, v18;
	vm4 =	vnez.u8 v22  }
0xfa: {  	v13 =	vld [tilespmem:$0x1FD90];
	v2 =	vsel vm8, $0x8, v2;
	vm8 =	veq.s32 v0, $0x32;
	vm14 =	vgt.f32 v60, v1  }
0xfb: {  	[tilespmem:$0x1FFF0] =	vst v4;
	v14 =	vsel vm7, $0xFF800000, v21;
	vm7 =	veq.s32 v0, $0x37;
	v4 =	vsel vm0, $0xFF800000, v32  }
0xfc: {  	vm0 =	veq.s32 v0, $0x3C;
	v2 =	vsel vm9, $0x9, v2;
	v61 =	vsel vm8, $0xFF800000, v30  }
0xfd: {  	v1 =	vsel vm14, v60, v1;
	v21 =	vsel vm7, $0xFF800000, v15;
	vm7 =	vnez.u8 v25  }
0xfe: {  	v43 =	vld [tilespmem:$0x1FF00];
	[tilespmem:$0x1FFE0] =	vst v5;
	v5 =	vsel vm0, $0xFF800000, v35;
	vm0 =	veq.s32 v0, $0x3D;
	v2 =	vsel vm10, $0xA, v2  }
0xff: {  	v16 =	vld [tilespmem:$0x1FDA0];
	vm13 =	vgt.f32 v61, v1;
	vm10 =	vnez.u8 v13;
	v3 =	vsel vm0, $0xFF800000, v3  }
0x100: {  	v19 =	vld [tilespmem:$0x1FDC0];
	vm0 =	veq.s32 v0, $0x3E;
	v2 =	vsel vm11, $0xB, v2;
	v1 =	vsel vm13, v61, v1  }
0x101: {  	v20 =	vld [tilespmem:$0x1FDD0];
	v40 =	vsel vm0, $0xFF800000, v6;
	v2 =	vsel vm12, $0xC, v2;
	vm12 =	vgt.f32 v62, v1  }
0x102: {  	v23 =	vld [tilespmem:$0x1FDF0];
	vm0 =	veq.s32 v0, $0x3F;
	v2 =	vsel vm15, $0xD, v2;
	v1 =	vsel vm12, v62, v1  }
0x103: {  	v26 =	vld [tilespmem:$0x1FE10];
	v44 =	vsel vm0, $0xFF800000, v43;
	v2 =	vsel vm6, $0xE, v2;
	vm11 =	vgt.f32 v63, v1  }
0x104: {  	vm15 =	vnez.u8 v16;
	v2 =	vsel vm10, $0xF, v2;
	v1 =	vsel vm11, v63, v1  }
0x105: {  	vm6 =	vnez.u8 v19;
	v2 =	vsel vm15, $0x10, v2;
	vm10 =	vgt.f32 v14, v1  }
0x106: {  	vm15 =	vnez.u8 v20;
	v2 =	vsel vm5, $0x11, v2;
	v1 =	vsel vm10, v14, v1  }
0x107: {  	v29 =	vld [tilespmem:$0x1FE30];
	vm5 =	veq.s32 v0, $0x38;
	v2 =	vsel vm6, $0x12, v2;
	vm9 =	vgt.f32 v18, v1  }
0x108: {  	v28 =	vld [tilespmem:$0x1FE20];
	vm6 =	vnez.u8 v23;
	v24 =	vsel vm5, $0xFF800000, v12;
	vm5 =	vnez.u8 v26  }
0x109: {  	v38 =	vld [tilespmem:$0x1FEC0];
	v2 =	vsel vm15, $0x13, v2;
	v1 =	vsel vm9, v18, v1;
	vm15 =	veq.s32 v0, $0x39  }
0x10a: {  	v30 =	vld [tilespmem:$0x1FE40];
	v2 =	vsel vm4, $0x14, v2;
	vm8 =	vgt.f32 v21, v1;
	v27 =	vsel vm15, $0xFF800000, v9  }
0x10b: {  	v31 =	vld [tilespmem:$0x1FE50];
	vm15 =	veq.s32 v0, $0x3A;
	v2 =	vsel vm6, $0x15, v2;
	v1 =	vsel vm8, v21, v1  }
0x10c: {  	v33 =	vld [tilespmem:$0x1FE70];
	vm4 =	vnez.u8 v29;
	v2 =	vsel vm7, $0x16, v2;
	vm7 =	vgt.f32 v24, v1  }
0x10d: {  	v34 =	vld [tilespmem:$0x1FE80];
	vm6 =	vnez.u8 v28;
	v2 =	vsel vm5, $0x17, v2;
	v1 =	vsel vm7, v24, v1  }
0x10e: {  	v36 =	vld [tilespmem:$0x1FEA0];
	v7 =	vsel vm15, $0xFF800000, v7;
	v2 =	vsel vm6, $0x18, v2;
	vm6 =	vgt.f32 v27, v1  }
0x10f: {  	v37 =	vld [tilespmem:$0x1FEB0];
	vm5 =	vnez.u8 v30;
	v2 =	vsel vm4, $0x19, v2;
	v1 =	vsel vm6, v27, v1  }
0x110: {  	v41 =	vld [tilespmem:$0x1FEE0];
	vm15 =	vnez.u8 v31;
	v2 =	vsel vm5, $0x1A, v2;
	vm5 =	vgt.f32 v7, v1  }
0x111: {  	v39 =	vld [tilespmem:$0x1FED0];
	vm4 =	vnez.u8 v33;
	v2 =	vsel vm15, $0x1B, v2;
	v1 =	vsel vm5, v7, v1  }
0x112: {  	v42 =	vld [tilespmem:$0x1FEF0];
	vm15 =	vnez.u8 v34;
	v2 =	vsel vm4, $0x1C, v2;
	vm4 =	vgt.f32 v4, v1  }
0x113: {  	v45 =	vld [tilespmem:$0x1FF10];
	v2 =	vsel vm15, $0x1D, v2;
	v1 =	vsel vm4, v4, v1;
	vm15 =	vnez.u8 v36  }
0x114: {  	v46 =	vld [tilespmem:$0x1FF20];
	v2 =	vsel vm15, $0x1E, v2;
	vm3 =	vgt.f32 v5, v1;
	vm15 =	vnez.u8 v37  }
0x115: {  	v47 =	vld [tilespmem:$0x1FF30];
	v2 =	vsel vm15, $0x1F, v2;
	v1 =	vsel vm3, v5, v1;
	vm15 =	vnez.u8 v38  }
0x116: {  	v48 =	vld [tilespmem:$0x1FF40];
	v2 =	vsel vm15, $0x20, v2;
	vm2 =	vgt.f32 v3, v1;
	vm15 =	vnez.u8 v39  }
0x117: {  	v49 =	vld [tilespmem:$0x1FF50];
	v2 =	vsel vm15, $0x21, v2;
	v1 =	vsel vm2, v3, v1;
	vm15 =	vnez.u8 v41  }
0x118: {  	v50 =	vld [tilespmem:$0x1FF60];
	v2 =	vsel vm15, $0x22, v2;
	vm1 =	vgt.f32 v40, v1;
	vm15 =	vnez.u8 v42  }
0x119: {  	v51 =	vld [tilespmem:$0x1FF70];
	v2 =	vsel vm15, $0x23, v2;
	v1 =	vsel vm1, v40, v1;
	vm15 =	vnez.u8 v45  }
0x11a: {  	v52 =	vld [tilespmem:$0x1FF80];
	v2 =	vsel vm15, $0x24, v2;
	vm0 =	vgt.f32 v44, v1;
	vm15 =	vnez.u8 v47  }
0x11b: {  	v53 =	vld [tilespmem:$0x1FF90];
	v4 =	vsel vm15, v43, v46;
	vm15 =	vnez.u8 v48;
	v1 =	vsel vm0, v44, v1  }
0x11c: {  	v54 =	vld [tilespmem:$0x1FFA0];
	v2 =	vsel vm15, $0x25, v2;
	vm15 =	vnez.u8 v49;
	v1 =	vsub.f32 v1, v4  }
0x11d: {  	v55 =	vld [tilespmem:$0x1FFB0];
	v2 =	vsel vm15, $0x26, v2;
	vm15 =	vnez.u8 v50  }
0x11e: {  	v56 =	vld [tilespmem:$0x1FFC0];
	v2 =	vsel vm15, $0x27, v2;
	vm15 =	vnez.u8 v51;
	v1 =	vmul.f32 $1.442695020e+00, v1  }
0x11f: {  	v57 =	vld [tilespmem:$0x1FFD0];
	v2 =	vsel vm15, $0x28, v2;
	vm15 =	vnez.u8 v52  }
0x120: {  	v58 =	vld [tilespmem:$0x1FFE0];
	v2 =	vsel vm15, $0x29, v2;
	vm15 =	vnez.u8 v53;
	(erf) = vpow2.f32 v1  }
0x121: {  	v59 =	vld [tilespmem:$0x1FFF0];
	v2 =	vsel vm15, $0x2A, v2;
	vm15 =	vnez.u8 v54  }
0x122: {  	v1 =	vsel vm15, $0x2B, v2;
	vm15 =	vnez.u8 v55  }
0x123: {  	v1 =	vsel vm15, $0x2C, v1;
	vm15 =	vnez.u8 v56  }
0x124: {  	v1 =	vsel vm15, $0x2D, v1;
	vm15 =	vnez.u8 v57  }
0x125: {  	v1 =	vsel vm15, $0x2E, v1;
	vm15 =	vnez.u8 v58  }
0x126: {  	v1 =	vsel vm15, $0x2F, v1;
	vm15 =	vnez.u8 v59  }
0x127: {  	v1 =	vsel vm15, $0x30, v1  }
0x128: {  	v1 =	vsel vm14, $0x31, v1  }
0x129: {  	v1 =	vsel vm13, $0x32, v1;
	v60 =	vpop (erf)  }
0x12a: {  	v1 =	vsel vm12, $0x33, v1;
	v61 =	vadd.f32 $1.000000000e+00, v60  }
0x12b: {  	v1 =	vsel vm11, $0x34, v1  }
0x12c: {  	v1 =	vsel vm10, $0x35, v1;
	(erf) = vrcp.f32 v61  }
0x12d: {  	v1 =	vsel vm9, $0x36, v1  }
0x12e: {  	v1 =	vsel vm8, $0x37, v1  }
0x12f: {  	v1 =	vsel vm7, $0x38, v1  }
0x130: {  	v1 =	vsel vm6, $0x39, v1  }
0x131: {  	v1 =	vsel vm5, $0x3A, v1  }
0x132: {  	v1 =	vsel vm4, $0x3B, v1  }
0x133: {  	v1 =	vsel vm3, $0x3C, v1  }
0x134: {  	v1 =	vsel vm2, $0x3D, v1  }
0x135: {  	[tilespmem:$0x2000] =	vst v0;
	v1 =	vsel vm1, $0x3E, v1;
	v62 =	vpop (erf)  }
0x136: {  	s7 =	sshll.u32 s7, $0x1;
	v1 =	vsel vm0, $0x3F, v1;
	v63 =	vmul.f32 v62, v60;
	[tilespmem:$0x2100] =	vst v62  }
0x137: {  	s13 =	sadd.s32 s7, s6;
	[tilespmem:$0x2080] =	vst v1  }
0x138: {  	s8 =	simm.s32 $0x2000;
	s7 =	simm.s32 $0x2;
	s6 =	sadd.s32 $0x1200, s13;
	[tilespmem:$0x2180] =	vst v63  }
0x139: {  	[hbm4b:s6+s3] =	stream.linear.scatter [tilespmem:s8], [sflag:$0x2], $0x10, $0x38;
	[tilespmem:$0x2200] =	vst v63  }
0x13a: {  	_ =	swait.ge [sflag:s7], $0x10  }
0x13b: {  	s10 =	simm.s32 $0x2080;
	[sflag:s7] =	ssyncset.done $0x0  }
0x13c: {  	s14 =	ssub.s32 $0x2, s12;
	s9 =	sadd.s32 $0x1000, s13;
	[sflag:s7] =	ssyncadd.s32 $0xFFFFFFF0  }
0x13d: {  	[hbm4b:s9+s3] =	stream.linear.scatter [tilespmem:s10], [sflag:$0x2], $0x10, $0x38;
	[tilespmem:$0x2200] =	vst v63  }
0x13e: {  	s15 =	sshrl.u32 s14, $0x1;
	_ =	swait.ge [sflag:s7], $0x10  }
0x13f: {  	s12 =	simm.s32 $0x2100;
	s14 =	ssub.s32 s14, s15;
	[sflag:s7] =	ssyncset.done $0x0  }
0x140: {  	s11 =	sadd.s32 $0x1400, s13;
	s15 =	smax.u32 s14, $0x1;
	[sflag:s7] =	ssyncadd.s32 $0xFFFFFFF0  }
0x141: {  	[hbm4b:s11+s3] =	stream.linear.scatter [tilespmem:s12], [sflag:$0x2], $0x10, $0x38;
	[tilespmem:$0x2200] =	vst v63  }
0x142: {  	p0 =	sne.s32 s15, $0x1;
	_ =	swait.ge [sflag:s7], $0x10  }
.Ltmp1:
0x143: {  	[sflag:s7] =	ssyncset.done $0x0;
	(pc) =	sbr.rel @!p0 .LBB2_3-.Ltmp1, $4  }
0x144: {  	s13 =	sadd.s32 $0x1600, s13;
	s14 =	simm.s32 $0x2180;
	[sflag:s7] =	ssyncadd.s32 $0xFFFFFFF0  }
0x145: {  	[hbm4b:s13+s3] =	stream.linear.scatter [tilespmem:s14], [sflag:$0x2], $0x10, $0x38;
	[tilespmem:$0x2200] =	vst v63  }
0x146: {  	_ =	swait.ge [sflag:s7], $0x10  }
0x147: {  	s15 =	sadd.s32 $0xFFFFFFFF, s15;
	[sflag:s7] =	ssyncset.done $0x0  }
.LBB2_2:
0x148: {  	[sflag:s7] =	ssyncadd.s32 $0xFFFFFFF0  }
0x149: {  	[tilespmem:s3], [sflag:$0x1] =	stream.linear.gather [hbm4b:s2+s3], $0x2000, $0x38;
	[tilespmem:$0x2200] =	vst v63  }
0x14a: {  	_ =	swait.ge [sflag:s4], $0x2000  }
0x14b: {  	[sflag:s4] =	ssyncset.done $0x0  }
0x14c: {  	[sflag:s4] =	ssyncadd.s32 $0xFFFFE000  }
0x14d: {  	v2 =	vld [tilespmem:s5+$0x0];
	_ =	sdelay $0x1  }
0x14e: {  	v3 =	vld [tilespmem:s5+$0x80];
	_ =	sdelay $0x1  }
0x14f: {  	v63 =	vld [tilespmem:s5+$0x100]  }
0x150: {  	vm0 =	vgt.f32 v2, $-Inf  }
0x151: {  	v62 =	vld [tilespmem:s5+$0x180];
	v0 =	vnsel vm0, $0xFF800000, v2  }
0x152: {  	vm0 =	vgt.f32 v3, v0  }
0x153: {  	v61 =	vld [tilespmem:s5+$0x200];
	v0 =	vsel vm0, v3, v0  }
0x154: {  	vm1 =	vgt.f32 v63, v0  }
0x155: {  	v60 =	vld [tilespmem:s5+$0x280];
	v0 =	vsel vm1, v63, v0  }
0x156: {  	vm2 =	vgt.f32 v62, v0  }
0x157: {  	v59 =	vld [tilespmem:s5+$0x300];
	v0 =	vsel vm2, v62, v0  }
0x158: {  	vm3 =	vgt.f32 v61, v0  }
0x159: {  	v58 =	vld [tilespmem:s5+$0x380];
	v0 =	vsel vm3, v61, v0  }
0x15a: {  	vm4 =	vgt.f32 v60, v0  }
0x15b: {  	v57 =	vld [tilespmem:s5+$0x400];
	v0 =	vsel vm4, v60, v0  }
0x15c: {  	vm5 =	vgt.f32 v59, v0  }
0x15d: {  	v56 =	vld [tilespmem:s5+$0x480];
	v0 =	vsel vm5, v59, v0  }
0x15e: {  	vm6 =	vgt.f32 v58, v0  }
0x15f: {  	v55 =	vld [tilespmem:s5+$0x500];
	v0 =	vsel vm6, v58, v0  }
0x160: {  	vm7 =	vgt.f32 v57, v0  }
0x161: {  	v54 =	vld [tilespmem:s5+$0x580];
	v0 =	vsel vm7, v57, v0  }
0x162: {  	vm8 =	vgt.f32 v56, v0  }
0x163: {  	v53 =	vld [tilespmem:s5+$0x600];
	v0 =	vsel vm8, v56, v0  }
0x164: {  	vm9 =	vgt.f32 v55, v0  }
0x165: {  	v52 =	vld [tilespmem:s5+$0x680];
	v0 =	vsel vm9, v55, v0  }
0x166: {  	vm10 =	vgt.f32 v54, v0  }
0x167: {  	v1 =	vimm.s32 $0x0;
	v51 =	vld [tilespmem:s5+$0x700];
	v0 =	vsel vm10, v54, v0  }
0x168: {  	v1 =	vsel vm10, $0xFFFFFFFF, v1;
	vm10 =	vgt.f32 v53, v0  }
0x169: {  	v17 =	vimm.s32 $0x0;
	v50 =	vld [tilespmem:s5+$0x780];
	v0 =	vsel vm10, v53, v0  }
0x16a: {  	[tilespmem:$0x1F8A0] =	vst v1;
	v1 =	vsel vm10, $0xFFFFFFFF, v17;
	vm10 =	vgt.f32 v52, v0  }
0x16b: {  	v18 =	vimm.s32 $0x0;
	v49 =	vld [tilespmem:s5+$0x800];
	v0 =	vsel vm10, v52, v0  }
0x16c: {  	[tilespmem:$0x1F8B0] =	vst v1;
	v1 =	vsel vm10, $0xFFFFFFFF, v18;
	vm10 =	vgt.f32 v51, v0  }
0x16d: {  	v19 =	vimm.s32 $0x0;
	v48 =	vld [tilespmem:s5+$0x880];
	v0 =	vsel vm10, v51, v0  }
0x16e: {  	[tilespmem:$0x1F8C0] =	vst v1;
	v1 =	vsel vm10, $0xFFFFFFFF, v19;
	vm10 =	vgt.f32 v50, v0  }
0x16f: {  	v20 =	vimm.s32 $0x0;
	v46 =	vld [tilespmem:s5+$0x900];
	v0 =	vsel vm10, v50, v0  }
0x170: {  	[tilespmem:$0x1F8D0] =	vst v1;
	v1 =	vsel vm10, $0xFFFFFFFF, v20;
	vm10 =	vgt.f32 v49, v0  }
0x171: {  	v21 =	vimm.s32 $0x0;
	v45 =	vld [tilespmem:s5+$0x980];
	v0 =	vsel vm10, v49, v0  }
0x172: {  	[tilespmem:$0x1F8E0] =	vst v1;
	v1 =	vsel vm10, $0xFFFFFFFF, v21;
	vm10 =	vgt.f32 v48, v0  }
0x173: {  	v22 =	vimm.s32 $0x0;
	v44 =	vld [tilespmem:s5+$0xA00];
	v0 =	vsel vm10, v48, v0  }
0x174: {  	[tilespmem:$0x1F8F0] =	vst v1;
	v1 =	vsel vm10, $0xFFFFFFFF, v22;
	vm10 =	vgt.f32 v46, v0  }
0x175: {  	v23 =	vimm.s32 $0x0;
	v41 =	vld [tilespmem:s5+$0xA80];
	v0 =	vsel vm10, v46, v0  }
0x176: {  	[tilespmem:$0x1F900] =	vst v1;
	v1 =	vsel vm10, $0xFFFFFFFF, v23;
	vm10 =	vgt.f32 v45, v0  }
0x177: {  	v24 =	vimm.s32 $0x0;
	v39 =	vld [tilespmem:s5+$0xB00];
	v0 =	vsel vm10, v45, v0  }
0x178: {  	[tilespmem:$0x1F910] =	vst v1;
	v1 =	vsel vm10, $0xFFFFFFFF, v24;
	vm10 =	vgt.f32 v44, v0  }
0x179: {  	v25 =	vimm.s32 $0x0;
	v35 =	vld [tilespmem:s5+$0xB80];
	v0 =	vsel vm10, v44, v0  }
0x17a: {  	[tilespmem:$0x1F920] =	vst v1;
	v1 =	vsel vm10, $0xFFFFFFFF, v25;
	vm10 =	vgt.f32 v41, v0  }
0x17b: {  	v26 =	vimm.s32 $0x0;
	v31 =	vld [tilespmem:s5+$0xC00];
	v0 =	vsel vm10, v41, v0  }
0x17c: {  	v27 =	vimm.s32 $0x0;
	[tilespmem:$0x1F930] =	vst v1;
	v1 =	vsel vm10, $0xFFFFFFFF, v26;
	vm10 =	vgt.f32 v39, v0  }
0x17d: {  	[tilespmem:$0x1F940] =	vst v1;
	v1 =	vsel vm10, $0xFFFFFFFF, v27;
	v0 =	vsel vm10, v39, v0;
	v27 =	vld [tilespmem:s5+$0xC80]  }
0x17e: {  	vm10 =	vgt.f32 v35, v0  }
0x17f: {  	v28 =	vimm.s32 $0x0;
	v23 =	vld [tilespmem:s5+$0xD00];
	v0 =	vsel vm10, v35, v0  }
0x180: {  	[tilespmem:$0x1F950] =	vst v1;
	v1 =	vsel vm10, $0xFFFFFFFF, v28;
	vm10 =	vgt.f32 v31, v0  }
0x181: {  	v29 =	vimm.s32 $0x0;
	v20 =	vld [tilespmem:s5+$0xD80];
	v0 =	vsel vm10, v31, v0  }
0x182: {  	v16 =	vld [tilespmem:s5+$0xE00];
	[tilespmem:$0x1F960] =	vst v1;
	v1 =	vsel vm10, $0xFFFFFFFF, v29;
	vm10 =	vgt.f32 v27, v0  }
0x183: {  	v30 =	vimm.s32 $0x0;
	v14 =	vld [tilespmem:s5+$0xE80];
	v0 =	vsel vm10, v27, v0  }
0x184: {  	v11 =	vld [tilespmem:s5+$0xF00];
	[tilespmem:$0x1F970] =	vst v1;
	v1 =	vsel vm10, $0xFFFFFFFF, v30;
	vm10 =	vgt.f32 v23, v0  }
0x185: {  	v32 =	vimm.s32 $0x0;
	v9 =	vld [tilespmem:s5+$0xF80];
	v0 =	vsel vm10, v23, v0  }
0x186: {  	v6 =	vld [tilespmem:s5+$0x1000];
	[tilespmem:$0x1F980] =	vst v1;
	v1 =	vsel vm10, $0xFFFFFFFF, v32;
	vm10 =	vgt.f32 v20, v0  }
0x187: {  	v33 =	vimm.s32 $0x0;
	v47 =	vld [tilespmem:s5+$0x1080];
	v0 =	vsel vm10, v20, v0  }
0x188: {  	v40 =	vld [tilespmem:s5+$0x1100];
	[tilespmem:$0x1F990] =	vst v1;
	v1 =	vsel vm10, $0xFFFFFFFF, v33;
	vm10 =	vgt.f32 v16, v0  }
0x189: {  	v34 =	vimm.s32 $0x0;
	v8 =	vld [tilespmem:s5+$0x1180];
	v0 =	vsel vm10, v16, v0  }
0x18a: {  	v13 =	vld [tilespmem:$0x1F8A0];
	[tilespmem:$0x1F9A0] =	vst v1;
	v1 =	vsel vm10, $0xFFFFFFFF, v34;
	vm10 =	vgt.f32 v14, v0  }
0x18b: {  	v36 =	vimm.s32 $0x0;
	v15 =	vld [tilespmem:$0x1F8B0];
	v0 =	vsel vm10, v14, v0  }
0x18c: {  	v17 =	vld [tilespmem:$0x1F8C0];
	[tilespmem:$0x1F9B0] =	vst v1;
	v1 =	vsel vm10, $0xFFFFFFFF, v36;
	vm10 =	vgt.f32 v11, v0  }
0x18d: {  	v37 =	vimm.s32 $0x0;
	v18 =	vld [tilespmem:$0x1F8D0];
	v0 =	vsel vm10, v11, v0  }
0x18e: {  	v19 =	vld [tilespmem:$0x1F8E0];
	[tilespmem:$0x1F9C0] =	vst v1;
	v1 =	vsel vm10, $0xFFFFFFFF, v37;
	vm10 =	vgt.f32 v9, v0  }
0x18f: {  	v38 =	vimm.s32 $0x0;
	v21 =	vld [tilespmem:$0x1F8F0];
	v0 =	vsel vm10, v9, v0  }
0x190: {  	v4 =	vimm.s32 $0x0;
	v22 =	vld [tilespmem:$0x1F900];
	[tilespmem:$0x1F9D0] =	vst v1;
	v1 =	vsel vm10, $0xFFFFFFFF, v38;
	vm10 =	vgt.f32 v6, v0  }
0x191: {  	v42 =	vimm.s32 $0x0;
	v24 =	vld [tilespmem:$0x1F910];
	v4 =	vsel vm10, $0xFFFFFFFF, v4  }
0x192: {  	v25 =	vld [tilespmem:$0x1F920];
	v0 =	vsel vm10, v6, v0;
	[tilespmem:$0x1F9F0] =	vst v4;
	v4 =	vsel vm0, $0x1, v42  }
0x193: {  	v26 =	vld [tilespmem:$0x1F930];
	vm14 =	vgt.f32 v47, v0;
	v4 =	vsel vm1, $0x2, v4  }
0x194: {  	v0 =	vsel vm14, v47, v0;
	v5 =	vsel vm2, $0x3, v4;
	v4 =	vld [tilespmem:s5+$0x1200]  }
0x195: {  	v28 =	vld [tilespmem:$0x1F940];
	vm13 =	vgt.f32 v40, v0;
	v5 =	vsel vm3, $0x4, v5  }
0x196: {  	v0 =	vsel vm13, v40, v0;
	v7 =	vsel vm4, $0x5, v5;
	v5 =	vld [tilespmem:s5+$0x1280]  }
0x197: {  	v43 =	vmov v8;
	v29 =	vld [tilespmem:$0x1F950];
	vm12 =	vgt.f32 v8, v0;
	v7 =	vsel vm5, $0x6, v7  }
0x198: {  	v0 =	vsel vm12, v43, v0;
	v12 =	vsel vm6, $0x7, v7;
	v7 =	vld [tilespmem:s5+$0x1300]  }
0x199: {  	[tilespmem:$0x1FAF0] =	vst v8;
	v30 =	vld [tilespmem:$0x1F960];
	v8 =	vsel vm7, $0x8, v12;
	vm11 =	vgt.f32 v4, v0  }
0x19a: {  	v10 =	vsel vm8, $0x9, v8;
	v0 =	vsel vm11, v4, v0;
	v8 =	vld [tilespmem:s5+$0x1380]  }
0x19b: {  	v32 =	vld [tilespmem:$0x1F970];
	vm6 =	vnez.u8 v13;
	v10 =	vsel vm9, $0xA, v10;
	vm10 =	vgt.f32 v5, v0  }
0x19c: {  	vm7 =	vnez.u8 v15;
	v12 =	vsel vm6, $0xB, v10;
	v0 =	vsel vm10, v5, v0;
	v10 =	vld [tilespmem:s5+$0x1400]  }
0x19d: {  	v33 =	vld [tilespmem:$0x1F980];
	vm8 =	vnez.u8 v17;
	v12 =	vsel vm7, $0xC, v12;
	vm9 =	vgt.f32 v7, v0  }
0x19e: {  	vm15 =	vnez.u8 v18;
	v13 =	vsel vm8, $0xD, v12;
	v0 =	vsel vm9, v7, v0;
	v12 =	vld [tilespmem:s5+$0x1480]  }
0x19f: {  	v34 =	vld [tilespmem:$0x1F990];
	vm4 =	vnez.u8 v19;
	v13 =	vsel vm15, $0xE, v13;
	vm8 =	vgt.f32 v8, v0  }
0x1a0: {  	vm5 =	vnez.u8 v21;
	v15 =	vsel vm4, $0xF, v13;
	v0 =	vsel vm8, v8, v0;
	v13 =	vld [tilespmem:s5+$0x1500]  }
0x1a1: {  	v36 =	vld [tilespmem:$0x1F9A0];
	vm6 =	vnez.u8 v22;
	v15 =	vsel vm5, $0x10, v15;
	vm7 =	vgt.f32 v10, v0  }
0x1a2: {  	vm15 =	vnez.u8 v24;
	v17 =	vsel vm6, $0x11, v15;
	v0 =	vsel vm7, v10, v0;
	v15 =	vld [tilespmem:s5+$0x1580]  }
0x1a3: {  	v37 =	vld [tilespmem:$0x1F9B0];
	vm4 =	vnez.u8 v25;
	v17 =	vsel vm15, $0x12, v17;
	vm6 =	vgt.f32 v12, v0  }
0x1a4: {  	vm5 =	vnez.u8 v26;
	v18 =	vsel vm4, $0x13, v17;
	v0 =	vsel vm6, v12, v0;
	v17 =	vld [tilespmem:s5+$0x1600]  }
0x1a5: {  	v38 =	vld [tilespmem:$0x1F9C0];
	vm15 =	vnez.u8 v28;
	v18 =	vsel vm5, $0x14, v18;
	vm5 =	vgt.f32 v13, v0  }
0x1a6: {  	[tilespmem:$0x1F9E0] =	vst v1;
	vm4 =	vnez.u8 v29;
	v19 =	vsel vm15, $0x15, v18;
	v0 =	vsel vm5, v13, v0;
	v18 =	vld [tilespmem:s5+$0x1680]  }
0x1a7: {  	v42 =	vld [tilespmem:$0x1F9E0];
	vm15 =	vnez.u8 v30;
	v19 =	vsel vm4, $0x16, v19;
	vm4 =	vgt.f32 v15, v0  }
0x1a8: {  	v21 =	vsel vm15, $0x17, v19;
	v0 =	vsel vm4, v15, v0;
	v19 =	vld [tilespmem:s5+$0x1700];
	vm15 =	vnez.u8 v32  }
0x1a9: {  	[tilespmem:$0x1FAD0] =	vst v40;
	v40 =	vld [tilespmem:$0x1F9D0];
	v21 =	vsel vm15, $0x18, v21;
	vm3 =	vgt.f32 v17, v0;
	vm15 =	vnez.u8 v33  }
0x1aa: {  	v22 =	vsel vm15, $0x19, v21;
	v0 =	vsel vm3, v17, v0;
	v21 =	vld [tilespmem:s5+$0x1780];
	vm15 =	vnez.u8 v34  }
0x1ab: {  	v43 =	vld [tilespmem:$0x1F9F0];
	v22 =	vsel vm15, $0x1A, v22;
	vm2 =	vgt.f32 v18, v0;
	vm15 =	vnez.u8 v36  }
0x1ac: {  	v24 =	vsel vm15, $0x1B, v22;
	v0 =	vsel vm2, v18, v0;
	v22 =	vld [tilespmem:s5+$0x1800];
	vm15 =	vnez.u8 v37  }
0x1ad: {  	v24 =	vsel vm15, $0x1C, v24;
	vm1 =	vgt.f32 v19, v0;
	vm15 =	vnez.u8 v38  }
0x1ae: {  	v25 =	vsel vm15, $0x1D, v24;
	v0 =	vsel vm1, v19, v0;
	v24 =	vld [tilespmem:s5+$0x1880];
	vm15 =	vnez.u8 v40  }
0x1af: {  	v25 =	vsel vm15, $0x1E, v25;
	vm0 =	vgt.f32 v21, v0;
	vm15 =	vnez.u8 v42  }
0x1b0: {  	v26 =	vsel vm15, $0x1F, v25;
	v0 =	vsel vm0, v21, v0;
	v25 =	vld [tilespmem:s5+$0x1900];
	vm15 =	vnez.u8 v43  }
0x1b1: {  	v26 =	vsel vm15, $0x20, v26;
	vm15 =	vgt.f32 v22, v0  }
0x1b2: {  	v28 =	vsel vm14, $0x21, v26;
	v0 =	vsel vm15, v22, v0;
	v26 =	vld [tilespmem:s5+$0x1980]  }
0x1b3: {  	v28 =	vsel vm13, $0x22, v28;
	vm13 =	vgt.f32 v24, v0  }
0x1b4: {  	v29 =	vsel vm12, $0x23, v28;
	v0 =	vsel vm13, v24, v0;
	v28 =	vld [tilespmem:s5+$0x1A00]  }
0x1b5: {  	v29 =	vsel vm11, $0x24, v29;
	vm14 =	vgt.f32 v25, v0  }
0x1b6: {  	v30 =	vsel vm10, $0x25, v29;
	v0 =	vsel vm14, v25, v0;
	v29 =	vld [tilespmem:s5+$0x1A80]  }
0x1b7: {  	v30 =	vsel vm9, $0x26, v30;
	vm9 =	vgt.f32 v26, v0  }
0x1b8: {  	v32 =	vsel vm8, $0x27, v30;
	v0 =	vsel vm9, v26, v0;
	v30 =	vld [tilespmem:s5+$0x1B00]  }
0x1b9: {  	v32 =	vsel vm7, $0x28, v32;
	vm7 =	vgt.f32 v28, v0  }
0x1ba: {  	v33 =	vsel vm6, $0x29, v32;
	v0 =	vsel vm7, v28, v0;
	v32 =	vld [tilespmem:s5+$0x1B80]  }
0x1bb: {  	v33 =	vsel vm5, $0x2A, v33;
	vm5 =	vgt.f32 v29, v0  }
0x1bc: {  	v34 =	vsel vm4, $0x2B, v33;
	v0 =	vsel vm5, v29, v0;
	v33 =	vld [tilespmem:s5+$0x1C00]  }
0x1bd: {  	v34 =	vsel vm3, $0x2C, v34;
	vm8 =	vgt.f32 v30, v0  }
0x1be: {  	v36 =	vsel vm2, $0x2D, v34;
	v0 =	vsel vm8, v30, v0;
	v34 =	vld [tilespmem:s5+$0x1C80]  }
0x1bf: {  	v36 =	vsel vm1, $0x2E, v36;
	vm10 =	vgt.f32 v32, v0  }
0x1c0: {  	v37 =	vsel vm0, $0x2F, v36;
	v0 =	vsel vm10, v32, v0;
	v36 =	vld [tilespmem:s5+$0x1D00]  }
0x1c1: {  	v37 =	vsel vm15, $0x30, v37;
	vm12 =	vgt.f32 v33, v0  }
0x1c2: {  	v38 =	vsel vm13, $0x31, v37;
	v0 =	vsel vm12, v33, v0;
	v37 =	vld [tilespmem:s5+$0x1D80]  }
0x1c3: {  	v38 =	vsel vm14, $0x32, v38;
	vm14 =	vgt.f32 v34, v0  }
0x1c4: {  	v40 =	vsel vm9, $0x33, v38;
	v0 =	vsel vm14, v34, v0;
	v38 =	vld [tilespmem:s5+$0x1E00]  }
0x1c5: {  	v40 =	vsel vm7, $0x34, v40;
	vm15 =	vgt.f32 v36, v0  }
0x1c6: {  	v42 =	vsel vm5, $0x35, v40;
	v0 =	vsel vm15, v36, v0;
	v40 =	vld [tilespmem:s5+$0x1E80]  }
0x1c7: {  	v42 =	vsel vm8, $0x36, v42;
	vm8 =	vgt.f32 v37, v0  }
0x1c8: {  	v43 =	vsel vm10, $0x37, v42;
	v0 =	vsel vm8, v37, v0;
	v42 =	vld [tilespmem:s5+$0x1F00]  }
0x1c9: {  	v43 =	vsel vm12, $0x38, v43;
	vm9 =	vgt.f32 v38, v0  }
0x1ca: {  	v1 =	vsel vm14, $0x39, v43;
	v0 =	vsel vm9, v38, v0;
	v43 =	vld [tilespmem:s5+$0x1F80]  }
0x1cb: {  	vm10 =	vgt.f32 v40, v0  }
0x1cc: {  	v1 =	vsel vm15, $0x3A, v1;
	v0 =	vsel vm10, v40, v0  }
0x1cd: {  	v1 =	vsel vm8, $0x3B, v1;
	vm11 =	vgt.f32 v42, v0  }
0x1ce: {  	v1 =	vsel vm9, $0x3C, v1;
	v0 =	vsel vm11, v42, v0  }
0x1cf: {  	v1 =	vsel vm10, $0x3D, v1;
	vm12 =	vgt.f32 v43, v0  }
0x1d0: {  	v1 =	vsel vm11, $0x3E, v1;
	v0 =	vsel vm12, v43, v0  }
0x1d1: {  	[tilespmem:$0x1FC10] =	vst v0;
	v0 =	vsel vm12, $0x3F, v1  }
0x1d2: {  	vm0 =	veq.s32 v0, $0x0;
	vm13 =	veq.s32 v0, $0x1;
	vm14 =	veq.s32 v0, $0x2  }
0x1d3: {  	vm15 =	veq.s32 v0, $0x3;
	vm9 =	veq.s32 v0, $0x4;
	vm4 =	veq.s32 v0, $0x5  }
0x1d4: {  	vm1 =	veq.s32 v0, $0x6;
	vm2 =	veq.s32 v0, $0x8;
	vm3 =	veq.s32 v0, $0x9  }
0x1d5: {  	vm5 =	veq.s32 v0, $0xB;
	vm6 =	veq.s32 v0, $0xC;
	v1 =	vsel vm0, $0xFF800000, v2  }
0x1d6: {  	vm8 =	veq.s32 v0, $0xE;
	v2 =	vsel vm13, $0xFF800000, v3;
	vm0 =	vgt.f32 v1, $-Inf  }
0x1d7: {  	v63 =	vsel vm14, $0xFF800000, v63;
	v61 =	vsel vm9, $0xFF800000, v61;
	v1 =	vnsel vm0, $0xFF800000, v1  }
0x1d8: {  	vm9 =	veq.s32 v0, $0x10;
	vm14 =	veq.s32 v0, $0x15;
	vm11 =	vgt.f32 v2, v1  }
0x1d9: {  	vm0 =	veq.s32 v0, $0x7;
	v1 =	vsel vm11, v2, v1;
	v2 =	vimm.s32 $0x0  }
0x1da: {  	v2 =	vsel vm11, $0x1, v2;
	vm12 =	vgt.f32 v63, v1;
	vm11 =	veq.s32 v0, $0x12  }
0x1db: {  	v1 =	vsel vm12, v63, v1;
	v2 =	vsel vm12, $0x2, v2;
	v63 =	vsel vm15, $0xFF800000, v62  }
0x1dc: {  	vm12 =	veq.s32 v0, $0xF;
	v62 =	vsel vm4, $0xFF800000, v60;
	vm10 =	vgt.f32 v63, v1  }
0x1dd: {  	vm15 =	veq.s32 v0, $0x14;
	v60 =	vimm.s32 $0x0;
	v1 =	vsel vm10, v63, v1  }
0x1de: {  	v2 =	vsel vm10, $0x3, v2;
	vm10 =	veq.s32 v0, $0x11;
	v63 =	vsel vm1, $0xFF800000, v59  }
0x1df: {  	v59 =	vsel vm14, $0xFFFFFFFF, v60;
	vm14 =	veq.s32 v0, $0x17;
	vm13 =	vgt.f32 v61, v1  }
0x1e0: {  	v60 =	vimm.s32 $0x0;
	[tilespmem:$0x1FA00] =	vst v59;
	v59 =	vimm.s32 $0x0;
	v1 =	vsel vm13, v61, v1  }
0x1e1: {  	v2 =	vsel vm13, $0x4, v2;
	vm13 =	veq.s32 v0, $0x13;
	vm4 =	vgt.f32 v62, v1  }
0x1e2: {  	v61 =	vsel vm0, $0xFF800000, v58;
	vm0 =	veq.s32 v0, $0xA;
	v1 =	vsel vm4, v62, v1  }
0x1e3: {  	v2 =	vsel vm4, $0x5, v2;
	vm4 =	veq.s32 v0, $0x16;
	v62 =	vimm.s32 $0x0  }
0x1e4: {  	vm7 =	vgt.f32 v63, v1;
	v58 =	vsel vm4, $0xFFFFFFFF, v62;
	v62 =	vimm.s32 $0x0  }
0x1e5: {  	v1 =	vsel vm7, v63, v1;
	v63 =	vimm.s32 $0x0;
	v2 =	vsel vm7, $0x6, v2  }
0x1e6: {  	[tilespmem:$0x1FA10] =	vst v58;
	vm4 =	vgt.f32 v61, v1;
	v58 =	vsel vm14, $0xFFFFFFFF, v63;
	vm14 =	veq.s32 v0, $0x18  }
0x1e7: {  	v63 =	vimm.s32 $0x0;
	[tilespmem:$0x1FA20] =	vst v58;
	v58 =	vsel vm14, $0xFFFFFFFF, v60;
	v1 =	vsel vm4, v61, v1  }
0x1e8: {  	v61 =	vsel vm2, $0xFF800000, v57;
	vm14 =	veq.s32 v0, $0x19;
	v60 =	vimm.s32 $0x0  }
0x1e9: {  	v2 =	vsel vm4, $0x7, v2;
	v57 =	vsel vm14, $0xFFFFFFFF, v62;
	vm2 =	vgt.f32 v61, v1  }
0x1ea: {  	[tilespmem:$0x1FA30] =	vst v58;
	vm14 =	veq.s32 v0, $0x1A;
	v62 =	vimm.s32 $0x0;
	v58 =	vimm.s32 $0x0  }
0x1eb: {  	[tilespmem:$0x1FA40] =	vst v57;
	v57 =	vsel vm14, $0xFFFFFFFF, v63;
	vm14 =	veq.s32 v0, $0x1B;
	v1 =	vsel vm2, v61, v1  }
0x1ec: {  	v61 =	vsel vm3, $0xFF800000, v56;
	v63 =	vimm.s32 $0x0;
	v2 =	vsel vm2, $0x8, v2  }
0x1ed: {  	[tilespmem:$0x1FA50] =	vst v57;
	v57 =	vsel vm14, $0xFFFFFFFF, v60;
	vm14 =	veq.s32 v0, $0x1C;
	vm3 =	vgt.f32 v61, v1  }
0x1ee: {  	v60 =	vsel vm0, $0xFF800000, v55;
	vm0 =	veq.s32 v0, $0xD;
	v56 =	vsel vm14, $0xFFFFFFFF, v62  }
0x1ef: {  	vm14 =	veq.s32 v0, $0x1D;
	v1 =	vsel vm3, v61, v1;
	v61 =	vimm.s32 $0x0  }
0x1f0: {  	[tilespmem:$0x1FA60] =	vst v57;
	v62 =	vimm.s32 $0x0;
	v57 =	vsel vm5, $0xFF800000, v54;
	vm5 =	veq.s32 v0, $0x21  }
0x1f1: {  	v2 =	vsel vm3, $0x9, v2;
	[tilespmem:$0x1FA70] =	vst v56;
	v56 =	vsel vm14, $0xFFFFFFFF, v63;
	vm14 =	veq.s32 v0, $0x1E  }
0x1f2: {  	vm1 =	vgt.f32 v60, v1;
	v63 =	vimm.s32 $0x0;
	v54 =	vsel vm5, $0xFFFFFFFF, v58  }
0x1f3: {  	v58 =	vimm.s32 $0x0;
	v55 =	vsel vm14, $0xFFFFFFFF, v61;
	vm14 =	veq.s32 v0, $0x1F  }
0x1f4: {  	v1 =	vsel vm1, v60, v1;
	v60 =	vimm.s32 $0x0;
	v61 =	vsel vm6, $0xFF800000, v53  }
0x1f5: {  	[tilespmem:$0x1FA80] =	vst v56;
	vm6 =	veq.s32 v0, $0x24;
	v56 =	vsel vm0, $0xFF800000, v52;
	v2 =	vsel vm1, $0xA, v2  }
0x1f6: {  	[tilespmem:$0x1FA90] =	vst v55;
	v55 =	vsel vm14, $0xFFFFFFFF, v62;
	vm14 =	veq.s32 v0, $0x20;
	vm5 =	vgt.f32 v57, v1  }
0x1f7: {  	v62 =	vimm.s32 $0x0;
	[tilespmem:$0x1FAA0] =	vst v55;
	v55 =	vsel vm14, $0xFFFFFFFF, v63;
	vm14 =	veq.s32 v0, $0x22  }
0x1f8: {  	v1 =	vsel vm5, v57, v1;
	v53 =	vsel vm6, $0xFFFFFFFF, v62;
	v63 =	vimm.s32 $0x0  }
0x1f9: {  	v57 =	vimm.s32 $0x0;
	v62 =	vimm.s32 $0x0;
	v2 =	vsel vm5, $0xB, v2  }
0x1fa: {  	[tilespmem:$0x1FAC0] =	vst v54;
	vm5 =	veq.s32 v0, $0x31;
	v54 =	vsel vm14, $0xFFFFFFFF, v59;
	vm14 =	veq.s32 v0, $0x23  }
0x1fb: {  	[tilespmem:$0x1FAB0] =	vst v55;
	vm6 =	vgt.f32 v61, v1;
	v59 =	vimm.s32 $0x0;
	v55 =	vsel vm11, $0xFF800000, v46  }
0x1fc: {  	[tilespmem:$0x1FAE0] =	vst v54;
	v54 =	vsel vm14, $0xFFFFFFFF, v60;
	vm14 =	veq.s32 v0, $0x25;
	v1 =	vsel vm6, v61, v1  }
0x1fd: {  	v60 =	vsel vm8, $0xFF800000, v51;
	v61 =	vsel vm12, $0xFF800000, v50;
	vm8 =	veq.s32 v0, $0x2A  }
0x1fe: {  	[tilespmem:$0x1FB10] =	vst v53;
	v2 =	vsel vm6, $0xC, v2;
	vm6 =	veq.s32 v0, $0x2C;
	v53 =	vsel vm14, $0xFFFFFFFF, v63  }
0x1ff: {  	vm14 =	veq.s32 v0, $0x26;
	vm0 =	vgt.f32 v56, v1;
	v50 =	vsel vm8, $0xFFFFFFFF, v62  }
0x200: {  	[tilespmem:$0x1FB00] =	vst v54;
	v63 =	vsel vm9, $0xFF800000, v49;
	vm9 =	veq.s32 v0, $0x2B;
	v54 =	vimm.s32 $0x0  }
0x201: {  	vm8 =	veq.s32 v0, $0x2D;
	v52 =	vsel vm14, $0xFFFFFFFF, v57;
	vm14 =	veq.s32 v0, $0x27  }
0x202: {  	[tilespmem:$0x1FB20] =	vst v53;
	v1 =	vsel vm0, v56, v1;
	v53 =	vsel vm10, $0xFF800000, v48;
	v2 =	vsel vm0, $0xD, v2  }
0x203: {  	v48 =	vsel vm6, $0xFFFFFFFF, v54;
	v56 =	vimm.s32 $0x0;
	v57 =	vsel vm13, $0xFF800000, v45  }
0x204: {  	[tilespmem:$0x1FB60] =	vst v50;
	vm10 =	veq.s32 v0, $0x2E;
	vm13 =	veq.s32 v0, $0x30;
	v50 =	vimm.s32 $0x0  }
0x205: {  	[tilespmem:$0x1FB30] =	vst v52;
	v52 =	vsel vm14, $0xFFFFFFFF, v58;
	vm14 =	veq.s32 v0, $0x28;
	vm4 =	vgt.f32 v60, v1  }
0x206: {  	[tilespmem:$0x1FB80] =	vst v48;
	v46 =	vsel vm8, $0xFFFFFFFF, v56;
	v58 =	vimm.s32 $0x0;
	vm8 =	veq.s32 v0, $0x33  }
0x207: {  	v48 =	vimm.s32 $0x0;
	[tilespmem:$0x1FB40] =	vst v52;
	v52 =	vsel vm14, $0xFFFFFFFF, v59;
	vm14 =	veq.s32 v0, $0x29  }
0x208: {  	v62 =	vld [tilespmem:$0x1FA10];
	v1 =	vsel vm4, v60, v1;
	v2 =	vsel vm4, $0xE, v2;
	v45 =	vsel vm10, $0xFFFFFFFF, v58  }
0x209: {  	v56 =	vld [tilespmem:$0x1FA80];
	v59 =	vsel vm15, $0xFF800000, v44;
	vm15 =	veq.s32 v0, $0x2F;
	vm7 =	vgt.f32 v61, v1  }
0x20a: {  	[tilespmem:$0x1FB90] =	vst v46;
	v60 =	vld [tilespmem:$0x1FA00];
	v44 =	vimm.s32 $0x0;
	vm10 =	veq.s32 v0, $0x34;
	v1 =	vsel vm7, v61, v1  }
0x20b: {  	v46 =	vimm.s32 $0x0;
	[tilespmem:$0x1FB50] =	vst v52;
	v52 =	vimm.s32 $0x0;
	vm1 =	vgt.f32 v63, v1  }
0x20c: {  	v49 =	vsel vm9, $0xFFFFFFFF, v52;
	v2 =	vsel vm7, $0xF, v2;
	v1 =	vsel vm1, v63, v1  }
0x20d: {  	v51 =	vld [tilespmem:$0x1FA40];
	v61 =	vimm.s32 $0x0;
	vm6 =	vnez.u8 v62;
	vm12 =	vgt.f32 v53, v1  }
0x20e: {  	[tilespmem:$0x1FB70] =	vst v49;
	v49 =	vld [tilespmem:$0x1FA30];
	v2 =	vsel vm1, $0x10, v2;
	v63 =	vimm.s32 $0x0;
	v1 =	vsel vm12, v53, v1  }
0x20f: {  	[tilespmem:$0x1FBA0] =	vst v45;
	v45 =	vld [tilespmem:$0x1FA20];
	vm3 =	vnez.u8 v56;
	vm4 =	vnez.u8 v60;
	vm7 =	vgt.f32 v55, v1  }
0x210: {  	v2 =	vsel vm12, $0x11, v2;
	v3 =	vsel vm4, $0xFF800000, v41;
	v1 =	vsel vm7, v55, v1  }
0x211: {  	v41 =	vsel vm5, $0xFFFFFFFF, v61;
	vm4 =	veq.s32 v0, $0x36;
	vm9 =	vgt.f32 v57, v1  }
0x212: {  	v52 =	vld [tilespmem:$0x1FA50];
	vm5 =	vnez.u8 v51;
	v2 =	vsel vm7, $0x12, v2;
	v1 =	vsel vm9, v57, v1  }
0x213: {  	v53 =	vld [tilespmem:$0x1FA60];
	vm7 =	veq.s32 v0, $0x32;
	vm12 =	vnez.u8 v49;
	vm11 =	vgt.f32 v59, v1  }
0x214: {  	v2 =	vsel vm9, $0x13, v2;
	vm9 =	vnez.u8 v45;
	v1 =	vsel vm11, v59, v1  }
0x215: {  	v2 =	vsel vm11, $0x14, v2;
	vm11 =	veq.s32 v0, $0x35;
	vm0 =	vgt.f32 v3, v1  }
0x216: {  	v1 =	vsel vm0, v3, v1;
	v2 =	vsel vm0, $0x15, v2;
	v3 =	vsel vm6, $0xFF800000, v39  }
0x217: {  	v39 =	vsel vm7, $0xFFFFFFFF, v63;
	vm6 =	vnez.u8 v52;
	vm0 =	vgt.f32 v3, v1  }
0x218: {  	vm7 =	vnez.u8 v53;
	v1 =	vsel vm0, v3, v1;
	v3 =	vsel vm9, $0xFF800000, v35  }
0x219: {  	[tilespmem:$0x1FBC0] =	vst v39;
	v39 =	vsel vm8, $0xFFFFFFFF, v44;
	v2 =	vsel vm0, $0x16, v2;
	vm0 =	vgt.f32 v3, v1  }
0x21a: {  	vm8 =	veq.s32 v0, $0x3B;
	v1 =	vsel vm0, v3, v1;
	v3 =	vsel vm12, $0xFF800000, v31  }
0x21b: {  	v35 =	vsel vm10, $0xFFFFFFFF, v46;
	v2 =	vsel vm0, $0x17, v2;
	vm0 =	vgt.f32 v3, v1  }
0x21c: {  	v54 =	vld [tilespmem:$0x1FA70];
	vm9 =	veq.s32 v0, $0x39;
	v1 =	vsel vm0, v3, v1;
	v3 =	vsel vm5, $0xFF800000, v27  }
0x21d: {  	vm10 =	veq.s32 v0, $0x3A;
	v2 =	vsel vm0, $0x18, v2;
	vm0 =	vgt.f32 v3, v1  }
0x21e: {  	[tilespmem:$0x1FBE0] =	vst v35;
	v35 =	vsel vm11, $0xFFFFFFFF, v48;
	v1 =	vsel vm0, v3, v1;
	v3 =	vsel vm6, $0xFF800000, v23  }
0x21f: {  	vm11 =	veq.s32 v0, $0x37;
	v2 =	vsel vm0, $0x19, v2;
	vm0 =	vgt.f32 v3, v1  }
0x220: {  	v57 =	vld [tilespmem:$0x1FA90];
	v31 =	vsel vm4, $0xFFFFFFFF, v50;
	v1 =	vsel vm0, v3, v1;
	v3 =	vsel vm7, $0xFF800000, v20  }
0x221: {  	vm12 =	veq.s32 v0, $0x38;
	vm4 =	vnez.u8 v54;
	vm1 =	vgt.f32 v3, v1  }
0x222: {  	v58 =	vld [tilespmem:$0x1FAA0];
	vm5 =	veq.s32 v0, $0x3E;
	v1 =	vsel vm1, v3, v1;
	v3 =	vsel vm4, $0xFF800000, v16  }
0x223: {  	vm6 =	veq.s32 v0, $0x3D;
	vm7 =	veq.s32 v0, $0x3C;
	vm2 =	vgt.f32 v3, v1  }
0x224: {  	v59 =	vld [tilespmem:$0x1FAB0];
	v2 =	vsel vm0, $0x1A, v2;
	v55 =	vsel vm2, v3, v1;
	v1 =	vsel vm3, $0xFF800000, v14  }
0x225: {  	vm0 =	vnez.u8 v57;
	vm4 =	veq.s32 v0, $0x3F;
	vm3 =	vgt.f32 v1, v55  }
0x226: {  	[tilespmem:$0x2000] =	vst v0;
	v2 =	vsel vm1, $0x1B, v2;
	v0 =	vsel vm3, v1, v55;
	v1 =	vsel vm0, $0xFF800000, v11  }
0x227: {  	v61 =	vld [tilespmem:$0x1FAC0];
	vm1 =	vnez.u8 v58;
	v2 =	vsel vm2, $0x1C, v2;
	vm0 =	vgt.f32 v1, v0  }
0x228: {  	v2 =	vsel vm3, $0x1D, v2;
	v0 =	vsel vm0, v1, v0;
	v1 =	vsel vm1, $0xFF800000, v9  }
0x229: {  	v2 =	vsel vm0, $0x1E, v2;
	vm0 =	vnez.u8 v59;
	vm1 =	vgt.f32 v1, v0  }
0x22a: {  	v63 =	vld [tilespmem:$0x1FAE0];
	v0 =	vsel vm1, v1, v0;
	v1 =	vsel vm0, $0xFF800000, v6  }
0x22b: {  	v62 =	vld [tilespmem:$0x1FAD0];
	v2 =	vsel vm1, $0x1F, v2;
	vm0 =	vgt.f32 v1, v0  }
0x22c: {  	v9 =	vld [tilespmem:$0x1FB00];
	v0 =	vsel vm0, v1, v0;
	v60 =	vsel vm0, $0x20, v2;
	vm0 =	vnez.u8 v61  }
0x22d: {  	v6 =	vld [tilespmem:$0x1FAF0];
	v2 =	vsel vm0, $0xFF800000, v47  }
0x22e: {  	vm0 =	vgt.f32 v2, v0  }
0x22f: {  	v11 =	vld [tilespmem:$0x1FB10];
	v0 =	vsel vm0, v2, v0;
	v1 =	vsel vm0, $0x21, v60;
	vm0 =	vnez.u8 v63  }
0x230: {  	v2 =	vsel vm0, $0xFF800000, v62  }
0x231: {  	vm1 =	vnez.u8 v9;
	vm0 =	vgt.f32 v2, v0  }
0x232: {  	v14 =	vld [tilespmem:$0x1FB20];
	v0 =	vsel vm0, v2, v0;
	v2 =	vsel vm1, $0xFF800000, v6  }
0x233: {  	v1 =	vsel vm0, $0x22, v1;
	vm0 =	vgt.f32 v2, v0  }
0x234: {  	v0 =	vsel vm0, v2, v0;
	v1 =	vsel vm0, $0x23, v1;
	vm0 =	vnez.u8 v11  }
0x235: {  	v16 =	vld [tilespmem:$0x1FB30];
	v2 =	vsel vm0, $0xFF800000, v4  }
0x236: {  	vm0 =	vgt.f32 v2, v0  }
0x237: {  	v0 =	vsel vm0, v2, v0;
	v1 =	vsel vm0, $0x24, v1;
	vm0 =	vnez.u8 v14  }
0x238: {  	v20 =	vld [tilespmem:$0x1FB40];
	v2 =	vsel vm0, $0xFF800000, v5  }
0x239: {  	vm0 =	vgt.f32 v2, v0  }
0x23a: {  	v23 =	vld [tilespmem:$0x1FB50];
	v0 =	vsel vm0, v2, v0;
	v1 =	vsel vm0, $0x25, v1;
	vm0 =	vnez.u8 v16  }
0x23b: {  	v2 =	vsel vm0, $0xFF800000, v7  }
0x23c: {  	vm0 =	vgt.f32 v2, v0  }
0x23d: {  	v0 =	vsel vm0, v2, v0;
	v1 =	vsel vm0, $0x26, v1;
	vm0 =	vnez.u8 v20  }
0x23e: {  	v2 =	vsel vm0, $0xFF800000, v8  }
0x23f: {  	[tilespmem:$0x1FC00] =	vst v31;
	v31 =	vld [tilespmem:$0x1FB60];
	vm1 =	vnez.u8 v23;
	vm0 =	vgt.f32 v2, v0  }
0x240: {  	v0 =	vsel vm0, v2, v0;
	v2 =	vsel vm1, $0xFF800000, v10  }
0x241: {  	[tilespmem:$0x1FBF0] =	vst v35;
	v35 =	vld [tilespmem:$0x1FB70];
	vm1 =	vgt.f32 v2, v0  }
0x242: {  	v27 =	vsel vm14, $0xFF800000, v12;
	v1 =	vsel vm0, $0x27, v1;
	v0 =	vsel vm1, v2, v0  }
0x243: {  	[tilespmem:$0x1FBD0] =	vst v39;
	v39 =	vld [tilespmem:$0x1FB80];
	v1 =	vsel vm1, $0x28, v1;
	vm14 =	vgt.f32 v27, v0  }
0x244: {  	v0 =	vsel vm14, v27, v0;
	v1 =	vsel vm14, $0x29, v1;
	vm14 =	vnez.u8 v31  }
0x245: {  	[tilespmem:$0x1FBB0] =	vst v41;
	v41 =	vld [tilespmem:$0x1FB90];
	v2 =	vsel vm14, $0xFF800000, v13  }
0x246: {  	vm14 =	vnez.u8 v35;
	vm0 =	vgt.f32 v2, v0  }
0x247: {  	v0 =	vsel vm0, v2, v0;
	v2 =	vsel vm14, $0xFF800000, v15  }
0x248: {  	v44 =	vld [tilespmem:$0x1FBA0];
	v1 =	vsel vm0, $0x2A, v1;
	vm14 =	vnez.u8 v39;
	vm0 =	vgt.f32 v2, v0  }
0x249: {  	v0 =	vsel vm0, v2, v0;
	v2 =	vsel vm14, $0xFF800000, v17  }
0x24a: {  	v1 =	vsel vm0, $0x2B, v1;
	vm14 =	vnez.u8 v41;
	vm0 =	vgt.f32 v2, v0  }
0x24b: {  	v0 =	vsel vm0, v2, v0;
	v2 =	vsel vm14, $0xFF800000, v18  }
0x24c: {  	v1 =	vsel vm0, $0x2C, v1;
	vm14 =	vgt.f32 v2, v0  }
0x24d: {  	v0 =	vsel vm14, v2, v0;
	v1 =	vsel vm14, $0x2D, v1;
	vm14 =	vnez.u8 v44  }
0x24e: {  	v47 =	vld [tilespmem:$0x1FBB0];
	v2 =	vsel vm14, $0xFF800000, v19  }
0x24f: {  	vm0 =	vgt.f32 v2, v0  }
0x250: {  	v45 =	vsel vm15, $0xFF800000, v21;
	v48 =	vld [tilespmem:$0x1FBC0];
	v0 =	vsel vm0, v2, v0  }
0x251: {  	vm15 =	vgt.f32 v45, v0  }
0x252: {  	v46 =	vsel vm13, $0xFF800000, v22;
	v49 =	vld [tilespmem:$0x1FBD0];
	v1 =	vsel vm0, $0x2E, v1;
	v0 =	vsel vm15, v45, v0  }
0x253: {  	v1 =	vsel vm15, $0x2F, v1;
	vm15 =	vnez.u8 v47;
	vm14 =	vgt.f32 v46, v0  }
0x254: {  	v50 =	vld [tilespmem:$0x1FBE0];
	v2 =	vsel vm15, $0xFF800000, v24;
	v0 =	vsel vm14, v46, v0  }
0x255: {  	vm13 =	vnez.u8 v48;
	vm0 =	vgt.f32 v2, v0  }
0x256: {  	v51 =	vld [tilespmem:$0x1FBF0];
	v0 =	vsel vm0, v2, v0;
	v2 =	vsel vm13, $0xFF800000, v25  }
0x257: {  	vm15 =	vnez.u8 v49;
	v1 =	vsel vm14, $0x30, v1;
	vm14 =	vgt.f32 v2, v0  }
0x258: {  	v52 =	vld [tilespmem:$0x1FC00];
	v0 =	vsel vm14, v2, v0;
	v2 =	vsel vm15, $0xFF800000, v26  }
0x259: {  	v1 =	vsel vm0, $0x31, v1;
	vm13 =	vnez.u8 v50;
	vm0 =	vgt.f32 v2, v0  }
0x25a: {  	v1 =	vsel vm14, $0x32, v1;
	v0 =	vsel vm0, v2, v0;
	v2 =	vsel vm13, $0xFF800000, v28  }
0x25b: {  	vm14 =	vnez.u8 v51;
	v1 =	vsel vm0, $0x33, v1;
	vm0 =	vgt.f32 v2, v0  }
0x25c: {  	v0 =	vsel vm0, v2, v0;
	v2 =	vsel vm14, $0xFF800000, v29  }
0x25d: {  	vm13 =	vnez.u8 v52;
	vm15 =	vgt.f32 v2, v0  }
0x25e: {  	v0 =	vsel vm15, v2, v0;
	v2 =	vsel vm13, $0xFF800000, v30  }
0x25f: {  	v1 =	vsel vm0, $0x34, v1;
	vm0 =	vgt.f32 v2, v0  }
0x260: {  	v53 =	vsel vm11, $0xFF800000, v32;
	v0 =	vsel vm0, v2, v0  }
0x261: {  	vm14 =	vgt.f32 v53, v0  }
0x262: {  	v54 =	vsel vm12, $0xFF800000, v33;
	v0 =	vsel vm14, v53, v0  }
0x263: {  	v1 =	vsel vm15, $0x35, v1;
	vm15 =	vgt.f32 v54, v0  }
0x264: {  	v55 =	vsel vm9, $0xFF800000, v34;
	v0 =	vsel vm15, v54, v0  }
0x265: {  	vm9 =	vgt.f32 v55, v0  }
0x266: {  	v56 =	vsel vm10, $0xFF800000, v36;
	v0 =	vsel vm9, v55, v0  }
0x267: {  	vm10 =	vgt.f32 v56, v0  }
0x268: {  	v57 =	vsel vm8, $0xFF800000, v37;
	v0 =	vsel vm10, v56, v0  }
0x269: {  	vm11 =	vgt.f32 v57, v0  }
0x26a: {  	v58 =	vsel vm7, $0xFF800000, v38;
	v0 =	vsel vm11, v57, v0  }
0x26b: {  	vm12 =	vgt.f32 v58, v0  }
0x26c: {  	v59 =	vsel vm6, $0xFF800000, v40;
	v0 =	vsel vm12, v58, v0  }
0x26d: {  	vm13 =	vgt.f32 v59, v0  }
0x26e: {  	v60 =	vsel vm5, $0xFF800000, v42;
	v62 =	vld [tilespmem:$0x1FC10];
	v1 =	vsel vm0, $0x36, v1;
	v0 =	vsel vm13, v59, v0  }
0x26f: {  	v1 =	vsel vm14, $0x37, v1;
	vm14 =	vgt.f32 v60, v0  }
0x270: {  	v61 =	vsel vm4, $0xFF800000, v43;
	v0 =	vsel vm14, v60, v0  }
0x271: {  	v1 =	vsel vm15, $0x38, v1;
	vm15 =	vgt.f32 v61, v0  }
0x272: {  	v0 =	vsel vm15, v61, v0  }
0x273: {  	v0 =	vsub.f32 v0, v62;
	_ =	sdelay $0x1  }
0x274: {  	v0 =	vmul.f32 $1.442695020e+00, v0;
	_ =	sdelay $0x1  }
0x275: {  	(erf) = vpow2.f32 v0;
	_ =	sdelay $0x8  }
0x276: {  	v0 =	vpop (erf)  }
0x277: {  	v63 =	vadd.f32 $1.000000000e+00, v0;
	_ =	sdelay $0x1  }
0x278: {  	v1 =	vsel vm9, $0x39, v1;
	(erf) = vrcp.f32 v63  }
0x279: {  	v1 =	vsel vm10, $0x3A, v1  }
0x27a: {  	v1 =	vsel vm11, $0x3B, v1  }
0x27b: {  	v1 =	vsel vm12, $0x3C, v1  }
0x27c: {  	v1 =	vsel vm13, $0x3D, v1  }
0x27d: {  	v1 =	vsel vm14, $0x3E, v1  }
0x27e: {  	v1 =	vsel vm15, $0x3F, v1;
	_ =	sdelay $0x2  }
0x27f: {  	[tilespmem:$0x2080] =	vst v1;
	v1 =	vpop (erf)  }
0x280: {  	v0 =	vmul.f32 v1, v0  }
0x281: {  	[tilespmem:$0x2100] =	vst v1  }
0x282: {  	[tilespmem:$0x2180] =	vst v0  }
0x283: {  	[hbm4b:s6+s3] =	stream.linear.scatter [tilespmem:s8], [sflag:$0x2], $0x10, $0x38;
	[tilespmem:$0x2200] =	vst v63  }
0x284: {  	_ =	swait.ge [sflag:s7], $0x10  }
0x285: {  	[sflag:s7] =	ssyncset.done $0x0  }
0x286: {  	[sflag:s7] =	ssyncadd.s32 $0xFFFFFFF0  }
0x287: {  	[hbm4b:s9+s3] =	stream.linear.scatter [tilespmem:s10], [sflag:$0x2], $0x10, $0x38;
	[tilespmem:$0x2200] =	vst v63  }
0x288: {  	_ =	swait.ge [sflag:s7], $0x10  }
0x289: {  	[sflag:s7] =	ssyncset.done $0x0  }
0x28a: {  	[sflag:s7] =	ssyncadd.s32 $0xFFFFFFF0  }
0x28b: {  	[hbm4b:s11+s3] =	stream.linear.scatter [tilespmem:s12], [sflag:$0x2], $0x10, $0x38;
	[tilespmem:$0x2200] =	vst v63  }
0x28c: {  	p0 =	sne.s32 s15, $0x1;
	_ =	swait.ge [sflag:s7], $0x10  }
.Ltmp2:
0x28d: {  	[sflag:s7] =	ssyncset.done $0x0;
	(pc) =	sbr.rel @p0 .LBB2_2-.Ltmp2, $4  }
0x28e: {  	[sflag:s7] =	ssyncadd.s32 $0xFFFFFFF0  }
0x28f: {  	[hbm4b:s13+s3] =	stream.linear.scatter [tilespmem:s14], [sflag:$0x2], $0x10, $0x38;
	[tilespmem:$0x2200] =	vst v63  }
0x290: {  	_ =	swait.ge [sflag:s7], $0x10  }
0x291: {  	s15 =	sadd.s32 $0xFFFFFFFF, s15;
	[sflag:s7] =	ssyncset.done $0x0  }
.LBB2_3:
0x292: {  	[sflag:s7] =	ssyncadd.s32 $0xFFFFFFF0  }
.LBB2_4:
0x293: {  	_ =	sfence.sel $0x180000  }
0x294: {  	[bflag:$0x0] =	sbarrier.arrive $0xFFFF  }
0x295: {  	p0 =	sne.s32 s1, $0x0;
	_ =	strace $0x90000047  }
0x296: {  	s0 =	sadd.s32 @!p0 $0x100000, s0;
	[bflag:$0x2] =	sbarrier.arrive $0xFFFF  }
0x297: {  	[sflag:s0] =	ssyncadd.tile.s32 @!p0 $0x1;
	_ =	shalt  }
.Lfunc_end2:
_tile_overlayer_lowered:
.L_overlay_start_2:
0x298: {  	(tag) =	ssettag $0x2  }
0x299: {  	s0 =	rddreg [dreg:$0x0];
	s2 =	stileid.u32  }
0x29a: {  	s1 =	rddreg [dreg:$0x1];
	p0 =	sne.s32 s2, $0x0  }
0x29b: {  	s3 =	rddreg [dreg:$0x2];
	[bflag:$0x3] =	sbarrier.arrive $0xFFFF;
	s2 =	simm.s32 @!p0 $0x1C02  }
0x29c: {  	[timem:s3], [sflag:s2] =	dma.local @!p0 [hbm:s0], s1  }
0x29d: {  	s0 =	simm.s32 @!p0 $0x2  }
0x29e: {  	_ =	swait.ge @!p0 [sflag:s0], s1  }
0x29f: {  	s1 =	ssub.s32 @!p0 $0x0, s1;
	[sflag:s0] =	ssyncset.done @!p0 $0x0  }
0x2a0: {  	[sflag:s0] =	ssyncadd.s32 @!p0 s1  }
0x2a1: {  	[bflag:$0x3] =	sbarrier.arrive $0xFFFF  }
0x2a2: {  	_ =	shalt  }

</sc_bundles>
